<compile_context>
chip_gen: v7x
topology: tpu7x:2x2x1
jax: 0.10.2.dev20260603
libtpu: 0.0.44.dev20260713+nightly
codegen_flags: <defaults>
</compile_context>

<pallas_src>
import jax
import jax.numpy as jnp
from jax import lax
from jax.experimental import pallas as pl
from jax.experimental.pallas import tpu as pltpu
from jax.experimental.pallas import tpu_sc as plsc

N = 10000
E = 320000
D = 128
DH = D // 2
D_OUT = 40

NC = 2
NS = 16
EPT = E // NS
K = 80
NB = EPT // K
NA = 10240
NPT = NA // NS
DEG_W = 16
EPW = E // (NC * NS)

BM = 400



def _deg_body(edge, outp, ones_v, idx0, idx1, zbuf, acc, semi0, semi1):
    c = lax.axis_index("c")
    s = lax.axis_index("s")
    wid = c * NS + s

    def fill(i, carry):
        ones_v[i, :] = jnp.ones((DEG_W,), jnp.float32)
        zbuf[i, :] = jnp.zeros((DEG_W,), jnp.float32)
        return carry

    lax.fori_loop(0, NPT, fill, 0)
    pltpu.sync_copy(zbuf, acc.at[pl.ds(s * NPT, NPT)])
    plsc.subcore_barrier()

    base = wid * EPW
    KD = 40
    NBD = EPW // KD
    idxs = (idx0, idx1)
    semis = (semi0, semi1)

    def idx_start(b, j):
        pltpu.async_copy(edge.at[pl.ds(E + base + b * KD, KD)], idxs[j], semis[j])

    def idx_wait(j):
        pltpu.make_async_copy(edge.at[pl.ds(E + base, KD)], idxs[j], semis[j]).wait()

    idx_start(0, 0)

    def body(g, carry):
        for j in (0, 1):
            b = g * 2 + j

            @pl.when(b + 1 < NBD)
            def _():
                idx_start(b + 1, 1 - j)

            idx_wait(j)
            pltpu.sync_copy(ones_v.at[pl.ds(0, KD)], acc.at[idxs[j]], add=True)
        return carry

    lax.fori_loop(0, NBD // 2, body, 0)
    plsc.subcore_barrier()
    pltpu.sync_copy(acc.at[pl.ds(s * NPT, NPT)], outp.at[c, pl.ds(s * NPT, NPT)])


def _deg_call(edge_ravel):
    mesh = plsc.VectorSubcoreMesh(core_axis_name="c", subcore_axis_name="s")
    f = pl.kernel(
        _deg_body,
        compiler_params=pltpu.CompilerParams(use_tc_tiling_on_sc=False),
        out_type=jax.ShapeDtypeStruct((NC, NA, DEG_W), jnp.float32),
        mesh=mesh,
        scratch_types=[
            pltpu.VMEM((NPT, DEG_W), jnp.float32),
            pltpu.VMEM((40,), jnp.int32),
            pltpu.VMEM((40,), jnp.int32),
            pltpu.VMEM((NPT, DEG_W), jnp.float32),
            pltpu.VMEM_SHARED((NA, DEG_W), jnp.float32),
            pltpu.SemaphoreType.DMA,
            pltpu.SemaphoreType.DMA,
        ],
    )
    return f(edge_ravel)


def _agg_body(hp, edge, outp, src0, src1, src2, src3, dst0, dst1, dst2, dst3,
              rows0, rows1, rows2, rows3, zbuf, acc,
              sems0, sems1, sems2, sems3, semd0, semd1, semd2, semd3,
              semg0, semg1, semg2, semg3, semw0, semw1, semw2, semw3):
    c = lax.axis_index("c")
    s = lax.axis_index("s")

    ZR = 128

    def zf(i, carry):
        for j in range(DH // 16):
            zbuf[i, pl.ds(j * 16, 16)] = jnp.zeros((16,), jnp.float32)
        return carry

    lax.fori_loop(0, ZR, zf, 0)
    for j in range(NPT // ZR):
        pltpu.sync_copy(zbuf, acc.at[pl.ds(s * NPT + j * ZR, ZR)])
    plsc.subcore_barrier()

    base = s * EPT
    table = hp.at[c]
    srcs = (src0, src1, src2, src3)
    dsts = (dst0, dst1, dst2, dst3)
    rows = (rows0, rows1, rows2, rows3)
    semss = (sems0, sems1, sems2, sems3)
    semds = (semd0, semd1, semd2, semd3)
    semgs = (semg0, semg1, semg2, semg3)
    semws = (semw0, semw1, semw2, semw3)

    def src_start(b, j):
        pltpu.async_copy(edge.at[pl.ds(base + b * K, K)], srcs[j], semss[j])

    def src_wait(j):
        pltpu.make_async_copy(edge.at[pl.ds(base, K)], srcs[j], semss[j]).wait()

    def dst_start(b, j):
        pltpu.async_copy(edge.at[pl.ds(E + base + b * K, K)], dsts[j], semds[j])

    def dst_wait(j):
        pltpu.make_async_copy(edge.at[pl.ds(base, K)], dsts[j], semds[j]).wait()

    def gather_start(j):
        pltpu.async_copy(table.at[srcs[j]], rows[j], semgs[j])

    def gather_wait(j):
        pltpu.make_async_copy(table.at[srcs[j]], rows[j], semgs[j]).wait()

    def scatter_start(j):
        pltpu.async_copy(rows[j], acc.at[dsts[j]], semws[j], add=True)

    def scatter_wait(j):
        pltpu.make_async_copy(rows[j], acc.at[dsts[j]], semws[j]).wait()

    for j in range(4):
        src_start(j, j)
    dst_start(0, 0)
    dst_start(1, 1)
    src_wait(0)
    gather_start(0)
    src_wait(1)
    gather_start(1)

    NBP = NB + 2

    def body(g, carry):
        for j in range(4):
            b = g * 4 + j

            @pl.when(b < NB)
            def _():
                gather_wait(j)
                dst_wait(j)
                scatter_start(j)

            @pl.when(b + 2 < NB)
            def _():
                j2 = (j + 2) % 4

                @pl.when(b >= 2)
                def _():
                    scatter_wait(j2)

                dst_start(b + 2, j2)
                src_wait(j2)
                gather_start(j2)

            @pl.when(b + 4 < NB)
            def _():
                src_start(b + 4, j)

        return carry

    lax.fori_loop(0, NBP // 4, body, 0)
    for j in range(4):
        scatter_wait(j)
    plsc.subcore_barrier()
    pltpu.sync_copy(acc.at[pl.ds(s * NPT, NPT)], outp.at[c, pl.ds(s * NPT, NPT)])


def _agg_call(hp, edge_ravel):
    mesh = plsc.VectorSubcoreMesh(core_axis_name="c", subcore_axis_name="s")
    f = pl.kernel(
        _agg_body,
        compiler_params=pltpu.CompilerParams(use_tc_tiling_on_sc=False),
        out_type=jax.ShapeDtypeStruct((NC, NA, DH), jnp.float32),
        mesh=mesh,
        scratch_types=(
            [pltpu.VMEM((K,), jnp.int32) for _ in range(8)]
            + [pltpu.VMEM((K, DH), jnp.float32) for _ in range(4)]
            + [pltpu.VMEM((128, DH), jnp.float32),
               pltpu.VMEM_SHARED((NA, DH), jnp.float32)]
            + [pltpu.SemaphoreType.DMA for _ in range(16)]
        ),
    )
    return f(hp, edge_ravel)



def _dinv(degp_ref):
    dd = degp_ref[0] + degp_ref[1]
    return lax.rsqrt(dd[:, 0:1] + 1.0)


def _pre_body(x_ref, w_ref, degp_ref, out_ref):
    h = jnp.dot(x_ref[...], w_ref[...], preferred_element_type=jnp.float32)
    h = h * _dinv(degp_ref)
    out_ref[0] = h[:, :DH]
    out_ref[1] = h[:, DH:]


def _mid_body(p_ref, hp_ref, degp_ref, w_ref, a_ref, bc_ref, x1_ref, hp2_ref):
    dinv = _dinv(degp_ref)
    agg = jnp.concatenate([p_ref[0] + hp_ref[0], p_ref[1] + hp_ref[1]], axis=1)
    x1 = jnp.maximum(agg * dinv * a_ref[...] + bc_ref[...], 0.0)
    x1_ref[...] = x1
    h2 = jnp.dot(x1, w_ref[...], preferred_element_type=jnp.float32) * dinv
    hp2_ref[0] = h2[:, :DH]
    hp2_ref[1] = h2[:, DH:]


def _fin_body(q_ref, hp2_ref, degp_ref, x0_ref, x1_ref, wfc_ref, a_ref, bc_ref,
              bfc_ref, out_ref):
    dinv = _dinv(degp_ref)
    agg = jnp.concatenate([q_ref[0] + hp2_ref[0], q_ref[1] + hp2_ref[1]], axis=1)
    x2 = jnp.maximum(agg * dinv * a_ref[...] + bc_ref[...], 0.0)
    acc = jnp.dot(x0_ref[...], wfc_ref[0:D], preferred_element_type=jnp.float32)
    acc += jnp.dot(x1_ref[...], wfc_ref[D:2 * D], preferred_element_type=jnp.float32)
    acc += jnp.dot(x2, wfc_ref[2 * D:3 * D], preferred_element_type=jnp.float32)
    out_ref[...] = acc + bfc_ref[...]


def _row_spec(width):
    return pl.BlockSpec((BM, width), lambda i: (i, 0))


def _full_spec(shape):
    nd = len(shape)
    return pl.BlockSpec(shape, lambda i: (0,) * nd)


def _half_spec():
    return pl.BlockSpec((NC, BM, DH), lambda i: (0, i, 0))


def _pre_call(x, w, degp):
    return pl.pallas_call(
        _pre_body,
        grid=(N // BM,),
        in_specs=[_row_spec(D), _full_spec((D, D)),
                  pl.BlockSpec((NC, BM, DEG_W), lambda i: (0, i, 0))],
        out_specs=_half_spec(),
        out_shape=jax.ShapeDtypeStruct((NC, N, DH), jnp.float32),
    )(x, w, degp)


def _mid_call(p, hp, degp, w, a, bc):
    return pl.pallas_call(
        _mid_body,
        grid=(N // BM,),
        in_specs=[_half_spec(), _half_spec(),
                  pl.BlockSpec((NC, BM, DEG_W), lambda i: (0, i, 0)),
                  _full_spec((D, D)), _full_spec((1, D)), _full_spec((1, D))],
        out_specs=[_row_spec(D), _half_spec()],
        out_shape=[jax.ShapeDtypeStruct((N, D), jnp.float32),
                   jax.ShapeDtypeStruct((NC, N, DH), jnp.float32)],
    )(p, hp, degp, w, a, bc)


def _fin_call(q, hp2, degp, x0, x1, wfc, a, bc, bfc):
    return pl.pallas_call(
        _fin_body,
        grid=(N // BM,),
        in_specs=[_half_spec(), _half_spec(),
                  pl.BlockSpec((NC, BM, DEG_W), lambda i: (0, i, 0)),
                  _row_spec(D), _row_spec(D), _full_spec((3 * D, D_OUT)),
                  _full_spec((1, D)), _full_spec((1, D)),
                  _full_spec((1, D_OUT))],
        out_specs=_row_spec(D_OUT),
        out_shape=jax.ShapeDtypeStruct((N, D_OUT), jnp.float32),
    )(q, hp2, degp, x0, x1, wfc, a, bc, bfc)



def kernel(x, edge_index, W1, b1, g1, be1, W2, b2, g2, be2, Wfc, bfc):
    sbn = 1.0 / jnp.sqrt(jnp.float32(1.0 + 1e-5))
    a1 = (g1 * sbn).reshape(1, D)
    bc1 = (b1 * g1 * sbn + be1).reshape(1, D)
    a2 = (g2 * sbn).reshape(1, D)
    bc2 = (b2 * g2 * sbn + be2).reshape(1, D)

    er = edge_index.reshape(2 * E)
    degp = _deg_call(er)
    h1p = _pre_call(x, W1, degp)
    p1 = _agg_call(h1p, er)
    x1, h2p = _mid_call(p1, h1p, degp, W2, a1, bc1)
    p2 = _agg_call(h2p, er)
    out = _fin_call(p2, h2p, degp, x, x1, Wfc, a2, bc2, bfc.reshape(1, D_OUT))
    return out

# --- scband reference (transcript-rebuilt; emitter-appended) ---
"""Pipeline reference for scband-h2-gcn-8443905704363 (READ-ONLY COPY).

The authoritative reference and input builder live on the scoring server;
editing this copy changes nothing except your own understanding.
"""

import jax, jax.numpy as jnp
import numpy as np

N = 10000
E = 320000
D_IN = 128
D_H = 128
D_OUT = 40


def setup_inputs(seed: int = 0) -> dict:
    key = jax.random.key(seed)
    ks = jax.random.split(key, 12)
    x = jax.random.normal(ks[0], (N, D_IN), dtype=jnp.float32)
    edge_index = jax.random.randint(ks[1], (2, E), 0, N, dtype=jnp.int32)
    W1 = jax.random.normal(ks[2], (D_IN, D_H), dtype=jnp.float32) * (1.0 / np.sqrt(D_IN))
    b1 = jnp.zeros((D_H,), dtype=jnp.float32)
    g1 = jnp.ones((D_H,), dtype=jnp.float32)
    be1 = jnp.zeros((D_H,), dtype=jnp.float32)
    W2 = jax.random.normal(ks[3], (D_H, D_H), dtype=jnp.float32) * (1.0 / np.sqrt(D_H))
    b2 = jnp.zeros((D_H,), dtype=jnp.float32)
    g2 = jnp.ones((D_H,), dtype=jnp.float32)
    be2 = jnp.zeros((D_H,), dtype=jnp.float32)
    Wfc = jax.random.normal(ks[4], (D_IN + D_H + D_H, D_OUT), dtype=jnp.float32) * (1.0 / np.sqrt(D_IN + D_H + D_H))
    bfc = jnp.zeros((D_OUT,), dtype=jnp.float32)
    return {"x": x, "edge_index": edge_index, "W1": W1, "b1": b1, "g1": g1, "be1": be1,
            "W2": W2, "b2": b2, "g2": g2, "be2": be2, "Wfc": Wfc, "bfc": bfc}


def _gcn_conv(x, edge_index, W, b, n_nodes):
    # PyG GCNConv: linear transform, add self-loops, symmetric normalization, scatter-add
    h = x @ W
    loops = jnp.arange(n_nodes, dtype=edge_index.dtype)
    src = jnp.concatenate([edge_index[0], loops])
    dst = jnp.concatenate([edge_index[1], loops])
    deg = jnp.zeros((n_nodes,), dtype=h.dtype).at[dst].add(1.0)
    dinv = jax.lax.rsqrt(jnp.maximum(deg, 1e-12))
    norm = dinv[src] * dinv[dst]
    msg = h[src] * norm[:, None]
    out = jnp.zeros((n_nodes, h.shape[1]), dtype=h.dtype).at[dst].add(msg)
    return out + b


def _bn_eval(x, gamma, beta):
    # BatchNorm1d in eval mode with default running stats (mean=0, var=1)
    return x / jnp.sqrt(1.0 + 1e-5) * gamma + beta


def reference(x, edge_index, W1, b1, g1, be1, W2, b2, g2, be2, Wfc, bfc):
    x0 = x
    x1 = _gcn_conv(x0, edge_index, W1, b1, N)
    x1 = _bn_eval(x1, g1, be1)
    x1 = jax.nn.relu(x1)
    # dropout is identity in eval mode
    x2 = _gcn_conv(x1, edge_index, W2, b2, N)
    x2 = _bn_eval(x2, g2, be2)
    x2 = jax.nn.relu(x2)
    out = jnp.concatenate([x0, x1, x2], axis=-1) @ Wfc + bfc
    return out

if __name__ == "__main__":
    import jax
    _d = setup_inputs()
    print(jax.jit(kernel)(*tuple(_d.values())))

</pallas_src>

<mosaic_0001>
#map = affine_map<(d0, d1) -> (0, 0, 0)>
#map1 = affine_map<(d0, d1) -> (0)>
module attributes {stable_mosaic.version = 14 : i64} {
  func.func @_agg_body(%arg0: i32, %arg1: i32, %arg2: memref<2x10000x64xf32, #tpu.memory_space<hbm>>, %arg3: memref<640000xi32, #tpu.memory_space<hbm>>, %arg4: memref<2x10240x64xf32, #tpu.memory_space<hbm>>, %arg5: memref<80xi32, #tpu.memory_space<vmem>>, %arg6: memref<80xi32, #tpu.memory_space<vmem>>, %arg7: memref<80xi32, #tpu.memory_space<vmem>>, %arg8: memref<80xi32, #tpu.memory_space<vmem>>, %arg9: memref<80xi32, #tpu.memory_space<vmem>>, %arg10: memref<80xi32, #tpu.memory_space<vmem>>, %arg11: memref<80xi32, #tpu.memory_space<vmem>>, %arg12: memref<80xi32, #tpu.memory_space<vmem>>, %arg13: memref<80x64xf32, #tpu.memory_space<vmem>>, %arg14: memref<80x64xf32, #tpu.memory_space<vmem>>, %arg15: memref<80x64xf32, #tpu.memory_space<vmem>>, %arg16: memref<80x64xf32, #tpu.memory_space<vmem>>, %arg17: memref<128x64xf32, #tpu.memory_space<vmem>>, %arg18: memref<10240x64xf32, #tpu.memory_space<vmem_shared>>, %arg19: memref<!tpu.dma_semaphore, #tpu.memory_space<semaphore_mem>>, %arg20: memref<!tpu.dma_semaphore, #tpu.memory_space<semaphore_mem>>, %arg21: memref<!tpu.dma_semaphore, #tpu.memory_space<semaphore_mem>>, %arg22: memref<!tpu.dma_semaphore, #tpu.memory_space<semaphore_mem>>, %arg23: memref<!tpu.dma_semaphore, #tpu.memory_space<semaphore_mem>>, %arg24: memref<!tpu.dma_semaphore, #tpu.memory_space<semaphore_mem>>, %arg25: memref<!tpu.dma_semaphore, #tpu.memory_space<semaphore_mem>>, %arg26: memref<!tpu.dma_semaphore, #tpu.memory_space<semaphore_mem>>, %arg27: memref<!tpu.dma_semaphore, #tpu.memory_space<semaphore_mem>>, %arg28: memref<!tpu.dma_semaphore, #tpu.memory_space<semaphore_mem>>, %arg29: memref<!tpu.dma_semaphore, #tpu.memory_space<semaphore_mem>>, %arg30: memref<!tpu.dma_semaphore, #tpu.memory_space<semaphore_mem>>, %arg31: memref<!tpu.dma_semaphore, #tpu.memory_space<semaphore_mem>>, %arg32: memref<!tpu.dma_semaphore, #tpu.memory_space<semaphore_mem>>, %arg33: memref<!tpu.dma_semaphore, #tpu.memory_space<semaphore_mem>>, %arg34: memref<!tpu.dma_semaphore, #tpu.memory_space<semaphore_mem>>) attributes {dimension_semantics = [#tpu.dimension_semantics<core_parallel>, #tpu.dimension_semantics<subcore_parallel>], iteration_bounds = array<i64: 2, 16>, scalar_prefetch = 0 : i64, scratch_operands = 30 : i64, tpu.core_type = #tpu.core_type<sc_vector_subcore>, window_params = [{transform_indices = #map}, {transform_indices = #map1}, {transform_indices = #map}]} {
    %scan3A = arith.constant 0 : i32
    %scan3A_0 = arith.constant 0 : i32
    %scan3A_1 = arith.constant 128 : i32
    %scan3A_2 = arith.addi %scan3A_0, %scan3A_1 : i32
    %scan3A_3 = arith.constant 1 : i32
    scf.for %scan3A_92 = %scan3A_0 to %scan3A_2 step %scan3A_3  : i32 {
      %broadcast_in_dim3A = arith.constant 0.000000e+00 : f32
      %broadcast_in_dim3A_93 = vector.broadcast %broadcast_in_dim3A : f32 to vector<16xf32>
      %swap3A = arith.index_cast %scan3A_92 : i32 to index
      %swap3A_94 = arith.constant 0 : index
      %swap3A_95 = tpu.vector_load %arg17[%swap3A, %swap3A_94] {strides = array<i32>} : memref<128x64xf32, #tpu.memory_space<vmem>>, vector<1x16xf32>,
      %swap3A_96 = vector.shape_cast %swap3A_95 : vector<1x16xf32> to vector<16xf32>
      %swap3A_97 = vector.shape_cast %broadcast_in_dim3A_93 : vector<16xf32> to vector<1x16xf32>
      tpu.vector_store %arg17[%swap3A, %swap3A_94], %swap3A_97 {strides = array<i32>} : memref<128x64xf32, #tpu.memory_space<vmem>>, vector<1x16xf32>,
      %broadcast_in_dim3A_98 = arith.constant 0.000000e+00 : f32
      %broadcast_in_dim3A_99 = vector.broadcast %broadcast_in_dim3A_98 : f32 to vector<16xf32>
      %swap3A_100 = arith.index_cast %scan3A_92 : i32 to index
      %swap3A_101 = arith.constant 16 : index
      %swap3A_102 = tpu.vector_load %arg17[%swap3A_100, %swap3A_101] {strides = array<i32>} : memref<128x64xf32, #tpu.memory_space<vmem>>, vector<1x16xf32>,
      %swap3A_103 = vector.shape_cast %swap3A_102 : vector<1x16xf32> to vector<16xf32>
      %swap3A_104 = vector.shape_cast %broadcast_in_dim3A_99 : vector<16xf32> to vector<1x16xf32>
      tpu.vector_store %arg17[%swap3A_100, %swap3A_101], %swap3A_104 {strides = array<i32>} : memref<128x64xf32, #tpu.memory_space<vmem>>, vector<1x16xf32>,
      %broadcast_in_dim3A_105 = arith.constant 0.000000e+00 : f32
      %broadcast_in_dim3A_106 = vector.broadcast %broadcast_in_dim3A_105 : f32 to vector<16xf32>
      %swap3A_107 = arith.index_cast %scan3A_92 : i32 to index
      %swap3A_108 = arith.constant 32 : index
      %swap3A_109 = tpu.vector_load %arg17[%swap3A_107, %swap3A_108] {strides = array<i32>} : memref<128x64xf32, #tpu.memory_space<vmem>>, vector<1x16xf32>,
      %swap3A_110 = vector.shape_cast %swap3A_109 : vector<1x16xf32> to vector<16xf32>
      %swap3A_111 = vector.shape_cast %broadcast_in_dim3A_106 : vector<16xf32> to vector<1x16xf32>
      tpu.vector_store %arg17[%swap3A_107, %swap3A_108], %swap3A_111 {strides = array<i32>} : memref<128x64xf32, #tpu.memory_space<vmem>>, vector<1x16xf32>,
      %broadcast_in_dim3A_112 = arith.constant 0.000000e+00 : f32
      %broadcast_in_dim3A_113 = vector.broadcast %broadcast_in_dim3A_112 : f32 to vector<16xf32>
      %swap3A_114 = arith.index_cast %scan3A_92 : i32 to index
      %swap3A_115 = arith.constant 48 : index
      %swap3A_116 = tpu.vector_load %arg17[%swap3A_114, %swap3A_115] {strides = array<i32>} : memref<128x64xf32, #tpu.memory_space<vmem>>, vector<1x16xf32>,
      %swap3A_117 = vector.shape_cast %swap3A_116 : vector<1x16xf32> to vector<16xf32>
      %swap3A_118 = vector.shape_cast %broadcast_in_dim3A_113 : vector<16xf32> to vector<1x16xf32>
      tpu.vector_store %arg17[%swap3A_114, %swap3A_115], %swap3A_118 {strides = array<i32>} : memref<128x64xf32, #tpu.memory_space<vmem>>, vector<1x16xf32>,
    }
    %scan3A_4 = arith.constant 128 : i32
    %mul3A = arith.constant 640 : i32
    %mul3A_5 = arith.muli %arg1, %mul3A : i32
    %add3A = arith.constant 0 : i32
    %add3A_6 = arith.addi %mul3A_5, %add3A : i32
    "tpu.region"() ({
      %run_scoped3A = tpu.sem_alloc : memref<!tpu.dma_semaphore, #tpu.memory_space<semaphore_mem>>
      %dma_start3A_92 = arith.constant 0 : i32
      %dma_start3A_93 = tpu.memref_slice %arg18[%add3A_6, %dma_start3A_92] : memref<10240x64xf32, #tpu.memory_space<vmem_shared>> -> memref<128x64xf32, #tpu.memory_space<vmem_shared>>
      %dma_start3A_94 = arith.constant 0 : i32
      %dma_start3A_95 = tpu.memref_slice %arg18[%add3A_6, %dma_start3A_94] : memref<10240x64xf32, #tpu.memory_space<vmem_shared>> -> memref<128x64xf32, #tpu.memory_space<vmem_shared>>
      tpu.enqueue_dma source(%arg17 : memref<128x64xf32, #tpu.memory_space<vmem>>) target(%dma_start3A_95 : memref<128x64xf32, #tpu.memory_space<vmem_shared>>) target_semaphore(%run_scoped3A : memref<!tpu.dma_semaphore, #tpu.memory_space<semaphore_mem>>)
      %dma_wait3A_96 = arith.constant 0 : i32
      %dma_wait3A_97 = tpu.memref_slice %arg18[%add3A_6, %dma_wait3A_96] : memref<10240x64xf32, #tpu.memory_space<vmem_shared>> -> memref<128x64xf32, #tpu.memory_space<vmem_shared>>
      %dma_wait3A_98 = arith.constant 0 : i32
      %dma_wait3A_99 = tpu.memref_slice %arg18[%add3A_6, %dma_wait3A_98] : memref<10240x64xf32, #tpu.memory_space<vmem_shared>> -> memref<128x64xf32, #tpu.memory_space<vmem_shared>>
      tpu.wait_dma2 semaphore(%run_scoped3A : memref<!tpu.dma_semaphore, #tpu.memory_space<semaphore_mem>>) src(%arg17 : memref<128x64xf32, #tpu.memory_space<vmem>>) dst(%dma_wait3A_99 : memref<128x64xf32, #tpu.memory_space<vmem_shared>>)
      tpu.yield
    }) : () -> ()
    %mul3A_7 = arith.constant 640 : i32
    %mul3A_8 = arith.muli %arg1, %mul3A_7 : i32
    %add3A_9 = arith.constant 128 : i32
    %add3A_10 = arith.addi %mul3A_8, %add3A_9 : i32
    "tpu.region"() ({
      %run_scoped3A = tpu.sem_alloc : memref<!tpu.dma_semaphore, #tpu.memory_space<semaphore_mem>>
      %dma_start3A_92 = arith.constant 0 : i32
      %dma_start3A_93 = tpu.memref_slice %arg18[%add3A_10, %dma_start3A_92] : memref<10240x64xf32, #tpu.memory_space<vmem_shared>> -> memref<128x64xf32, #tpu.memory_space<vmem_shared>>
      %dma_start3A_94 = arith.constant 0 : i32
      %dma_start3A_95 = tpu.memref_slice %arg18[%add3A_10, %dma_start3A_94] : memref<10240x64xf32, #tpu.memory_space<vmem_shared>> -> memref<128x64xf32, #tpu.memory_space<vmem_shared>>
      tpu.enqueue_dma source(%arg17 : memref<128x64xf32, #tpu.memory_space<vmem>>) target(%dma_start3A_95 : memref<128x64xf32, #tpu.memory_space<vmem_shared>>) target_semaphore(%run_scoped3A : memref<!tpu.dma_semaphore, #tpu.memory_space<semaphore_mem>>)
      %dma_wait3A_96 = arith.constant 0 : i32
      %dma_wait3A_97 = tpu.memref_slice %arg18[%add3A_10, %dma_wait3A_96] : memref<10240x64xf32, #tpu.memory_space<vmem_shared>> -> memref<128x64xf32, #tpu.memory_space<vmem_shared>>
      %dma_wait3A_98 = arith.constant 0 : i32
      %dma_wait3A_99 = tpu.memref_slice %arg18[%add3A_10, %dma_wait3A_98] : memref<10240x64xf32, #tpu.memory_space<vmem_shared>> -> memref<128x64xf32, #tpu.memory_space<vmem_shared>>
      tpu.wait_dma2 semaphore(%run_scoped3A : memref<!tpu.dma_semaphore, #tpu.memory_space<semaphore_mem>>) src(%arg17 : memref<128x64xf32, #tpu.memory_space<vmem>>) dst(%dma_wait3A_99 : memref<128x64xf32, #tpu.memory_space<vmem_shared>>)
      tpu.yield
    }) : () -> ()
    %mul3A_11 = arith.constant 640 : i32
    %mul3A_12 = arith.muli %arg1, %mul3A_11 : i32
    %add3A_13 = arith.constant 256 : i32
    %add3A_14 = arith.addi %mul3A_12, %add3A_13 : i32
    "tpu.region"() ({
      %run_scoped3A = tpu.sem_alloc : memref<!tpu.dma_semaphore, #tpu.memory_space<semaphore_mem>>
      %dma_start3A_92 = arith.constant 0 : i32
      %dma_start3A_93 = tpu.memref_slice %arg18[%add3A_14, %dma_start3A_92] : memref<10240x64xf32, #tpu.memory_space<vmem_shared>> -> memref<128x64xf32, #tpu.memory_space<vmem_shared>>
      %dma_start3A_94 = arith.constant 0 : i32
      %dma_start3A_95 = tpu.memref_slice %arg18[%add3A_14, %dma_start3A_94] : memref<10240x64xf32, #tpu.memory_space<vmem_shared>> -> memref<128x64xf32, #tpu.memory_space<vmem_shared>>
      tpu.enqueue_dma source(%arg17 : memref<128x64xf32, #tpu.memory_space<vmem>>) target(%dma_start3A_95 : memref<128x64xf32, #tpu.memory_space<vmem_shared>>) target_semaphore(%run_scoped3A : memref<!tpu.dma_semaphore, #tpu.memory_space<semaphore_mem>>)
      %dma_wait3A_96 = arith.constant 0 : i32
      %dma_wait3A_97 = tpu.memref_slice %arg18[%add3A_14, %dma_wait3A_96] : memref<10240x64xf32, #tpu.memory_space<vmem_shared>> -> memref<128x64xf32, #tpu.memory_space<vmem_shared>>
      %dma_wait3A_98 = arith.constant 0 : i32
      %dma_wait3A_99 = tpu.memref_slice %arg18[%add3A_14, %dma_wait3A_98] : memref<10240x64xf32, #tpu.memory_space<vmem_shared>> -> memref<128x64xf32, #tpu.memory_space<vmem_shared>>
      tpu.wait_dma2 semaphore(%run_scoped3A : memref<!tpu.dma_semaphore, #tpu.memory_space<semaphore_mem>>) src(%arg17 : memref<128x64xf32, #tpu.memory_space<vmem>>) dst(%dma_wait3A_99 : memref<128x64xf32, #tpu.memory_space<vmem_shared>>)
      tpu.yield
    }) : () -> ()
    %mul3A_15 = arith.constant 640 : i32
    %mul3A_16 = arith.muli %arg1, %mul3A_15 : i32
    %add3A_17 = arith.constant 384 : i32
    %add3A_18 = arith.addi %mul3A_16, %add3A_17 : i32
    "tpu.region"() ({
      %run_scoped3A = tpu.sem_alloc : memref<!tpu.dma_semaphore, #tpu.memory_space<semaphore_mem>>
      %dma_start3A_92 = arith.constant 0 : i32
      %dma_start3A_93 = tpu.memref_slice %arg18[%add3A_18, %dma_start3A_92] : memref<10240x64xf32, #tpu.memory_space<vmem_shared>> -> memref<128x64xf32, #tpu.memory_space<vmem_shared>>
      %dma_start3A_94 = arith.constant 0 : i32
      %dma_start3A_95 = tpu.memref_slice %arg18[%add3A_18, %dma_start3A_94] : memref<10240x64xf32, #tpu.memory_space<vmem_shared>> -> memref<128x64xf32, #tpu.memory_space<vmem_shared>>
      tpu.enqueue_dma source(%arg17 : memref<128x64xf32, #tpu.memory_space<vmem>>) target(%dma_start3A_95 : memref<128x64xf32, #tpu.memory_space<vmem_shared>>) target_semaphore(%run_scoped3A : memref<!tpu.dma_semaphore, #tpu.memory_space<semaphore_mem>>)
      %dma_wait3A_96 = arith.constant 0 : i32
      %dma_wait3A_97 = tpu.memref_slice %arg18[%add3A_18, %dma_wait3A_96] : memref<10240x64xf32, #tpu.memory_space<vmem_shared>> -> memref<128x64xf32, #tpu.memory_space<vmem_shared>>
      %dma_wait3A_98 = arith.constant 0 : i32
      %dma_wait3A_99 = tpu.memref_slice %arg18[%add3A_18, %dma_wait3A_98] : memref<10240x64xf32, #tpu.memory_space<vmem_shared>> -> memref<128x64xf32, #tpu.memory_space<vmem_shared>>
      tpu.wait_dma2 semaphore(%run_scoped3A : memref<!tpu.dma_semaphore, #tpu.memory_space<semaphore_mem>>) src(%arg17 : memref<128x64xf32, #tpu.memory_space<vmem>>) dst(%dma_wait3A_99 : memref<128x64xf32, #tpu.memory_space<vmem_shared>>)
      tpu.yield
    }) : () -> ()
    %mul3A_19 = arith.constant 640 : i32
    %mul3A_20 = arith.muli %arg1, %mul3A_19 : i32
    %add3A_21 = arith.constant 512 : i32
    %add3A_22 = arith.addi %mul3A_20, %add3A_21 : i32
    "tpu.region"() ({
      %run_scoped3A = tpu.sem_alloc : memref<!tpu.dma_semaphore, #tpu.memory_space<semaphore_mem>>
      %dma_start3A_92 = arith.constant 0 : i32
      %dma_start3A_93 = tpu.memref_slice %arg18[%add3A_22, %dma_start3A_92] : memref<10240x64xf32, #tpu.memory_space<vmem_shared>> -> memref<128x64xf32, #tpu.memory_space<vmem_shared>>
      %dma_start3A_94 = arith.constant 0 : i32
      %dma_start3A_95 = tpu.memref_slice %arg18[%add3A_22, %dma_start3A_94] : memref<10240x64xf32, #tpu.memory_space<vmem_shared>> -> memref<128x64xf32, #tpu.memory_space<vmem_shared>>
      tpu.enqueue_dma source(%arg17 : memref<128x64xf32, #tpu.memory_space<vmem>>) target(%dma_start3A_95 : memref<128x64xf32, #tpu.memory_space<vmem_shared>>) target_semaphore(%run_scoped3A : memref<!tpu.dma_semaphore, #tpu.memory_space<semaphore_mem>>)
      %dma_wait3A_96 = arith.constant 0 : i32
      %dma_wait3A_97 = tpu.memref_slice %arg18[%add3A_22, %dma_wait3A_96] : memref<10240x64xf32, #tpu.memory_space<vmem_shared>> -> memref<128x64xf32, #tpu.memory_space<vmem_shared>>
      %dma_wait3A_98 = arith.constant 0 : i32
      %dma_wait3A_99 = tpu.memref_slice %arg18[%add3A_22, %dma_wait3A_98] : memref<10240x64xf32, #tpu.memory_space<vmem_shared>> -> memref<128x64xf32, #tpu.memory_space<vmem_shared>>
      tpu.wait_dma2 semaphore(%run_scoped3A : memref<!tpu.dma_semaphore, #tpu.memory_space<semaphore_mem>>) src(%arg17 : memref<128x64xf32, #tpu.memory_space<vmem>>) dst(%dma_wait3A_99 : memref<128x64xf32, #tpu.memory_space<vmem_shared>>)
      tpu.yield
    }) : () -> ()
    %barrier3A = arith.constant 0 : index
    tpu.barrier barrier_id(%barrier3A)
    %mul3A_23 = arith.constant 20000 : i32
    %mul3A_24 = arith.muli %arg1, %mul3A_23 : i32
    %add3A_25 = arith.constant 0 : i32
    %add3A_26 = arith.addi %mul3A_24, %add3A_25 : i32
    %dma_start3A = tpu.memref_slice %arg3[%add3A_26] : memref<640000xi32, #tpu.memory_space<hbm>> -> memref<80xi32, #tpu.memory_space<hbm>>
    %dma_start3A_27 = tpu.memref_slice %arg3[%add3A_26] : memref<640000xi32, #tpu.memory_space<hbm>> -> memref<80xi32, #tpu.memory_space<hbm>>
    tpu.enqueue_dma source(%dma_start3A_27 : memref<80xi32, #tpu.memory_space<hbm>>) target(%arg5 : memref<80xi32, #tpu.memory_space<vmem>>) target_semaphore(%arg19 : memref<!tpu.dma_semaphore, #tpu.memory_space<semaphore_mem>>)
    %add3A_28 = arith.constant 80 : i32
    %add3A_29 = arith.addi %mul3A_24, %add3A_28 : i32
    %dma_start3A_30 = tpu.memref_slice %arg3[%add3A_29] : memref<640000xi32, #tpu.memory_space<hbm>> -> memref<80xi32, #tpu.memory_space<hbm>>
    %dma_start3A_31 = tpu.memref_slice %arg3[%add3A_29] : memref<640000xi32, #tpu.memory_space<hbm>> -> memref<80xi32, #tpu.memory_space<hbm>>
    tpu.enqueue_dma source(%dma_start3A_31 : memref<80xi32, #tpu.memory_space<hbm>>) target(%arg6 : memref<80xi32, #tpu.memory_space<vmem>>) target_semaphore(%arg20 : memref<!tpu.dma_semaphore, #tpu.memory_space<semaphore_mem>>)
    %add3A_32 = arith.constant 160 : i32
    %add3A_33 = arith.addi %mul3A_24, %add3A_32 : i32
    %dma_start3A_34 = tpu.memref_slice %arg3[%add3A_33] : memref<640000xi32, #tpu.memory_space<hbm>> -> memref<80xi32, #tpu.memory_space<hbm>>
    %dma_start3A_35 = tpu.memref_slice %arg3[%add3A_33] : memref<640000xi32, #tpu.memory_space<hbm>> -> memref<80xi32, #tpu.memory_space<hbm>>
    tpu.enqueue_dma source(%dma_start3A_35 : memref<80xi32, #tpu.memory_space<hbm>>) target(%arg7 : memref<80xi32, #tpu.memory_space<vmem>>) target_semaphore(%arg21 : memref<!tpu.dma_semaphore, #tpu.memory_space<semaphore_mem>>)
    %add3A_36 = arith.constant 240 : i32
    %add3A_37 = arith.addi %mul3A_24, %add3A_36 : i32
    %dma_start3A_38 = tpu.memref_slice %arg3[%add3A_37] : memref<640000xi32, #tpu.memory_space<hbm>> -> memref<80xi32, #tpu.memory_space<hbm>>
    %dma_start3A_39 = tpu.memref_slice %arg3[%add3A_37] : memref<640000xi32, #tpu.memory_space<hbm>> -> memref<80xi32, #tpu.memory_space<hbm>>
    tpu.enqueue_dma source(%dma_start3A_39 : memref<80xi32, #tpu.memory_space<hbm>>) target(%arg8 : memref<80xi32, #tpu.memory_space<vmem>>) target_semaphore(%arg22 : memref<!tpu.dma_semaphore, #tpu.memory_space<semaphore_mem>>)
    %add3A_40 = arith.constant 320000 : i32
    %add3A_41 = arith.addi %add3A_40, %mul3A_24 : i32
    %add3A_42 = arith.constant 0 : i32
    %add3A_43 = arith.addi %add3A_41, %add3A_42 : i32
    %dma_start3A_44 = tpu.memref_slice %arg3[%add3A_43] : memref<640000xi32, #tpu.memory_space<hbm>> -> memref<80xi32, #tpu.memory_space<hbm>>
    %dma_start3A_45 = tpu.memref_slice %arg3[%add3A_43] : memref<640000xi32, #tpu.memory_space<hbm>> -> memref<80xi32, #tpu.memory_space<hbm>>
    tpu.enqueue_dma source(%dma_start3A_45 : memref<80xi32, #tpu.memory_space<hbm>>) target(%arg9 : memref<80xi32, #tpu.memory_space<vmem>>) target_semaphore(%arg23 : memref<!tpu.dma_semaphore, #tpu.memory_space<semaphore_mem>>)
    %add3A_46 = arith.constant 320000 : i32
    %add3A_47 = arith.addi %add3A_46, %mul3A_24 : i32
    %add3A_48 = arith.constant 80 : i32
    %add3A_49 = arith.addi %add3A_47, %add3A_48 : i32
    %dma_start3A_50 = tpu.memref_slice %arg3[%add3A_49] : memref<640000xi32, #tpu.memory_space<hbm>> -> memref<80xi32, #tpu.memory_space<hbm>>
    %dma_start3A_51 = tpu.memref_slice %arg3[%add3A_49] : memref<640000xi32, #tpu.memory_space<hbm>> -> memref<80xi32, #tpu.memory_space<hbm>>
    tpu.enqueue_dma source(%dma_start3A_51 : memref<80xi32, #tpu.memory_space<hbm>>) target(%arg10 : memref<80xi32, #tpu.memory_space<vmem>>) target_semaphore(%arg24 : memref<!tpu.dma_semaphore, #tpu.memory_space<semaphore_mem>>)
    %dma_wait3A = tpu.memref_slice %arg3[%mul3A_24] : memref<640000xi32, #tpu.memory_space<hbm>> -> memref<80xi32, #tpu.memory_space<hbm>>
    %dma_wait3A_52 = tpu.memref_slice %arg3[%mul3A_24] : memref<640000xi32, #tpu.memory_space<hbm>> -> memref<80xi32, #tpu.memory_space<hbm>>
    tpu.wait_dma2 semaphore(%arg19 : memref<!tpu.dma_semaphore, #tpu.memory_space<semaphore_mem>>) src(%dma_wait3A_52 : memref<80xi32, #tpu.memory_space<hbm>>) dst(%arg5 : memref<80xi32, #tpu.memory_space<vmem>>)
    %dma_start3A_53 = arith.constant 0 : i32
    %dma_start3A_54 = arith.constant 0 : i32
    %dma_start3A_55 = tpu.memref_slice %arg2[%arg0, %dma_start3A_53, %dma_start3A_54] : memref<2x10000x64xf32, #tpu.memory_space<hbm>> -> memref<1x10000x64xf32, #tpu.memory_space<hbm>>
    %dma_start3A_56 = tpu.memref_squeeze %dma_start3A_55 : memref<1x10000x64xf32, #tpu.memory_space<hbm>> -> memref<10000x64xf32, #tpu.memory_space<hbm>>
    %dma_start3A_57 = arith.constant 0 : i32
    %dma_start3A_58 = arith.constant 0 : i32
    %dma_start3A_59 = tpu.memref_slice %dma_start3A_56[%dma_start3A_57, %dma_start3A_58] : memref<10000x64xf32, #tpu.memory_space<hbm>> -> memref<10000x64xf32, #tpu.memory_space<hbm>>
    tpu.enqueue_indirect_dma source(%dma_start3A_59 : memref<10000x64xf32, #tpu.memory_space<hbm>>) target(%arg13 : memref<80x64xf32, #tpu.memory_space<vmem>>) offsets(%arg5 : memref<80xi32, #tpu.memory_space<vmem>>) semaphore(%arg27 : memref<!tpu.dma_semaphore, #tpu.memory_space<semaphore_mem>>)
    %dma_wait3A_60 = tpu.memref_slice %arg3[%mul3A_24] : memref<640000xi32, #tpu.memory_space<hbm>> -> memref<80xi32, #tpu.memory_space<hbm>>
    %dma_wait3A_61 = tpu.memref_slice %arg3[%mul3A_24] : memref<640000xi32, #tpu.memory_space<hbm>> -> memref<80xi32, #tpu.memory_space<hbm>>
    tpu.wait_dma2 semaphore(%arg20 : memref<!tpu.dma_semaphore, #tpu.memory_space<semaphore_mem>>) src(%dma_wait3A_61 : memref<80xi32, #tpu.memory_space<hbm>>) dst(%arg6 : memref<80xi32, #tpu.memory_space<vmem>>)
    %dma_start3A_62 = arith.constant 0 : i32
    %dma_start3A_63 = arith.constant 0 : i32
    %dma_start3A_64 = tpu.memref_slice %arg2[%arg0, %dma_start3A_62, %dma_start3A_63] : memref<2x10000x64xf32, #tpu.memory_space<hbm>> -> memref<1x10000x64xf32, #tpu.memory_space<hbm>>
    %dma_start3A_65 = tpu.memref_squeeze %dma_start3A_64 : memref<1x10000x64xf32, #tpu.memory_space<hbm>> -> memref<10000x64xf32, #tpu.memory_space<hbm>>
    %dma_start3A_66 = arith.constant 0 : i32
    %dma_start3A_67 = arith.constant 0 : i32
    %dma_start3A_68 = tpu.memref_slice %dma_start3A_65[%dma_start3A_66, %dma_start3A_67] : memref<10000x64xf32, #tpu.memory_space<hbm>> -> memref<10000x64xf32, #tpu.memory_space<hbm>>
    tpu.enqueue_indirect_dma source(%dma_start3A_68 : memref<10000x64xf32, #tpu.memory_space<hbm>>) target(%arg14 : memref<80x64xf32, #tpu.memory_space<vmem>>) offsets(%arg6 : memref<80xi32, #tpu.memory_space<vmem>>) semaphore(%arg28 : memref<!tpu.dma_semaphore, #tpu.memory_space<semaphore_mem>>)
    %scan3A_69 = arith.constant 0 : i32
    %scan3A_70 = arith.constant 0 : i32
    %scan3A_71 = arith.constant 63 : i32
    %scan3A_72 = arith.addi %scan3A_70, %scan3A_71 : i32
    %scan3A_73 = arith.constant 1 : i32
    scf.for %scan3A_92 = %scan3A_70 to %scan3A_72 step %scan3A_73  : i32 {
      %mul3A_93 = arith.constant 4 : i32
      %mul3A_94 = arith.muli %scan3A_92, %mul3A_93 : i32
      %add3A_95 = arith.constant 0 : i32
      %add3A_96 = arith.addi %mul3A_94, %add3A_95 : i32
      %lt3A = arith.constant 250 : i32
      %lt3A_97 = arith.cmpi slt, %add3A_96, %lt3A : i32
      %convert_element_type3A = arith.extui %lt3A_97 : i1 to i32
      %cond3A = arith.constant 0 : i32
      %cond3A_98 = arith.cmpi ne, %convert_element_type3A, %cond3A : i32
      scf.if %cond3A_98 {
        %dma_wait3A_182 = arith.constant 0 : i32
        %dma_wait3A_183 = arith.constant 0 : i32
        %dma_wait3A_184 = tpu.memref_slice %arg2[%arg0, %dma_wait3A_182, %dma_wait3A_183] : memref<2x10000x64xf32, #tpu.memory_space<hbm>> -> memref<1x10000x64xf32, #tpu.memory_space<hbm>>
        %dma_wait3A_185 = tpu.memref_squeeze %dma_wait3A_184 : memref<1x10000x64xf32, #tpu.memory_space<hbm>> -> memref<10000x64xf32, #tpu.memory_space<hbm>>
        %dma_wait3A_186 = arith.constant 0 : i32
        %dma_wait3A_187 = arith.constant 0 : i32
        %dma_wait3A_188 = tpu.memref_slice %dma_wait3A_185[%dma_wait3A_186, %dma_wait3A_187] : memref<10000x64xf32, #tpu.memory_space<hbm>> -> memref<10000x64xf32, #tpu.memory_space<hbm>>
        tpu.wait_indirect_dma semaphore(%arg27 : memref<!tpu.dma_semaphore, #tpu.memory_space<semaphore_mem>>) src(%dma_wait3A_188 : memref<10000x64xf32, #tpu.memory_space<hbm>>) dst(%arg13 : memref<80x64xf32, #tpu.memory_space<vmem>>)
        %dma_wait3A_189 = tpu.memref_slice %arg3[%mul3A_24] : memref<640000xi32, #tpu.memory_space<hbm>> -> memref<80xi32, #tpu.memory_space<hbm>>
        %dma_wait3A_190 = tpu.memref_slice %arg3[%mul3A_24] : memref<640000xi32, #tpu.memory_space<hbm>> -> memref<80xi32, #tpu.memory_space<hbm>>
        tpu.wait_dma2 semaphore(%arg23 : memref<!tpu.dma_semaphore, #tpu.memory_space<semaphore_mem>>) src(%dma_wait3A_190 : memref<80xi32, #tpu.memory_space<hbm>>) dst(%arg9 : memref<80xi32, #tpu.memory_space<vmem>>)
        %dma_start3A_191 = arith.constant 0 : i32
        %dma_start3A_192 = arith.constant 0 : i32
        %dma_start3A_193 = tpu.memref_slice %arg18[%dma_start3A_191, %dma_start3A_192] : memref<10240x64xf32, #tpu.memory_space<vmem_shared>> -> memref<10240x64xf32, #tpu.memory_space<vmem_shared>>
        tpu.enqueue_indirect_dma source(%arg13 : memref<80x64xf32, #tpu.memory_space<vmem>>) target(%dma_start3A_193 : memref<10240x64xf32, #tpu.memory_space<vmem_shared>>) offsets(%arg9 : memref<80xi32, #tpu.memory_space<vmem>>) semaphore(%arg31 : memref<!tpu.dma_semaphore, #tpu.memory_space<semaphore_mem>>) {add = true}
      } else {
      }
      %add3A_99 = arith.constant 2 : i32
      %add3A_100 = arith.addi %add3A_96, %add3A_99 : i32
      %lt3A_101 = arith.constant 250 : i32
      %lt3A_102 = arith.cmpi slt, %add3A_100, %lt3A_101 : i32
      %convert_element_type3A_103 = arith.extui %lt3A_102 : i1 to i32
      %cond3A_104 = arith.constant 0 : i32
      %cond3A_105 = arith.cmpi ne, %convert_element_type3A_103, %cond3A_104 : i32
      scf.if %cond3A_105 {
        %ge3A = arith.constant 2 : i32
        %ge3A_182 = arith.cmpi sge, %add3A_96, %ge3A : i32
        %convert_element_type3A_183 = arith.extui %ge3A_182 : i1 to i32
        %cond3A_184 = arith.constant 0 : i32
        %cond3A_185 = arith.cmpi ne, %convert_element_type3A_183, %cond3A_184 : i32
        scf.if %cond3A_185 {
          %dma_wait3A_204 = arith.constant 0 : i32
          %dma_wait3A_205 = arith.constant 0 : i32
          %dma_wait3A_206 = tpu.memref_slice %arg18[%dma_wait3A_204, %dma_wait3A_205] : memref<10240x64xf32, #tpu.memory_space<vmem_shared>> -> memref<10240x64xf32, #tpu.memory_space<vmem_shared>>
          tpu.wait_indirect_dma semaphore(%arg33 : memref<!tpu.dma_semaphore, #tpu.memory_space<semaphore_mem>>) src(%arg15 : memref<80x64xf32, #tpu.memory_space<vmem>>) dst(%dma_wait3A_206 : memref<10240x64xf32, #tpu.memory_space<vmem_shared>>)
        } else {
        }
        %add3A_186 = arith.constant 2 : i32
        %add3A_187 = arith.addi %add3A_96, %add3A_186 : i32
        %add3A_188 = arith.constant 320000 : i32
        %add3A_189 = arith.addi %add3A_188, %mul3A_24 : i32
        %mul3A_190 = arith.constant 80 : i32
        %mul3A_191 = arith.muli %add3A_187, %mul3A_190 : i32
        %add3A_192 = arith.addi %add3A_189, %mul3A_191 : i32
        %dma_start3A_193 = tpu.memref_slice %arg3[%add3A_192] : memref<640000xi32, #tpu.memory_space<hbm>> -> memref<80xi32, #tpu.memory_space<hbm>>
        %dma_start3A_194 = tpu.memref_slice %arg3[%add3A_192] : memref<640000xi32, #tpu.memory_space<hbm>> -> memref<80xi32, #tpu.memory_space<hbm>>
        tpu.enqueue_dma source(%dma_start3A_194 : memref<80xi32, #tpu.memory_space<hbm>>) target(%arg11 : memref<80xi32, #tpu.memory_space<vmem>>) target_semaphore(%arg25 : memref<!tpu.dma_semaphore, #tpu.memory_space<semaphore_mem>>)
        %dma_wait3A_195 = tpu.memref_slice %arg3[%mul3A_24] : memref<640000xi32, #tpu.memory_space<hbm>> -> memref<80xi32, #tpu.memory_space<hbm>>
        %dma_wait3A_196 = tpu.memref_slice %arg3[%mul3A_24] : memref<640000xi32, #tpu.memory_space<hbm>> -> memref<80xi32, #tpu.memory_space<hbm>>
        tpu.wait_dma2 semaphore(%arg21 : memref<!tpu.dma_semaphore, #tpu.memory_space<semaphore_mem>>) src(%dma_wait3A_196 : memref<80xi32, #tpu.memory_space<hbm>>) dst(%arg7 : memref<80xi32, #tpu.memory_space<vmem>>)
        %dma_start3A_197 = arith.constant 0 : i32
        %dma_start3A_198 = arith.constant 0 : i32
        %dma_start3A_199 = tpu.memref_slice %arg2[%arg0, %dma_start3A_197, %dma_start3A_198] : memref<2x10000x64xf32, #tpu.memory_space<hbm>> -> memref<1x10000x64xf32, #tpu.memory_space<hbm>>
        %dma_start3A_200 = tpu.memref_squeeze %dma_start3A_199 : memref<1x10000x64xf32, #tpu.memory_space<hbm>> -> memref<10000x64xf32, #tpu.memory_space<hbm>>
        %dma_start3A_201 = arith.constant 0 : i32
        %dma_start3A_202 = arith.constant 0 : i32
        %dma_start3A_203 = tpu.memref_slice %dma_start3A_200[%dma_start3A_201, %dma_start3A_202] : memref<10000x64xf32, #tpu.memory_space<hbm>> -> memref<10000x64xf32, #tpu.memory_space<hbm>>
        tpu.enqueue_indirect_dma source(%dma_start3A_203 : memref<10000x64xf32, #tpu.memory_space<hbm>>) target(%arg15 : memref<80x64xf32, #tpu.memory_space<vmem>>) offsets(%arg7 : memref<80xi32, #tpu.memory_space<vmem>>) semaphore(%arg29 : memref<!tpu.dma_semaphore, #tpu.memory_space<semaphore_mem>>)
      } else {
      }
      %add3A_106 = arith.constant 4 : i32
      %add3A_107 = arith.addi %add3A_96, %add3A_106 : i32
      %lt3A_108 = arith.constant 250 : i32
      %lt3A_109 = arith.cmpi slt, %add3A_107, %lt3A_108 : i32
      %convert_element_type3A_110 = arith.extui %lt3A_109 : i1 to i32
      %cond3A_111 = arith.constant 0 : i32
      %cond3A_112 = arith.cmpi ne, %convert_element_type3A_110, %cond3A_111 : i32
      scf.if %cond3A_112 {
        %add3A_182 = arith.constant 4 : i32
        %add3A_183 = arith.addi %add3A_96, %add3A_182 : i32
        %mul3A_184 = arith.constant 80 : i32
        %mul3A_185 = arith.muli %add3A_183, %mul3A_184 : i32
        %add3A_186 = arith.addi %mul3A_24, %mul3A_185 : i32
        %dma_start3A_187 = tpu.memref_slice %arg3[%add3A_186] : memref<640000xi32, #tpu.memory_space<hbm>> -> memref<80xi32, #tpu.memory_space<hbm>>
        %dma_start3A_188 = tpu.memref_slice %arg3[%add3A_186] : memref<640000xi32, #tpu.memory_space<hbm>> -> memref<80xi32, #tpu.memory_space<hbm>>
        tpu.enqueue_dma source(%dma_start3A_188 : memref<80xi32, #tpu.memory_space<hbm>>) target(%arg5 : memref<80xi32, #tpu.memory_space<vmem>>) target_semaphore(%arg19 : memref<!tpu.dma_semaphore, #tpu.memory_space<semaphore_mem>>)
      } else {
      }
      %mul3A_113 = arith.constant 4 : i32
      %mul3A_114 = arith.muli %scan3A_92, %mul3A_113 : i32
      %add3A_115 = arith.constant 1 : i32
      %add3A_116 = arith.addi %mul3A_114, %add3A_115 : i32
      %lt3A_117 = arith.constant 250 : i32
      %lt3A_118 = arith.cmpi slt, %add3A_116, %lt3A_117 : i32
      %convert_element_type3A_119 = arith.extui %lt3A_118 : i1 to i32
      %cond3A_120 = arith.constant 0 : i32
      %cond3A_121 = arith.cmpi ne, %convert_element_type3A_119, %cond3A_120 : i32
      scf.if %cond3A_121 {
        %dma_wait3A_182 = arith.constant 0 : i32
        %dma_wait3A_183 = arith.constant 0 : i32
        %dma_wait3A_184 = tpu.memref_slice %arg2[%arg0, %dma_wait3A_182, %dma_wait3A_183] : memref<2x10000x64xf32, #tpu.memory_space<hbm>> -> memref<1x10000x64xf32, #tpu.memory_space<hbm>>
        %dma_wait3A_185 = tpu.memref_squeeze %dma_wait3A_184 : memref<1x10000x64xf32, #tpu.memory_space<hbm>> -> memref<10000x64xf32, #tpu.memory_space<hbm>>
        %dma_wait3A_186 = arith.constant 0 : i32
        %dma_wait3A_187 = arith.constant 0 : i32
        %dma_wait3A_188 = tpu.memref_slice %dma_wait3A_185[%dma_wait3A_186, %dma_wait3A_187] : memref<10000x64xf32, #tpu.memory_space<hbm>> -> memref<10000x64xf32, #tpu.memory_space<hbm>>
        tpu.wait_indirect_dma semaphore(%arg28 : memref<!tpu.dma_semaphore, #tpu.memory_space<semaphore_mem>>) src(%dma_wait3A_188 : memref<10000x64xf32, #tpu.memory_space<hbm>>) dst(%arg14 : memref<80x64xf32, #tpu.memory_space<vmem>>)
        %dma_wait3A_189 = tpu.memref_slice %arg3[%mul3A_24] : memref<640000xi32, #tpu.memory_space<hbm>> -> memref<80xi32, #tpu.memory_space<hbm>>
        %dma_wait3A_190 = tpu.memref_slice %arg3[%mul3A_24] : memref<640000xi32, #tpu.memory_space<hbm>> -> memref<80xi32, #tpu.memory_space<hbm>>
        tpu.wait_dma2 semaphore(%arg24 : memref<!tpu.dma_semaphore, #tpu.memory_space<semaphore_mem>>) src(%dma_wait3A_190 : memref<80xi32, #tpu.memory_space<hbm>>) dst(%arg10 : memref<80xi32, #tpu.memory_space<vmem>>)
        %dma_start3A_191 = arith.constant 0 : i32
        %dma_start3A_192 = arith.constant 0 : i32
        %dma_start3A_193 = tpu.memref_slice %arg18[%dma_start3A_191, %dma_start3A_192] : memref<10240x64xf32, #tpu.memory_space<vmem_shared>> -> memref<10240x64xf32, #tpu.memory_space<vmem_shared>>
        tpu.enqueue_indirect_dma source(%arg14 : memref<80x64xf32, #tpu.memory_space<vmem>>) target(%dma_start3A_193 : memref<10240x64xf32, #tpu.memory_space<vmem_shared>>) offsets(%arg10 : memref<80xi32, #tpu.memory_space<vmem>>) semaphore(%arg32 : memref<!tpu.dma_semaphore, #tpu.memory_space<semaphore_mem>>) {add = true}
      } else {
      }
      %add3A_122 = arith.constant 2 : i32
      %add3A_123 = arith.addi %add3A_116, %add3A_122 : i32
      %lt3A_124 = arith.constant 250 : i32
      %lt3A_125 = arith.cmpi slt, %add3A_123, %lt3A_124 : i32
      %convert_element_type3A_126 = arith.extui %lt3A_125 : i1 to i32
      %cond3A_127 = arith.constant 0 : i32
      %cond3A_128 = arith.cmpi ne, %convert_element_type3A_126, %cond3A_127 : i32
      scf.if %cond3A_128 {
        %ge3A = arith.constant 2 : i32
        %ge3A_182 = arith.cmpi sge, %add3A_116, %ge3A : i32
        %convert_element_type3A_183 = arith.extui %ge3A_182 : i1 to i32
        %cond3A_184 = arith.constant 0 : i32
        %cond3A_185 = arith.cmpi ne, %convert_element_type3A_183, %cond3A_184 : i32
        scf.if %cond3A_185 {
          %dma_wait3A_204 = arith.constant 0 : i32
          %dma_wait3A_205 = arith.constant 0 : i32
          %dma_wait3A_206 = tpu.memref_slice %arg18[%dma_wait3A_204, %dma_wait3A_205] : memref<10240x64xf32, #tpu.memory_space<vmem_shared>> -> memref<10240x64xf32, #tpu.memory_space<vmem_shared>>
          tpu.wait_indirect_dma semaphore(%arg34 : memref<!tpu.dma_semaphore, #tpu.memory_space<semaphore_mem>>) src(%arg16 : memref<80x64xf32, #tpu.memory_space<vmem>>) dst(%dma_wait3A_206 : memref<10240x64xf32, #tpu.memory_space<vmem_shared>>)
        } else {
        }
        %add3A_186 = arith.constant 2 : i32
        %add3A_187 = arith.addi %add3A_116, %add3A_186 : i32
        %add3A_188 = arith.constant 320000 : i32
        %add3A_189 = arith.addi %add3A_188, %mul3A_24 : i32
        %mul3A_190 = arith.constant 80 : i32
        %mul3A_191 = arith.muli %add3A_187, %mul3A_190 : i32
        %add3A_192 = arith.addi %add3A_189, %mul3A_191 : i32
        %dma_start3A_193 = tpu.memref_slice %arg3[%add3A_192] : memref<640000xi32, #tpu.memory_space<hbm>> -> memref<80xi32, #tpu.memory_space<hbm>>
        %dma_start3A_194 = tpu.memref_slice %arg3[%add3A_192] : memref<640000xi32, #tpu.memory_space<hbm>> -> memref<80xi32, #tpu.memory_space<hbm>>
        tpu.enqueue_dma source(%dma_start3A_194 : memref<80xi32, #tpu.memory_space<hbm>>) target(%arg12 : memref<80xi32, #tpu.memory_space<vmem>>) target_semaphore(%arg26 : memref<!tpu.dma_semaphore, #tpu.memory_space<semaphore_mem>>)
        %dma_wait3A_195 = tpu.memref_slice %arg3[%mul3A_24] : memref<640000xi32, #tpu.memory_space<hbm>> -> memref<80xi32, #tpu.memory_space<hbm>>
        %dma_wait3A_196 = tpu.memref_slice %arg3[%mul3A_24] : memref<640000xi32, #tpu.memory_space<hbm>> -> memref<80xi32, #tpu.memory_space<hbm>>
        tpu.wait_dma2 semaphore(%arg22 : memref<!tpu.dma_semaphore, #tpu.memory_space<semaphore_mem>>) src(%dma_wait3A_196 : memref<80xi32, #tpu.memory_space<hbm>>) dst(%arg8 : memref<80xi32, #tpu.memory_space<vmem>>)
        %dma_start3A_197 = arith.constant 0 : i32
        %dma_start3A_198 = arith.constant 0 : i32
        %dma_start3A_199 = tpu.memref_slice %arg2[%arg0, %dma_start3A_197, %dma_start3A_198] : memref<2x10000x64xf32, #tpu.memory_space<hbm>> -> memref<1x10000x64xf32, #tpu.memory_space<hbm>>
        %dma_start3A_200 = tpu.memref_squeeze %dma_start3A_199 : memref<1x10000x64xf32, #tpu.memory_space<hbm>> -> memref<10000x64xf32, #tpu.memory_space<hbm>>
        %dma_start3A_201 = arith.constant 0 : i32
        %dma_start3A_202 = arith.constant 0 : i32
        %dma_start3A_203 = tpu.memref_slice %dma_start3A_200[%dma_start3A_201, %dma_start3A_202] : memref<10000x64xf32, #tpu.memory_space<hbm>> -> memref<10000x64xf32, #tpu.memory_space<hbm>>
        tpu.enqueue_indirect_dma source(%dma_start3A_203 : memref<10000x64xf32, #tpu.memory_space<hbm>>) target(%arg16 : memref<80x64xf32, #tpu.memory_space<vmem>>) offsets(%arg8 : memref<80xi32, #tpu.memory_space<vmem>>) semaphore(%arg30 : memref<!tpu.dma_semaphore, #tpu.memory_space<semaphore_mem>>)
      } else {
      }
      %add3A_129 = arith.constant 4 : i32
      %add3A_130 = arith.addi %add3A_116, %add3A_129 : i32
      %lt3A_131 = arith.constant 250 : i32
      %lt3A_132 = arith.cmpi slt, %add3A_130, %lt3A_131 : i32
      %convert_element_type3A_133 = arith.extui %lt3A_132 : i1 to i32
      %cond3A_134 = arith.constant 0 : i32
      %cond3A_135 = arith.cmpi ne, %convert_element_type3A_133, %cond3A_134 : i32
      scf.if %cond3A_135 {
        %add3A_182 = arith.constant 4 : i32
        %add3A_183 = arith.addi %add3A_116, %add3A_182 : i32
        %mul3A_184 = arith.constant 80 : i32
        %mul3A_185 = arith.muli %add3A_183, %mul3A_184 : i32
        %add3A_186 = arith.addi %mul3A_24, %mul3A_185 : i32
        %dma_start3A_187 = tpu.memref_slice %arg3[%add3A_186] : memref<640000xi32, #tpu.memory_space<hbm>> -> memref<80xi32, #tpu.memory_space<hbm>>
        %dma_start3A_188 = tpu.memref_slice %arg3[%add3A_186] : memref<640000xi32, #tpu.memory_space<hbm>> -> memref<80xi32, #tpu.memory_space<hbm>>
        tpu.enqueue_dma source(%dma_start3A_188 : memref<80xi32, #tpu.memory_space<hbm>>) target(%arg6 : memref<80xi32, #tpu.memory_space<vmem>>) target_semaphore(%arg20 : memref<!tpu.dma_semaphore, #tpu.memory_space<semaphore_mem>>)
      } else {
      }
      %mul3A_136 = arith.constant 4 : i32
      %mul3A_137 = arith.muli %scan3A_92, %mul3A_136 : i32
      %add3A_138 = arith.constant 2 : i32
      %add3A_139 = arith.addi %mul3A_137, %add3A_138 : i32
      %lt3A_140 = arith.constant 250 : i32
      %lt3A_141 = arith.cmpi slt, %add3A_139, %lt3A_140 : i32
      %convert_element_type3A_142 = arith.extui %lt3A_141 : i1 to i32
      %cond3A_143 = arith.constant 0 : i32
      %cond3A_144 = arith.cmpi ne, %convert_element_type3A_142, %cond3A_143 : i32
      scf.if %cond3A_144 {
        %dma_wait3A_182 = arith.constant 0 : i32
        %dma_wait3A_183 = arith.constant 0 : i32
        %dma_wait3A_184 = tpu.memref_slice %arg2[%arg0, %dma_wait3A_182, %dma_wait3A_183] : memref<2x10000x64xf32, #tpu.memory_space<hbm>> -> memref<1x10000x64xf32, #tpu.memory_space<hbm>>
        %dma_wait3A_185 = tpu.memref_squeeze %dma_wait3A_184 : memref<1x10000x64xf32, #tpu.memory_space<hbm>> -> memref<10000x64xf32, #tpu.memory_space<hbm>>
        %dma_wait3A_186 = arith.constant 0 : i32
        %dma_wait3A_187 = arith.constant 0 : i32
        %dma_wait3A_188 = tpu.memref_slice %dma_wait3A_185[%dma_wait3A_186, %dma_wait3A_187] : memref<10000x64xf32, #tpu.memory_space<hbm>> -> memref<10000x64xf32, #tpu.memory_space<hbm>>
        tpu.wait_indirect_dma semaphore(%arg29 : memref<!tpu.dma_semaphore, #tpu.memory_space<semaphore_mem>>) src(%dma_wait3A_188 : memref<10000x64xf32, #tpu.memory_space<hbm>>) dst(%arg15 : memref<80x64xf32, #tpu.memory_space<vmem>>)
        %dma_wait3A_189 = tpu.memref_slice %arg3[%mul3A_24] : memref<640000xi32, #tpu.memory_space<hbm>> -> memref<80xi32, #tpu.memory_space<hbm>>
        %dma_wait3A_190 = tpu.memref_slice %arg3[%mul3A_24] : memref<640000xi32, #tpu.memory_space<hbm>> -> memref<80xi32, #tpu.memory_space<hbm>>
        tpu.wait_dma2 semaphore(%arg25 : memref<!tpu.dma_semaphore, #tpu.memory_space<semaphore_mem>>) src(%dma_wait3A_190 : memref<80xi32, #tpu.memory_space<hbm>>) dst(%arg11 : memref<80xi32, #tpu.memory_space<vmem>>)
        %dma_start3A_191 = arith.constant 0 : i32
        %dma_start3A_192 = arith.constant 0 : i32
        %dma_start3A_193 = tpu.memref_slice %arg18[%dma_start3A_191, %dma_start3A_192] : memref<10240x64xf32, #tpu.memory_space<vmem_shared>> -> memref<10240x64xf32, #tpu.memory_space<vmem_shared>>
        tpu.enqueue_indirect_dma source(%arg15 : memref<80x64xf32, #tpu.memory_space<vmem>>) target(%dma_start3A_193 : memref<10240x64xf32, #tpu.memory_space<vmem_shared>>) offsets(%arg11 : memref<80xi32, #tpu.memory_space<vmem>>) semaphore(%arg33 : memref<!tpu.dma_semaphore, #tpu.memory_space<semaphore_mem>>) {add = true}
      } else {
      }
      %add3A_145 = arith.constant 2 : i32
      %add3A_146 = arith.addi %add3A_139, %add3A_145 : i32
      %lt3A_147 = arith.constant 250 : i32
      %lt3A_148 = arith.cmpi slt, %add3A_146, %lt3A_147 : i32
      %convert_element_type3A_149 = arith.extui %lt3A_148 : i1 to i32
      %cond3A_150 = arith.constant 0 : i32
      %cond3A_151 = arith.cmpi ne, %convert_element_type3A_149, %cond3A_150 : i32
      scf.if %cond3A_151 {
        %ge3A = arith.constant 2 : i32
        %ge3A_182 = arith.cmpi sge, %add3A_139, %ge3A : i32
        %convert_element_type3A_183 = arith.extui %ge3A_182 : i1 to i32
        %cond3A_184 = arith.constant 0 : i32
        %cond3A_185 = arith.cmpi ne, %convert_element_type3A_183, %cond3A_184 : i32
        scf.if %cond3A_185 {
          %dma_wait3A_204 = arith.constant 0 : i32
          %dma_wait3A_205 = arith.constant 0 : i32
          %dma_wait3A_206 = tpu.memref_slice %arg18[%dma_wait3A_204, %dma_wait3A_205] : memref<10240x64xf32, #tpu.memory_space<vmem_shared>> -> memref<10240x64xf32, #tpu.memory_space<vmem_shared>>
          tpu.wait_indirect_dma semaphore(%arg31 : memref<!tpu.dma_semaphore, #tpu.memory_space<semaphore_mem>>) src(%arg13 : memref<80x64xf32, #tpu.memory_space<vmem>>) dst(%dma_wait3A_206 : memref<10240x64xf32, #tpu.memory_space<vmem_shared>>)
        } else {
        }
        %add3A_186 = arith.constant 2 : i32
        %add3A_187 = arith.addi %add3A_139, %add3A_186 : i32
        %add3A_188 = arith.constant 320000 : i32
        %add3A_189 = arith.addi %add3A_188, %mul3A_24 : i32
        %mul3A_190 = arith.constant 80 : i32
        %mul3A_191 = arith.muli %add3A_187, %mul3A_190 : i32
        %add3A_192 = arith.addi %add3A_189, %mul3A_191 : i32
        %dma_start3A_193 = tpu.memref_slice %arg3[%add3A_192] : memref<640000xi32, #tpu.memory_space<hbm>> -> memref<80xi32, #tpu.memory_space<hbm>>
        %dma_start3A_194 = tpu.memref_slice %arg3[%add3A_192] : memref<640000xi32, #tpu.memory_space<hbm>> -> memref<80xi32, #tpu.memory_space<hbm>>
        tpu.enqueue_dma source(%dma_start3A_194 : memref<80xi32, #tpu.memory_space<hbm>>) target(%arg9 : memref<80xi32, #tpu.memory_space<vmem>>) target_semaphore(%arg23 : memref<!tpu.dma_semaphore, #tpu.memory_space<semaphore_mem>>)
        %dma_wait3A_195 = tpu.memref_slice %arg3[%mul3A_24] : memref<640000xi32, #tpu.memory_space<hbm>> -> memref<80xi32, #tpu.memory_space<hbm>>
        %dma_wait3A_196 = tpu.memref_slice %arg3[%mul3A_24] : memref<640000xi32, #tpu.memory_space<hbm>> -> memref<80xi32, #tpu.memory_space<hbm>>
        tpu.wait_dma2 semaphore(%arg19 : memref<!tpu.dma_semaphore, #tpu.memory_space<semaphore_mem>>) src(%dma_wait3A_196 : memref<80xi32, #tpu.memory_space<hbm>>) dst(%arg5 : memref<80xi32, #tpu.memory_space<vmem>>)
        %dma_start3A_197 = arith.constant 0 : i32
        %dma_start3A_198 = arith.constant 0 : i32
        %dma_start3A_199 = tpu.memref_slice %arg2[%arg0, %dma_start3A_197, %dma_start3A_198] : memref<2x10000x64xf32, #tpu.memory_space<hbm>> -> memref<1x10000x64xf32, #tpu.memory_space<hbm>>
        %dma_start3A_200 = tpu.memref_squeeze %dma_start3A_199 : memref<1x10000x64xf32, #tpu.memory_space<hbm>> -> memref<10000x64xf32, #tpu.memory_space<hbm>>
        %dma_start3A_201 = arith.constant 0 : i32
        %dma_start3A_202 = arith.constant 0 : i32
        %dma_start3A_203 = tpu.memref_slice %dma_start3A_200[%dma_start3A_201, %dma_start3A_202] : memref<10000x64xf32, #tpu.memory_space<hbm>> -> memref<10000x64xf32, #tpu.memory_space<hbm>>
        tpu.enqueue_indirect_dma source(%dma_start3A_203 : memref<10000x64xf32, #tpu.memory_space<hbm>>) target(%arg13 : memref<80x64xf32, #tpu.memory_space<vmem>>) offsets(%arg5 : memref<80xi32, #tpu.memory_space<vmem>>) semaphore(%arg27 : memref<!tpu.dma_semaphore, #tpu.memory_space<semaphore_mem>>)
      } else {
      }
      %add3A_152 = arith.constant 4 : i32
      %add3A_153 = arith.addi %add3A_139, %add3A_152 : i32
      %lt3A_154 = arith.constant 250 : i32
      %lt3A_155 = arith.cmpi slt, %add3A_153, %lt3A_154 : i32
      %convert_element_type3A_156 = arith.extui %lt3A_155 : i1 to i32
      %cond3A_157 = arith.constant 0 : i32
      %cond3A_158 = arith.cmpi ne, %convert_element_type3A_156, %cond3A_157 : i32
      scf.if %cond3A_158 {
        %add3A_182 = arith.constant 4 : i32
        %add3A_183 = arith.addi %add3A_139, %add3A_182 : i32
        %mul3A_184 = arith.constant 80 : i32
        %mul3A_185 = arith.muli %add3A_183, %mul3A_184 : i32
        %add3A_186 = arith.addi %mul3A_24, %mul3A_185 : i32
        %dma_start3A_187 = tpu.memref_slice %arg3[%add3A_186] : memref<640000xi32, #tpu.memory_space<hbm>> -> memref<80xi32, #tpu.memory_space<hbm>>
        %dma_start3A_188 = tpu.memref_slice %arg3[%add3A_186] : memref<640000xi32, #tpu.memory_space<hbm>> -> memref<80xi32, #tpu.memory_space<hbm>>
        tpu.enqueue_dma source(%dma_start3A_188 : memref<80xi32, #tpu.memory_space<hbm>>) target(%arg7 : memref<80xi32, #tpu.memory_space<vmem>>) target_semaphore(%arg21 : memref<!tpu.dma_semaphore, #tpu.memory_space<semaphore_mem>>)
      } else {
      }
      %mul3A_159 = arith.constant 4 : i32
      %mul3A_160 = arith.muli %scan3A_92, %mul3A_159 : i32
      %add3A_161 = arith.constant 3 : i32
      %add3A_162 = arith.addi %mul3A_160, %add3A_161 : i32
      %lt3A_163 = arith.constant 250 : i32
      %lt3A_164 = arith.cmpi slt, %add3A_162, %lt3A_163 : i32
      %convert_element_type3A_165 = arith.extui %lt3A_164 : i1 to i32
      %cond3A_166 = arith.constant 0 : i32
      %cond3A_167 = arith.cmpi ne, %convert_element_type3A_165, %cond3A_166 : i32
      scf.if %cond3A_167 {
        %dma_wait3A_182 = arith.constant 0 : i32
        %dma_wait3A_183 = arith.constant 0 : i32
        %dma_wait3A_184 = tpu.memref_slice %arg2[%arg0, %dma_wait3A_182, %dma_wait3A_183] : memref<2x10000x64xf32, #tpu.memory_space<hbm>> -> memref<1x10000x64xf32, #tpu.memory_space<hbm>>
        %dma_wait3A_185 = tpu.memref_squeeze %dma_wait3A_184 : memref<1x10000x64xf32, #tpu.memory_space<hbm>> -> memref<10000x64xf32, #tpu.memory_space<hbm>>
        %dma_wait3A_186 = arith.constant 0 : i32
        %dma_wait3A_187 = arith.constant 0 : i32
        %dma_wait3A_188 = tpu.memref_slice %dma_wait3A_185[%dma_wait3A_186, %dma_wait3A_187] : memref<10000x64xf32, #tpu.memory_space<hbm>> -> memref<10000x64xf32, #tpu.memory_space<hbm>>
        tpu.wait_indirect_dma semaphore(%arg30 : memref<!tpu.dma_semaphore, #tpu.memory_space<semaphore_mem>>) src(%dma_wait3A_188 : memref<10000x64xf32, #tpu.memory_space<hbm>>) dst(%arg16 : memref<80x64xf32, #tpu.memory_space<vmem>>)
        %dma_wait3A_189 = tpu.memref_slice %arg3[%mul3A_24] : memref<640000xi32, #tpu.memory_space<hbm>> -> memref<80xi32, #tpu.memory_space<hbm>>
        %dma_wait3A_190 = tpu.memref_slice %arg3[%mul3A_24] : memref<640000xi32, #tpu.memory_space<hbm>> -> memref<80xi32, #tpu.memory_space<hbm>>
        tpu.wait_dma2 semaphore(%arg26 : memref<!tpu.dma_semaphore, #tpu.memory_space<semaphore_mem>>) src(%dma_wait3A_190 : memref<80xi32, #tpu.memory_space<hbm>>) dst(%arg12 : memref<80xi32, #tpu.memory_space<vmem>>)
        %dma_start3A_191 = arith.constant 0 : i32
        %dma_start3A_192 = arith.constant 0 : i32
        %dma_start3A_193 = tpu.memref_slice %arg18[%dma_start3A_191, %dma_start3A_192] : memref<10240x64xf32, #tpu.memory_space<vmem_shared>> -> memref<10240x64xf32, #tpu.memory_space<vmem_shared>>
        tpu.enqueue_indirect_dma source(%arg16 : memref<80x64xf32, #tpu.memory_space<vmem>>) target(%dma_start3A_193 : memref<10240x64xf32, #tpu.memory_space<vmem_shared>>) offsets(%arg12 : memref<80xi32, #tpu.memory_space<vmem>>) semaphore(%arg34 : memref<!tpu.dma_semaphore, #tpu.memory_space<semaphore_mem>>) {add = true}
      } else {
      }
      %add3A_168 = arith.constant 2 : i32
      %add3A_169 = arith.addi %add3A_162, %add3A_168 : i32
      %lt3A_170 = arith.constant 250 : i32
      %lt3A_171 = arith.cmpi slt, %add3A_169, %lt3A_170 : i32
      %convert_element_type3A_172 = arith.extui %lt3A_171 : i1 to i32
      %cond3A_173 = arith.constant 0 : i32
      %cond3A_174 = arith.cmpi ne, %convert_element_type3A_172, %cond3A_173 : i32
      scf.if %cond3A_174 {
        %ge3A = arith.constant 2 : i32
        %ge3A_182 = arith.cmpi sge, %add3A_162, %ge3A : i32
        %convert_element_type3A_183 = arith.extui %ge3A_182 : i1 to i32
        %cond3A_184 = arith.constant 0 : i32
        %cond3A_185 = arith.cmpi ne, %convert_element_type3A_183, %cond3A_184 : i32
        scf.if %cond3A_185 {
          %dma_wait3A_204 = arith.constant 0 : i32
          %dma_wait3A_205 = arith.constant 0 : i32
          %dma_wait3A_206 = tpu.memref_slice %arg18[%dma_wait3A_204, %dma_wait3A_205] : memref<10240x64xf32, #tpu.memory_space<vmem_shared>> -> memref<10240x64xf32, #tpu.memory_space<vmem_shared>>
          tpu.wait_indirect_dma semaphore(%arg32 : memref<!tpu.dma_semaphore, #tpu.memory_space<semaphore_mem>>) src(%arg14 : memref<80x64xf32, #tpu.memory_space<vmem>>) dst(%dma_wait3A_206 : memref<10240x64xf32, #tpu.memory_space<vmem_shared>>)
        } else {
        }
        %add3A_186 = arith.constant 2 : i32
        %add3A_187 = arith.addi %add3A_162, %add3A_186 : i32
        %add3A_188 = arith.constant 320000 : i32
        %add3A_189 = arith.addi %add3A_188, %mul3A_24 : i32
        %mul3A_190 = arith.constant 80 : i32
        %mul3A_191 = arith.muli %add3A_187, %mul3A_190 : i32
        %add3A_192 = arith.addi %add3A_189, %mul3A_191 : i32
        %dma_start3A_193 = tpu.memref_slice %arg3[%add3A_192] : memref<640000xi32, #tpu.memory_space<hbm>> -> memref<80xi32, #tpu.memory_space<hbm>>
        %dma_start3A_194 = tpu.memref_slice %arg3[%add3A_192] : memref<640000xi32, #tpu.memory_space<hbm>> -> memref<80xi32, #tpu.memory_space<hbm>>
        tpu.enqueue_dma source(%dma_start3A_194 : memref<80xi32, #tpu.memory_space<hbm>>) target(%arg10 : memref<80xi32, #tpu.memory_space<vmem>>) target_semaphore(%arg24 : memref<!tpu.dma_semaphore, #tpu.memory_space<semaphore_mem>>)
        %dma_wait3A_195 = tpu.memref_slice %arg3[%mul3A_24] : memref<640000xi32, #tpu.memory_space<hbm>> -> memref<80xi32, #tpu.memory_space<hbm>>
        %dma_wait3A_196 = tpu.memref_slice %arg3[%mul3A_24] : memref<640000xi32, #tpu.memory_space<hbm>> -> memref<80xi32, #tpu.memory_space<hbm>>
        tpu.wait_dma2 semaphore(%arg20 : memref<!tpu.dma_semaphore, #tpu.memory_space<semaphore_mem>>) src(%dma_wait3A_196 : memref<80xi32, #tpu.memory_space<hbm>>) dst(%arg6 : memref<80xi32, #tpu.memory_space<vmem>>)
        %dma_start3A_197 = arith.constant 0 : i32
        %dma_start3A_198 = arith.constant 0 : i32
        %dma_start3A_199 = tpu.memref_slice %arg2[%arg0, %dma_start3A_197, %dma_start3A_198] : memref<2x10000x64xf32, #tpu.memory_space<hbm>> -> memref<1x10000x64xf32, #tpu.memory_space<hbm>>
        %dma_start3A_200 = tpu.memref_squeeze %dma_start3A_199 : memref<1x10000x64xf32, #tpu.memory_space<hbm>> -> memref<10000x64xf32, #tpu.memory_space<hbm>>
        %dma_start3A_201 = arith.constant 0 : i32
        %dma_start3A_202 = arith.constant 0 : i32
        %dma_start3A_203 = tpu.memref_slice %dma_start3A_200[%dma_start3A_201, %dma_start3A_202] : memref<10000x64xf32, #tpu.memory_space<hbm>> -> memref<10000x64xf32, #tpu.memory_space<hbm>>
        tpu.enqueue_indirect_dma source(%dma_start3A_203 : memref<10000x64xf32, #tpu.memory_space<hbm>>) target(%arg14 : memref<80x64xf32, #tpu.memory_space<vmem>>) offsets(%arg6 : memref<80xi32, #tpu.memory_space<vmem>>) semaphore(%arg28 : memref<!tpu.dma_semaphore, #tpu.memory_space<semaphore_mem>>)
      } else {
      }
      %add3A_175 = arith.constant 4 : i32
      %add3A_176 = arith.addi %add3A_162, %add3A_175 : i32
      %lt3A_177 = arith.constant 250 : i32
      %lt3A_178 = arith.cmpi slt, %add3A_176, %lt3A_177 : i32
      %convert_element_type3A_179 = arith.extui %lt3A_178 : i1 to i32
      %cond3A_180 = arith.constant 0 : i32
      %cond3A_181 = arith.cmpi ne, %convert_element_type3A_179, %cond3A_180 : i32
      scf.if %cond3A_181 {
        %add3A_182 = arith.constant 4 : i32
        %add3A_183 = arith.addi %add3A_162, %add3A_182 : i32
        %mul3A_184 = arith.constant 80 : i32
        %mul3A_185 = arith.muli %add3A_183, %mul3A_184 : i32
        %add3A_186 = arith.addi %mul3A_24, %mul3A_185 : i32
        %dma_start3A_187 = tpu.memref_slice %arg3[%add3A_186] : memref<640000xi32, #tpu.memory_space<hbm>> -> memref<80xi32, #tpu.memory_space<hbm>>
        %dma_start3A_188 = tpu.memref_slice %arg3[%add3A_186] : memref<640000xi32, #tpu.memory_space<hbm>> -> memref<80xi32, #tpu.memory_space<hbm>>
        tpu.enqueue_dma source(%dma_start3A_188 : memref<80xi32, #tpu.memory_space<hbm>>) target(%arg8 : memref<80xi32, #tpu.memory_space<vmem>>) target_semaphore(%arg22 : memref<!tpu.dma_semaphore, #tpu.memory_space<semaphore_mem>>)
      } else {
      }
    }
    %scan3A_74 = arith.constant 63 : i32
    %dma_wait3A_75 = arith.constant 0 : i32
    %dma_wait3A_76 = arith.constant 0 : i32
    %dma_wait3A_77 = tpu.memref_slice %arg18[%dma_wait3A_75, %dma_wait3A_76] : memref<10240x64xf32, #tpu.memory_space<vmem_shared>> -> memref<10240x64xf32, #tpu.memory_space<vmem_shared>>
    tpu.wait_indirect_dma semaphore(%arg31 : memref<!tpu.dma_semaphore, #tpu.memory_space<semaphore_mem>>) src(%arg13 : memref<80x64xf32, #tpu.memory_space<vmem>>) dst(%dma_wait3A_77 : memref<10240x64xf32, #tpu.memory_space<vmem_shared>>)
    %dma_wait3A_78 = arith.constant 0 : i32
    %dma_wait3A_79 = arith.constant 0 : i32
    %dma_wait3A_80 = tpu.memref_slice %arg18[%dma_wait3A_78, %dma_wait3A_79] : memref<10240x64xf32, #tpu.memory_space<vmem_shared>> -> memref<10240x64xf32, #tpu.memory_space<vmem_shared>>
    tpu.wait_indirect_dma semaphore(%arg32 : memref<!tpu.dma_semaphore, #tpu.memory_space<semaphore_mem>>) src(%arg14 : memref<80x64xf32, #tpu.memory_space<vmem>>) dst(%dma_wait3A_80 : memref<10240x64xf32, #tpu.memory_space<vmem_shared>>)
    %dma_wait3A_81 = arith.constant 0 : i32
    %dma_wait3A_82 = arith.constant 0 : i32
    %dma_wait3A_83 = tpu.memref_slice %arg18[%dma_wait3A_81, %dma_wait3A_82] : memref<10240x64xf32, #tpu.memory_space<vmem_shared>> -> memref<10240x64xf32, #tpu.memory_space<vmem_shared>>
    tpu.wait_indirect_dma semaphore(%arg33 : memref<!tpu.dma_semaphore, #tpu.memory_space<semaphore_mem>>) src(%arg15 : memref<80x64xf32, #tpu.memory_space<vmem>>) dst(%dma_wait3A_83 : memref<10240x64xf32, #tpu.memory_space<vmem_shared>>)
    %dma_wait3A_84 = arith.constant 0 : i32
    %dma_wait3A_85 = arith.constant 0 : i32
    %dma_wait3A_86 = tpu.memref_slice %arg18[%dma_wait3A_84, %dma_wait3A_85] : memref<10240x64xf32, #tpu.memory_space<vmem_shared>> -> memref<10240x64xf32, #tpu.memory_space<vmem_shared>>
    tpu.wait_indirect_dma semaphore(%arg34 : memref<!tpu.dma_semaphore, #tpu.memory_space<semaphore_mem>>) src(%arg16 : memref<80x64xf32, #tpu.memory_space<vmem>>) dst(%dma_wait3A_86 : memref<10240x64xf32, #tpu.memory_space<vmem_shared>>)
    %barrier3A_87 = arith.constant 0 : index
    tpu.barrier barrier_id(%barrier3A_87)
    %mul3A_88 = arith.constant 640 : i32
    %mul3A_89 = arith.muli %arg1, %mul3A_88 : i32
    %mul3A_90 = arith.constant 640 : i32
    %mul3A_91 = arith.muli %arg1, %mul3A_90 : i32
    "tpu.region"() ({
      %run_scoped3A = tpu.sem_alloc : memref<!tpu.dma_semaphore, #tpu.memory_space<semaphore_mem>>
      %dma_start3A_92 = arith.constant 0 : i32
      %dma_start3A_93 = tpu.memref_slice %arg4[%arg0, %mul3A_91, %dma_start3A_92] : memref<2x10240x64xf32, #tpu.memory_space<hbm>> -> memref<1x640x64xf32, #tpu.memory_space<hbm>>
      %dma_start3A_94 = tpu.memref_squeeze %dma_start3A_93 : memref<1x640x64xf32, #tpu.memory_space<hbm>> -> memref<640x64xf32, #tpu.memory_space<hbm>>
      %dma_start3A_95 = arith.constant 0 : i32
      %dma_start3A_96 = tpu.memref_slice %arg18[%mul3A_89, %dma_start3A_95] : memref<10240x64xf32, #tpu.memory_space<vmem_shared>> -> memref<640x64xf32, #tpu.memory_space<vmem_shared>>
      tpu.enqueue_dma source(%dma_start3A_96 : memref<640x64xf32, #tpu.memory_space<vmem_shared>>) target(%dma_start3A_94 : memref<640x64xf32, #tpu.memory_space<hbm>>) target_semaphore(%run_scoped3A : memref<!tpu.dma_semaphore, #tpu.memory_space<semaphore_mem>>)
      %dma_wait3A_97 = arith.constant 0 : i32
      %dma_wait3A_98 = tpu.memref_slice %arg4[%arg0, %mul3A_91, %dma_wait3A_97] : memref<2x10240x64xf32, #tpu.memory_space<hbm>> -> memref<1x640x64xf32, #tpu.memory_space<hbm>>
      %dma_wait3A_99 = tpu.memref_squeeze %dma_wait3A_98 : memref<1x640x64xf32, #tpu.memory_space<hbm>> -> memref<640x64xf32, #tpu.memory_space<hbm>>
      %dma_wait3A_100 = arith.constant 0 : i32
      %dma_wait3A_101 = tpu.memref_slice %arg18[%mul3A_89, %dma_wait3A_100] : memref<10240x64xf32, #tpu.memory_space<vmem_shared>> -> memref<640x64xf32, #tpu.memory_space<vmem_shared>>
      tpu.wait_dma2 semaphore(%run_scoped3A : memref<!tpu.dma_semaphore, #tpu.memory_space<semaphore_mem>>) src(%dma_wait3A_101 : memref<640x64xf32, #tpu.memory_space<vmem_shared>>) dst(%dma_wait3A_99 : memref<640x64xf32, #tpu.memory_space<hbm>>)
      tpu.yield
    }) : () -> ()
    return
  }
}

#map = affine_map<(d0, d1) -> (0, 0, 0)>
#map1 = affine_map<(d0, d1) -> (0)>
module attributes {stable_mosaic.version = 14 : i64} {
  func.func @_agg_body(%arg0: i32, %arg1: i32, %arg2: memref<2x10000x64xf32, #tpu.memory_space<hbm>>, %arg3: memref<640000xi32, #tpu.memory_space<hbm>>, %arg4: memref<2x10240x64xf32, #tpu.memory_space<hbm>>, %arg5: memref<80xi32, #tpu.memory_space<vmem>>, %arg6: memref<80xi32, #tpu.memory_space<vmem>>, %arg7: memref<80xi32, #tpu.memory_space<vmem>>, %arg8: memref<80xi32, #tpu.memory_space<vmem>>, %arg9: memref<80xi32, #tpu.memory_space<vmem>>, %arg10: memref<80xi32, #tpu.memory_space<vmem>>, %arg11: memref<80xi32, #tpu.memory_space<vmem>>, %arg12: memref<80xi32, #tpu.memory_space<vmem>>, %arg13: memref<80x64xf32, #tpu.memory_space<vmem>>, %arg14: memref<80x64xf32, #tpu.memory_space<vmem>>, %arg15: memref<80x64xf32, #tpu.memory_space<vmem>>, %arg16: memref<80x64xf32, #tpu.memory_space<vmem>>, %arg17: memref<128x64xf32, #tpu.memory_space<vmem>>, %arg18: memref<10240x64xf32, #tpu.memory_space<vmem_shared>>, %arg19: memref<!tpu.dma_semaphore, #tpu.memory_space<semaphore_mem>>, %arg20: memref<!tpu.dma_semaphore, #tpu.memory_space<semaphore_mem>>, %arg21: memref<!tpu.dma_semaphore, #tpu.memory_space<semaphore_mem>>, %arg22: memref<!tpu.dma_semaphore, #tpu.memory_space<semaphore_mem>>, %arg23: memref<!tpu.dma_semaphore, #tpu.memory_space<semaphore_mem>>, %arg24: memref<!tpu.dma_semaphore, #tpu.memory_space<semaphore_mem>>, %arg25: memref<!tpu.dma_semaphore, #tpu.memory_space<semaphore_mem>>, %arg26: memref<!tpu.dma_semaphore, #tpu.memory_space<semaphore_mem>>, %arg27: memref<!tpu.dma_semaphore, #tpu.memory_space<semaphore_mem>>, %arg28: memref<!tpu.dma_semaphore, #tpu.memory_space<semaphore_mem>>, %arg29: memref<!tpu.dma_semaphore, #tpu.memory_space<semaphore_mem>>, %arg30: memref<!tpu.dma_semaphore, #tpu.memory_space<semaphore_mem>>, %arg31: memref<!tpu.dma_semaphore, #tpu.memory_space<semaphore_mem>>, %arg32: memref<!tpu.dma_semaphore, #tpu.memory_space<semaphore_mem>>, %arg33: memref<!tpu.dma_semaphore, #tpu.memory_space<semaphore_mem>>, %arg34: memref<!tpu.dma_semaphore, #tpu.memory_space<semaphore_mem>>) attributes {dimension_semantics = [#tpu.dimension_semantics<core_parallel>, #tpu.dimension_semantics<subcore_parallel>], iteration_bounds = array<i64: 2, 16>, scalar_prefetch = 0 : i64, scratch_operands = 30 : i64, tpu.core_type = #tpu.core_type<sc_vector_subcore>, window_params = [{transform_indices = #map}, {transform_indices = #map1}, {transform_indices = #map}]} {
    %scan3A = arith.constant 0 : i32
    %scan3A_0 = arith.constant 0 : i32
    %scan3A_1 = arith.constant 128 : i32
    %scan3A_2 = arith.addi %scan3A_0, %scan3A_1 : i32
    %scan3A_3 = arith.constant 1 : i32
    scf.for %scan3A_92 = %scan3A_0 to %scan3A_2 step %scan3A_3  : i32 {
      %broadcast_in_dim3A = arith.constant 0.000000e+00 : f32
      %broadcast_in_dim3A_93 = vector.broadcast %broadcast_in_dim3A : f32 to vector<16xf32>
      %swap3A = arith.index_cast %scan3A_92 : i32 to index
      %swap3A_94 = arith.constant 0 : index
      %swap3A_95 = tpu.vector_load %arg17[%swap3A, %swap3A_94] {strides = array<i32>} : memref<128x64xf32, #tpu.memory_space<vmem>>, vector<1x16xf32>,
      %swap3A_96 = vector.shape_cast %swap3A_95 : vector<1x16xf32> to vector<16xf32>
      %swap3A_97 = vector.shape_cast %broadcast_in_dim3A_93 : vector<16xf32> to vector<1x16xf32>
      tpu.vector_store %arg17[%swap3A, %swap3A_94], %swap3A_97 {strides = array<i32>} : memref<128x64xf32, #tpu.memory_space<vmem>>, vector<1x16xf32>,
      %broadcast_in_dim3A_98 = arith.constant 0.000000e+00 : f32
      %broadcast_in_dim3A_99 = vector.broadcast %broadcast_in_dim3A_98 : f32 to vector<16xf32>
      %swap3A_100 = arith.index_cast %scan3A_92 : i32 to index
      %swap3A_101 = arith.constant 16 : index
      %swap3A_102 = tpu.vector_load %arg17[%swap3A_100, %swap3A_101] {strides = array<i32>} : memref<128x64xf32, #tpu.memory_space<vmem>>, vector<1x16xf32>,
      %swap3A_103 = vector.shape_cast %swap3A_102 : vector<1x16xf32> to vector<16xf32>
      %swap3A_104 = vector.shape_cast %broadcast_in_dim3A_99 : vector<16xf32> to vector<1x16xf32>
      tpu.vector_store %arg17[%swap3A_100, %swap3A_101], %swap3A_104 {strides = array<i32>} : memref<128x64xf32, #tpu.memory_space<vmem>>, vector<1x16xf32>,
      %broadcast_in_dim3A_105 = arith.constant 0.000000e+00 : f32
      %broadcast_in_dim3A_106 = vector.broadcast %broadcast_in_dim3A_105 : f32 to vector<16xf32>
      %swap3A_107 = arith.index_cast %scan3A_92 : i32 to index
      %swap3A_108 = arith.constant 32 : index
      %swap3A_109 = tpu.vector_load %arg17[%swap3A_107, %swap3A_108] {strides = array<i32>} : memref<128x64xf32, #tpu.memory_space<vmem>>, vector<1x16xf32>,
      %swap3A_110 = vector.shape_cast %swap3A_109 : vector<1x16xf32> to vector<16xf32>
      %swap3A_111 = vector.shape_cast %broadcast_in_dim3A_106 : vector<16xf32> to vector<1x16xf32>
      tpu.vector_store %arg17[%swap3A_107, %swap3A_108], %swap3A_111 {strides = array<i32>} : memref<128x64xf32, #tpu.memory_space<vmem>>, vector<1x16xf32>,
      %broadcast_in_dim3A_112 = arith.constant 0.000000e+00 : f32
      %broadcast_in_dim3A_113 = vector.broadcast %broadcast_in_dim3A_112 : f32 to vector<16xf32>
      %swap3A_114 = arith.index_cast %scan3A_92 : i32 to index
      %swap3A_115 = arith.constant 48 : index
      %swap3A_116 = tpu.vector_load %arg17[%swap3A_114, %swap3A_115] {strides = array<i32>} : memref<128x64xf32, #tpu.memory_space<vmem>>, vector<1x16xf32>,
      %swap3A_117 = vector.shape_cast %swap3A_116 : vector<1x16xf32> to vector<16xf32>
      %swap3A_118 = vector.shape_cast %broadcast_in_dim3A_113 : vector<16xf32> to vector<1x16xf32>
      tpu.vector_store %arg17[%swap3A_114, %swap3A_115], %swap3A_118 {strides = array<i32>} : memref<128x64xf32, #tpu.memory_space<vmem>>, vector<1x16xf32>,
    }
    %scan3A_4 = arith.constant 128 : i32
    %mul3A = arith.constant 640 : i32
    %mul3A_5 = arith.muli %arg1, %mul3A : i32
    %add3A = arith.constant 0 : i32
    %add3A_6 = arith.addi %mul3A_5, %add3A : i32
    "tpu.region"() ({
      %run_scoped3A = tpu.sem_alloc : memref<!tpu.dma_semaphore, #tpu.memory_space<semaphore_mem>>
      %dma_start3A_92 = arith.constant 0 : i32
      %dma_start3A_93 = tpu.memref_slice %arg18[%add3A_6, %dma_start3A_92] : memref<10240x64xf32, #tpu.memory_space<vmem_shared>> -> memref<128x64xf32, #tpu.memory_space<vmem_shared>>
      %dma_start3A_94 = arith.constant 0 : i32
      %dma_start3A_95 = tpu.memref_slice %arg18[%add3A_6, %dma_start3A_94] : memref<10240x64xf32, #tpu.memory_space<vmem_shared>> -> memref<128x64xf32, #tpu.memory_space<vmem_shared>>
      tpu.enqueue_dma source(%arg17 : memref<128x64xf32, #tpu.memory_space<vmem>>) target(%dma_start3A_95 : memref<128x64xf32, #tpu.memory_space<vmem_shared>>) target_semaphore(%run_scoped3A : memref<!tpu.dma_semaphore, #tpu.memory_space<semaphore_mem>>)
      %dma_wait3A_96 = arith.constant 0 : i32
      %dma_wait3A_97 = tpu.memref_slice %arg18[%add3A_6, %dma_wait3A_96] : memref<10240x64xf32, #tpu.memory_space<vmem_shared>> -> memref<128x64xf32, #tpu.memory_space<vmem_shared>>
      %dma_wait3A_98 = arith.constant 0 : i32
      %dma_wait3A_99 = tpu.memref_slice %arg18[%add3A_6, %dma_wait3A_98] : memref<10240x64xf32, #tpu.memory_space<vmem_shared>> -> memref<128x64xf32, #tpu.memory_space<vmem_shared>>
      tpu.wait_dma2 semaphore(%run_scoped3A : memref<!tpu.dma_semaphore, #tpu.memory_space<semaphore_mem>>) src(%arg17 : memref<128x64xf32, #tpu.memory_space<vmem>>) dst(%dma_wait3A_99 : memref<128x64xf32, #tpu.memory_space<vmem_shared>>)
      tpu.yield
    }) : () -> ()
    %mul3A_7 = arith.constant 640 : i32
    %mul3A_8 = arith.muli %arg1, %mul3A_7 : i32
    %add3A_9 = arith.constant 128 : i32
    %add3A_10 = arith.addi %mul3A_8, %add3A_9 : i32
    "tpu.region"() ({
      %run_scoped3A = tpu.sem_alloc : memref<!tpu.dma_semaphore, #tpu.memory_space<semaphore_mem>>
      %dma_start3A_92 = arith.constant 0 : i32
      %dma_start3A_93 = tpu.memref_slice %arg18[%add3A_10, %dma_start3A_92] : memref<10240x64xf32, #tpu.memory_space<vmem_shared>> -> memref<128x64xf32, #tpu.memory_space<vmem_shared>>
      %dma_start3A_94 = arith.constant 0 : i32
      %dma_start3A_95 = tpu.memref_slice %arg18[%add3A_10, %dma_start3A_94] : memref<10240x64xf32, #tpu.memory_space<vmem_shared>> -> memref<128x64xf32, #tpu.memory_space<vmem_shared>>
      tpu.enqueue_dma source(%arg17 : memref<128x64xf32, #tpu.memory_space<vmem>>) target(%dma_start3A_95 : memref<128x64xf32, #tpu.memory_space<vmem_shared>>) target_semaphore(%run_scoped3A : memref<!tpu.dma_semaphore, #tpu.memory_space<semaphore_mem>>)
      %dma_wait3A_96 = arith.constant 0 : i32
      %dma_wait3A_97 = tpu.memref_slice %arg18[%add3A_10, %dma_wait3A_96] : memref<10240x64xf32, #tpu.memory_space<vmem_shared>> -> memref<128x64xf32, #tpu.memory_space<vmem_shared>>
      %dma_wait3A_98 = arith.constant 0 : i32
      %dma_wait3A_99 = tpu.memref_slice %arg18[%add3A_10, %dma_wait3A_98] : memref<10240x64xf32, #tpu.memory_space<vmem_shared>> -> memref<128x64xf32, #tpu.memory_space<vmem_shared>>
      tpu.wait_dma2 semaphore(%run_scoped3A : memref<!tpu.dma_semaphore, #tpu.memory_space<semaphore_mem>>) src(%arg17 : memref<128x64xf32, #tpu.memory_space<vmem>>) dst(%dma_wait3A_99 : memref<128x64xf32, #tpu.memory_space<vmem_shared>>)
      tpu.yield
    }) : () -> ()
    %mul3A_11 = arith.constant 640 : i32
    %mul3A_12 = arith.muli %arg1, %mul3A_11 : i32
    %add3A_13 = arith.constant 256 : i32
    %add3A_14 = arith.addi %mul3A_12, %add3A_13 : i32
    "tpu.region"() ({
      %run_scoped3A = tpu.sem_alloc : memref<!tpu.dma_semaphore, #tpu.memory_space<semaphore_mem>>
      %dma_start3A_92 = arith.constant 0 : i32
      %dma_start3A_93 = tpu.memref_slice %arg18[%add3A_14, %dma_start3A_92] : memref<10240x64xf32, #tpu.memory_space<vmem_shared>> -> memref<128x64xf32, #tpu.memory_space<vmem_shared>>
      %dma_start3A_94 = arith.constant 0 : i32
      %dma_start3A_95 = tpu.memref_slice %arg18[%add3A_14, %dma_start3A_94] : memref<10240x64xf32, #tpu.memory_space<vmem_shared>> -> memref<128x64xf32, #tpu.memory_space<vmem_shared>>
      tpu.enqueue_dma source(%arg17 : memref<128x64xf32, #tpu.memory_space<vmem>>) target(%dma_start3A_95 : memref<128x64xf32, #tpu.memory_space<vmem_shared>>) target_semaphore(%run_scoped3A : memref<!tpu.dma_semaphore, #tpu.memory_space<semaphore_mem>>)
      %dma_wait3A_96 = arith.constant 0 : i32
      %dma_wait3A_97 = tpu.memref_slice %arg18[%add3A_14, %dma_wait3A_96] : memref<10240x64xf32, #tpu.memory_space<vmem_shared>> -> memref<128x64xf32, #tpu.memory_space<vmem_shared>>
      %dma_wait3A_98 = arith.constant 0 : i32
      %dma_wait3A_99 = tpu.memref_slice %arg18[%add3A_14, %dma_wait3A_98] : memref<10240x64xf32, #tpu.memory_space<vmem_shared>> -> memref<128x64xf32, #tpu.memory_space<vmem_shared>>
      tpu.wait_dma2 semaphore(%run_scoped3A : memref<!tpu.dma_semaphore, #tpu.memory_space<semaphore_mem>>) src(%arg17 : memref<128x64xf32, #tpu.memory_space<vmem>>) dst(%dma_wait3A_99 : memref<128x64xf32, #tpu.memory_space<vmem_shared>>)
      tpu.yield
    }) : () -> ()
    %mul3A_15 = arith.constant 640 : i32
    %mul3A_16 = arith.muli %arg1, %mul3A_15 : i32
    %add3A_17 = arith.constant 384 : i32
    %add3A_18 = arith.addi %mul3A_16, %add3A_17 : i32
    "tpu.region"() ({
      %run_scoped3A = tpu.sem_alloc : memref<!tpu.dma_semaphore, #tpu.memory_space<semaphore_mem>>
      %dma_start3A_92 = arith.constant 0 : i32
      %dma_start3A_93 = tpu.memref_slice %arg18[%add3A_18, %dma_start3A_92] : memref<10240x64xf32, #tpu.memory_space<vmem_shared>> -> memref<128x64xf32, #tpu.memory_space<vmem_shared>>
      %dma_start3A_94 = arith.constant 0 : i32
      %dma_start3A_95 = tpu.memref_slice %arg18[%add3A_18, %dma_start3A_94] : memref<10240x64xf32, #tpu.memory_space<vmem_shared>> -> memref<128x64xf32, #tpu.memory_space<vmem_shared>>
      tpu.enqueue_dma source(%arg17 : memref<128x64xf32, #tpu.memory_space<vmem>>) target(%dma_start3A_95 : memref<128x64xf32, #tpu.memory_space<vmem_shared>>) target_semaphore(%run_scoped3A : memref<!tpu.dma_semaphore, #tpu.memory_space<semaphore_mem>>)
      %dma_wait3A_96 = arith.constant 0 : i32
      %dma_wait3A_97 = tpu.memref_slice %arg18[%add3A_18, %dma_wait3A_96] : memref<10240x64xf32, #tpu.memory_space<vmem_shared>> -> memref<128x64xf32, #tpu.memory_space<vmem_shared>>
      %dma_wait3A_98 = arith.constant 0 : i32
      %dma_wait3A_99 = tpu.memref_slice %arg18[%add3A_18, %dma_wait3A_98] : memref<10240x64xf32, #tpu.memory_space<vmem_shared>> -> memref<128x64xf32, #tpu.memory_space<vmem_shared>>
      tpu.wait_dma2 semaphore(%run_scoped3A : memref<!tpu.dma_semaphore, #tpu.memory_space<semaphore_mem>>) src(%arg17 : memref<128x64xf32, #tpu.memory_space<vmem>>) dst(%dma_wait3A_99 : memref<128x64xf32, #tpu.memory_space<vmem_shared>>)
      tpu.yield
    }) : () -> ()
    %mul3A_19 = arith.constant 640 : i32
    %mul3A_20 = arith.muli %arg1, %mul3A_19 : i32
    %add3A_21 = arith.constant 512 : i32
    %add3A_22 = arith.addi %mul3A_20, %add3A_21 : i32
    "tpu.region"() ({
      %run_scoped3A = tpu.sem_alloc : memref<!tpu.dma_semaphore, #tpu.memory_space<semaphore_mem>>
      %dma_start3A_92 = arith.constant 0 : i32
      %dma_start3A_93 = tpu.memref_slice %arg18[%add3A_22, %dma_start3A_92] : memref<10240x64xf32, #tpu.memory_space<vmem_shared>> -> memref<128x64xf32, #tpu.memory_space<vmem_shared>>
      %dma_start3A_94 = arith.constant 0 : i32
      %dma_start3A_95 = tpu.memref_slice %arg18[%add3A_22, %dma_start3A_94] : memref<10240x64xf32, #tpu.memory_space<vmem_shared>> -> memref<128x64xf32, #tpu.memory_space<vmem_shared>>
      tpu.enqueue_dma source(%arg17 : memref<128x64xf32, #tpu.memory_space<vmem>>) target(%dma_start3A_95 : memref<128x64xf32, #tpu.memory_space<vmem_shared>>) target_semaphore(%run_scoped3A : memref<!tpu.dma_semaphore, #tpu.memory_space<semaphore_mem>>)
      %dma_wait3A_96 = arith.constant 0 : i32
      %dma_wait3A_97 = tpu.memref_slice %arg18[%add3A_22, %dma_wait3A_96] : memref<10240x64xf32, #tpu.memory_space<vmem_shared>> -> memref<128x64xf32, #tpu.memory_space<vmem_shared>>
      %dma_wait3A_98 = arith.constant 0 : i32
      %dma_wait3A_99 = tpu.memref_slice %arg18[%add3A_22, %dma_wait3A_98] : memref<10240x64xf32, #tpu.memory_space<vmem_shared>> -> memref<128x64xf32, #tpu.memory_space<vmem_shared>>
      tpu.wait_dma2 semaphore(%run_scoped3A : memref<!tpu.dma_semaphore, #tpu.memory_space<semaphore_mem>>) src(%arg17 : memref<128x64xf32, #tpu.memory_space<vmem>>) dst(%dma_wait3A_99 : memref<128x64xf32, #tpu.memory_space<vmem_shared>>)
      tpu.yield
    }) : () -> ()
    %barrier3A = arith.constant 0 : index
    tpu.barrier barrier_id(%barrier3A)
    %mul3A_23 = arith.constant 20000 : i32
    %mul3A_24 = arith.muli %arg1, %mul3A_23 : i32
    %add3A_25 = arith.constant 0 : i32
    %add3A_26 = arith.addi %mul3A_24, %add3A_25 : i32
    %dma_start3A = tpu.memref_slice %arg3[%add3A_26] : memref<640000xi32, #tpu.memory_space<hbm>> -> memref<80xi32, #tpu.memory_space<hbm>>
    %dma_start3A_27 = tpu.memref_slice %arg3[%add3A_26] : memref<640000xi32, #tpu.memory_space<hbm>> -> memref<80xi32, #tpu.memory_space<hbm>>
    tpu.enqueue_dma source(%dma_start3A_27 : memref<80xi32, #tpu.memory_space<hbm>>) target(%arg5 : memref<80xi32, #tpu.memory_space<vmem>>) target_semaphore(%arg19 : memref<!tpu.dma_semaphore, #tpu.memory_space<semaphore_mem>>)
    %add3A_28 = arith.constant 80 : i32
    %add3A_29 = arith.addi %mul3A_24, %add3A_28 : i32
    %dma_start3A_30 = tpu.memref_slice %arg3[%add3A_29] : memref<640000xi32, #tpu.memory_space<hbm>> -> memref<80xi32, #tpu.memory_space<hbm>>
    %dma_start3A_31 = tpu.memref_slice %arg3[%add3A_29] : memref<640000xi32, #tpu.memory_space<hbm>> -> memref<80xi32, #tpu.memory_space<hbm>>
    tpu.enqueue_dma source(%dma_start3A_31 : memref<80xi32, #tpu.memory_space<hbm>>) target(%arg6 : memref<80xi32, #tpu.memory_space<vmem>>) target_semaphore(%arg20 : memref<!tpu.dma_semaphore, #tpu.memory_space<semaphore_mem>>)
    %add3A_32 = arith.constant 160 : i32
    %add3A_33 = arith.addi %mul3A_24, %add3A_32 : i32
    %dma_start3A_34 = tpu.memref_slice %arg3[%add3A_33] : memref<640000xi32, #tpu.memory_space<hbm>> -> memref<80xi32, #tpu.memory_space<hbm>>
    %dma_start3A_35 = tpu.memref_slice %arg3[%add3A_33] : memref<640000xi32, #tpu.memory_space<hbm>> -> memref<80xi32, #tpu.memory_space<hbm>>
    tpu.enqueue_dma source(%dma_start3A_35 : memref<80xi32, #tpu.memory_space<hbm>>) target(%arg7 : memref<80xi32, #tpu.memory_space<vmem>>) target_semaphore(%arg21 : memref<!tpu.dma_semaphore, #tpu.memory_space<semaphore_mem>>)
    %add3A_36 = arith.constant 240 : i32
    %add3A_37 = arith.addi %mul3A_24, %add3A_36 : i32
    %dma_start3A_38 = tpu.memref_slice %arg3[%add3A_37] : memref<640000xi32, #tpu.memory_space<hbm>> -> memref<80xi32, #tpu.memory_space<hbm>>
    %dma_start3A_39 = tpu.memref_slice %arg3[%add3A_37] : memref<640000xi32, #tpu.memory_space<hbm>> -> memref<80xi32, #tpu.memory_space<hbm>>
    tpu.enqueue_dma source(%dma_start3A_39 : memref<80xi32, #tpu.memory_space<hbm>>) target(%arg8 : memref<80xi32, #tpu.memory_space<vmem>>) target_semaphore(%arg22 : memref<!tpu.dma_semaphore, #tpu.memory_space<semaphore_mem>>)
    %add3A_40 = arith.constant 320000 : i32
    %add3A_41 = arith.addi %add3A_40, %mul3A_24 : i32
    %add3A_42 = arith.constant 0 : i32
    %add3A_43 = arith.addi %add3A_41, %add3A_42 : i32
    %dma_start3A_44 = tpu.memref_slice %arg3[%add3A_43] : memref<640000xi32, #tpu.memory_space<hbm>> -> memref<80xi32, #tpu.memory_space<hbm>>
    %dma_start3A_45 = tpu.memref_slice %arg3[%add3A_43] : memref<640000xi32, #tpu.memory_space<hbm>> -> memref<80xi32, #tpu.memory_space<hbm>>
    tpu.enqueue_dma source(%dma_start3A_45 : memref<80xi32, #tpu.memory_space<hbm>>) target(%arg9 : memref<80xi32, #tpu.memory_space<vmem>>) target_semaphore(%arg23 : memref<!tpu.dma_semaphore, #tpu.memory_space<semaphore_mem>>)
    %add3A_46 = arith.constant 320000 : i32
    %add3A_47 = arith.addi %add3A_46, %mul3A_24 : i32
    %add3A_48 = arith.constant 80 : i32
    %add3A_49 = arith.addi %add3A_47, %add3A_48 : i32
    %dma_start3A_50 = tpu.memref_slice %arg3[%add3A_49] : memref<640000xi32, #tpu.memory_space<hbm>> -> memref<80xi32, #tpu.memory_space<hbm>>
    %dma_start3A_51 = tpu.memref_slice %arg3[%add3A_49] : memref<640000xi32, #tpu.memory_space<hbm>> -> memref<80xi32, #tpu.memory_space<hbm>>
    tpu.enqueue_dma source(%dma_start3A_51 : memref<80xi32, #tpu.memory_space<hbm>>) target(%arg10 : memref<80xi32, #tpu.memory_space<vmem>>) target_semaphore(%arg24 : memref<!tpu.dma_semaphore, #tpu.memory_space<semaphore_mem>>)
    %dma_wait3A = tpu.memref_slice %arg3[%mul3A_24] : memref<640000xi32, #tpu.memory_space<hbm>> -> memref<80xi32, #tpu.memory_space<hbm>>
    %dma_wait3A_52 = tpu.memref_slice %arg3[%mul3A_24] : memref<640000xi32, #tpu.memory_space<hbm>> -> memref<80xi32, #tpu.memory_space<hbm>>
    tpu.wait_dma2 semaphore(%arg19 : memref<!tpu.dma_semaphore, #tpu.memory_space<semaphore_mem>>) src(%dma_wait3A_52 : memref<80xi32, #tpu.memory_space<hbm>>) dst(%arg5 : memref<80xi32, #tpu.memory_space<vmem>>)
    %dma_start3A_53 = arith.constant 0 : i32
    %dma_start3A_54 = arith.constant 0 : i32
    %dma_start3A_55 = tpu.memref_slice %arg2[%arg0, %dma_start3A_53, %dma_start3A_54] : memref<2x10000x64xf32, #tpu.memory_space<hbm>> -> memref<1x10000x64xf32, #tpu.memory_space<hbm>>
    %dma_start3A_56 = tpu.memref_squeeze %dma_start3A_55 : memref<1x10000x64xf32, #tpu.memory_space<hbm>> -> memref<10000x64xf32, #tpu.memory_space<hbm>>
    %dma_start3A_57 = arith.constant 0 : i32
    %dma_start3A_58 = arith.constant 0 : i32
    %dma_start3A_59 = tpu.memref_slice %dma_start3A_56[%dma_start3A_57, %dma_start3A_58] : memref<10000x64xf32, #tpu.memory_space<hbm>> -> memref<10000x64xf32, #tpu.memory_space<hbm>>
    tpu.enqueue_indirect_dma source(%dma_start3A_59 : memref<10000x64xf32, #tpu.memory_space<hbm>>) target(%arg13 : memref<80x64xf32, #tpu.memory_space<vmem>>) offsets(%arg5 : memref<80xi32, #tpu.memory_space<vmem>>) semaphore(%arg27 : memref<!tpu.dma_semaphore, #tpu.memory_space<semaphore_mem>>)
    %dma_wait3A_60 = tpu.memref_slice %arg3[%mul3A_24] : memref<640000xi32, #tpu.memory_space<hbm>> -> memref<80xi32, #tpu.memory_space<hbm>>
    %dma_wait3A_61 = tpu.memref_slice %arg3[%mul3A_24] : memref<640000xi32, #tpu.memory_space<hbm>> -> memref<80xi32, #tpu.memory_space<hbm>>
    tpu.wait_dma2 semaphore(%arg20 : memref<!tpu.dma_semaphore, #tpu.memory_space<semaphore_mem>>) src(%dma_wait3A_61 : memref<80xi32, #tpu.memory_space<hbm>>) dst(%arg6 : memref<80xi32, #tpu.memory_space<vmem>>)
    %dma_start3A_62 = arith.constant 0 : i32
    %dma_start3A_63 = arith.constant 0 : i32
    %dma_start3A_64 = tpu.memref_slice %arg2[%arg0, %dma_start3A_62, %dma_start3A_63] : memref<2x10000x64xf32, #tpu.memory_space<hbm>> -> memref<1x10000x64xf32, #tpu.memory_space<hbm>>
    %dma_start3A_65 = tpu.memref_squeeze %dma_start3A_64 : memref<1x10000x64xf32, #tpu.memory_space<hbm>> -> memref<10000x64xf32, #tpu.memory_space<hbm>>
    %dma_start3A_66 = arith.constant 0 : i32
    %dma_start3A_67 = arith.constant 0 : i32
    %dma_start3A_68 = tpu.memref_slice %dma_start3A_65[%dma_start3A_66, %dma_start3A_67] : memref<10000x64xf32, #tpu.memory_space<hbm>> -> memref<10000x64xf32, #tpu.memory_space<hbm>>
    tpu.enqueue_indirect_dma source(%dma_start3A_68 : memref<10000x64xf32, #tpu.memory_space<hbm>>) target(%arg14 : memref<80x64xf32, #tpu.memory_space<vmem>>) offsets(%arg6 : memref<80xi32, #tpu.memory_space<vmem>>) semaphore(%arg28 : memref<!tpu.dma_semaphore, #tpu.memory_space<semaphore_mem>>)
    %scan3A_69 = arith.constant 0 : i32
    %scan3A_70 = arith.constant 0 : i32
    %scan3A_71 = arith.constant 63 : i32
    %scan3A_72 = arith.addi %scan3A_70, %scan3A_71 : i32
    %scan3A_73 = arith.constant 1 : i32
    scf.for %scan3A_92 = %scan3A_70 to %scan3A_72 step %scan3A_73  : i32 {
      %mul3A_93 = arith.constant 4 : i32
      %mul3A_94 = arith.muli %scan3A_92, %mul3A_93 : i32
      %add3A_95 = arith.constant 0 : i32
      %add3A_96 = arith.addi %mul3A_94, %add3A_95 : i32
      %lt3A = arith.constant 250 : i32
      %lt3A_97 = arith.cmpi slt, %add3A_96, %lt3A : i32
      %convert_element_type3A = arith.extui %lt3A_97 : i1 to i32
      %cond3A = arith.constant 0 : i32
      %cond3A_98 = arith.cmpi ne, %convert_element_type3A, %cond3A : i32
      scf.if %cond3A_98 {
        %dma_wait3A_182 = arith.constant 0 : i32
        %dma_wait3A_183 = arith.constant 0 : i32
        %dma_wait3A_184 = tpu.memref_slice %arg2[%arg0, %dma_wait3A_182, %dma_wait3A_183] : memref<2x10000x64xf32, #tpu.memory_space<hbm>> -> memref<1x10000x64xf32, #tpu.memory_space<hbm>>
        %dma_wait3A_185 = tpu.memref_squeeze %dma_wait3A_184 : memref<1x10000x64xf32, #tpu.memory_space<hbm>> -> memref<10000x64xf32, #tpu.memory_space<hbm>>
        %dma_wait3A_186 = arith.constant 0 : i32
        %dma_wait3A_187 = arith.constant 0 : i32
        %dma_wait3A_188 = tpu.memref_slice %dma_wait3A_185[%dma_wait3A_186, %dma_wait3A_187] : memref<10000x64xf32, #tpu.memory_space<hbm>> -> memref<10000x64xf32, #tpu.memory_space<hbm>>
        tpu.wait_indirect_dma semaphore(%arg27 : memref<!tpu.dma_semaphore, #tpu.memory_space<semaphore_mem>>) src(%dma_wait3A_188 : memref<10000x64xf32, #tpu.memory_space<hbm>>) dst(%arg13 : memref<80x64xf32, #tpu.memory_space<vmem>>)
        %dma_wait3A_189 = tpu.memref_slice %arg3[%mul3A_24] : memref<640000xi32, #tpu.memory_space<hbm>> -> memref<80xi32, #tpu.memory_space<hbm>>
        %dma_wait3A_190 = tpu.memref_slice %arg3[%mul3A_24] : memref<640000xi32, #tpu.memory_space<hbm>> -> memref<80xi32, #tpu.memory_space<hbm>>
        tpu.wait_dma2 semaphore(%arg23 : memref<!tpu.dma_semaphore, #tpu.memory_space<semaphore_mem>>) src(%dma_wait3A_190 : memref<80xi32, #tpu.memory_space<hbm>>) dst(%arg9 : memref<80xi32, #tpu.memory_space<vmem>>)
        %dma_start3A_191 = arith.constant 0 : i32
        %dma_start3A_192 = arith.constant 0 : i32
        %dma_start3A_193 = tpu.memref_slice %arg18[%dma_start3A_191, %dma_start3A_192] : memref<10240x64xf32, #tpu.memory_space<vmem_shared>> -> memref<10240x64xf32, #tpu.memory_space<vmem_shared>>
        tpu.enqueue_indirect_dma source(%arg13 : memref<80x64xf32, #tpu.memory_space<vmem>>) target(%dma_start3A_193 : memref<10240x64xf32, #tpu.memory_space<vmem_shared>>) offsets(%arg9 : memref<80xi32, #tpu.memory_space<vmem>>) semaphore(%arg31 : memref<!tpu.dma_semaphore, #tpu.memory_space<semaphore_mem>>) {add = true}
      } else {
      }
      %add3A_99 = arith.constant 2 : i32
      %add3A_100 = arith.addi %add3A_96, %add3A_99 : i32
      %lt3A_101 = arith.constant 250 : i32
      %lt3A_102 = arith.cmpi slt, %add3A_100, %lt3A_101 : i32
      %convert_element_type3A_103 = arith.extui %lt3A_102 : i1 to i32
      %cond3A_104 = arith.constant 0 : i32
      %cond3A_105 = arith.cmpi ne, %convert_element_type3A_103, %cond3A_104 : i32
      scf.if %cond3A_105 {
        %ge3A = arith.constant 2 : i32
        %ge3A_182 = arith.cmpi sge, %add3A_96, %ge3A : i32
        %convert_element_type3A_183 = arith.extui %ge3A_182 : i1 to i32
        %cond3A_184 = arith.constant 0 : i32
        %cond3A_185 = arith.cmpi ne, %convert_element_type3A_183, %cond3A_184 : i32
        scf.if %cond3A_185 {
          %dma_wait3A_204 = arith.constant 0 : i32
          %dma_wait3A_205 = arith.constant 0 : i32
          %dma_wait3A_206 = tpu.memref_slice %arg18[%dma_wait3A_204, %dma_wait3A_205] : memref<10240x64xf32, #tpu.memory_space<vmem_shared>> -> memref<10240x64xf32, #tpu.memory_space<vmem_shared>>
          tpu.wait_indirect_dma semaphore(%arg33 : memref<!tpu.dma_semaphore, #tpu.memory_space<semaphore_mem>>) src(%arg15 : memref<80x64xf32, #tpu.memory_space<vmem>>) dst(%dma_wait3A_206 : memref<10240x64xf32, #tpu.memory_space<vmem_shared>>)
        } else {
        }
        %add3A_186 = arith.constant 2 : i32
        %add3A_187 = arith.addi %add3A_96, %add3A_186 : i32
        %add3A_188 = arith.constant 320000 : i32
        %add3A_189 = arith.addi %add3A_188, %mul3A_24 : i32
        %mul3A_190 = arith.constant 80 : i32
        %mul3A_191 = arith.muli %add3A_187, %mul3A_190 : i32
        %add3A_192 = arith.addi %add3A_189, %mul3A_191 : i32
        %dma_start3A_193 = tpu.memref_slice %arg3[%add3A_192] : memref<640000xi32, #tpu.memory_space<hbm>> -> memref<80xi32, #tpu.memory_space<hbm>>
        %dma_start3A_194 = tpu.memref_slice %arg3[%add3A_192] : memref<640000xi32, #tpu.memory_space<hbm>> -> memref<80xi32, #tpu.memory_space<hbm>>
        tpu.enqueue_dma source(%dma_start3A_194 : memref<80xi32, #tpu.memory_space<hbm>>) target(%arg11 : memref<80xi32, #tpu.memory_space<vmem>>) target_semaphore(%arg25 : memref<!tpu.dma_semaphore, #tpu.memory_space<semaphore_mem>>)
        %dma_wait3A_195 = tpu.memref_slice %arg3[%mul3A_24] : memref<640000xi32, #tpu.memory_space<hbm>> -> memref<80xi32, #tpu.memory_space<hbm>>
        %dma_wait3A_196 = tpu.memref_slice %arg3[%mul3A_24] : memref<640000xi32, #tpu.memory_space<hbm>> -> memref<80xi32, #tpu.memory_space<hbm>>
        tpu.wait_dma2 semaphore(%arg21 : memref<!tpu.dma_semaphore, #tpu.memory_space<semaphore_mem>>) src(%dma_wait3A_196 : memref<80xi32, #tpu.memory_space<hbm>>) dst(%arg7 : memref<80xi32, #tpu.memory_space<vmem>>)
        %dma_start3A_197 = arith.constant 0 : i32
        %dma_start3A_198 = arith.constant 0 : i32
        %dma_start3A_199 = tpu.memref_slice %arg2[%arg0, %dma_start3A_197, %dma_start3A_198] : memref<2x10000x64xf32, #tpu.memory_space<hbm>> -> memref<1x10000x64xf32, #tpu.memory_space<hbm>>
        %dma_start3A_200 = tpu.memref_squeeze %dma_start3A_199 : memref<1x10000x64xf32, #tpu.memory_space<hbm>> -> memref<10000x64xf32, #tpu.memory_space<hbm>>
        %dma_start3A_201 = arith.constant 0 : i32
        %dma_start3A_202 = arith.constant 0 : i32
        %dma_start3A_203 = tpu.memref_slice %dma_start3A_200[%dma_start3A_201, %dma_start3A_202] : memref<10000x64xf32, #tpu.memory_space<hbm>> -> memref<10000x64xf32, #tpu.memory_space<hbm>>
        tpu.enqueue_indirect_dma source(%dma_start3A_203 : memref<10000x64xf32, #tpu.memory_space<hbm>>) target(%arg15 : memref<80x64xf32, #tpu.memory_space<vmem>>) offsets(%arg7 : memref<80xi32, #tpu.memory_space<vmem>>) semaphore(%arg29 : memref<!tpu.dma_semaphore, #tpu.memory_space<semaphore_mem>>)
      } else {
      }
      %add3A_106 = arith.constant 4 : i32
      %add3A_107 = arith.addi %add3A_96, %add3A_106 : i32
      %lt3A_108 = arith.constant 250 : i32
      %lt3A_109 = arith.cmpi slt, %add3A_107, %lt3A_108 : i32
      %convert_element_type3A_110 = arith.extui %lt3A_109 : i1 to i32
      %cond3A_111 = arith.constant 0 : i32
      %cond3A_112 = arith.cmpi ne, %convert_element_type3A_110, %cond3A_111 : i32
      scf.if %cond3A_112 {
        %add3A_182 = arith.constant 4 : i32
        %add3A_183 = arith.addi %add3A_96, %add3A_182 : i32
        %mul3A_184 = arith.constant 80 : i32
        %mul3A_185 = arith.muli %add3A_183, %mul3A_184 : i32
        %add3A_186 = arith.addi %mul3A_24, %mul3A_185 : i32
        %dma_start3A_187 = tpu.memref_slice %arg3[%add3A_186] : memref<640000xi32, #tpu.memory_space<hbm>> -> memref<80xi32, #tpu.memory_space<hbm>>
        %dma_start3A_188 = tpu.memref_slice %arg3[%add3A_186] : memref<640000xi32, #tpu.memory_space<hbm>> -> memref<80xi32, #tpu.memory_space<hbm>>
        tpu.enqueue_dma source(%dma_start3A_188 : memref<80xi32, #tpu.memory_space<hbm>>) target(%arg5 : memref<80xi32, #tpu.memory_space<vmem>>) target_semaphore(%arg19 : memref<!tpu.dma_semaphore, #tpu.memory_space<semaphore_mem>>)
      } else {
      }
      %mul3A_113 = arith.constant 4 : i32
      %mul3A_114 = arith.muli %scan3A_92, %mul3A_113 : i32
      %add3A_115 = arith.constant 1 : i32
      %add3A_116 = arith.addi %mul3A_114, %add3A_115 : i32
      %lt3A_117 = arith.constant 250 : i32
      %lt3A_118 = arith.cmpi slt, %add3A_116, %lt3A_117 : i32
      %convert_element_type3A_119 = arith.extui %lt3A_118 : i1 to i32
      %cond3A_120 = arith.constant 0 : i32
      %cond3A_121 = arith.cmpi ne, %convert_element_type3A_119, %cond3A_120 : i32
      scf.if %cond3A_121 {
        %dma_wait3A_182 = arith.constant 0 : i32
        %dma_wait3A_183 = arith.constant 0 : i32
        %dma_wait3A_184 = tpu.memref_slice %arg2[%arg0, %dma_wait3A_182, %dma_wait3A_183] : memref<2x10000x64xf32, #tpu.memory_space<hbm>> -> memref<1x10000x64xf32, #tpu.memory_space<hbm>>
        %dma_wait3A_185 = tpu.memref_squeeze %dma_wait3A_184 : memref<1x10000x64xf32, #tpu.memory_space<hbm>> -> memref<10000x64xf32, #tpu.memory_space<hbm>>
        %dma_wait3A_186 = arith.constant 0 : i32
        %dma_wait3A_187 = arith.constant 0 : i32
        %dma_wait3A_188 = tpu.memref_slice %dma_wait3A_185[%dma_wait3A_186, %dma_wait3A_187] : memref<10000x64xf32, #tpu.memory_space<hbm>> -> memref<10000x64xf32, #tpu.memory_space<hbm>>
        tpu.wait_indirect_dma semaphore(%arg28 : memref<!tpu.dma_semaphore, #tpu.memory_space<semaphore_mem>>) src(%dma_wait3A_188 : memref<10000x64xf32, #tpu.memory_space<hbm>>) dst(%arg14 : memref<80x64xf32, #tpu.memory_space<vmem>>)
        %dma_wait3A_189 = tpu.memref_slice %arg3[%mul3A_24] : memref<640000xi32, #tpu.memory_space<hbm>> -> memref<80xi32, #tpu.memory_space<hbm>>
        %dma_wait3A_190 = tpu.memref_slice %arg3[%mul3A_24] : memref<640000xi32, #tpu.memory_space<hbm>> -> memref<80xi32, #tpu.memory_space<hbm>>
        tpu.wait_dma2 semaphore(%arg24 : memref<!tpu.dma_semaphore, #tpu.memory_space<semaphore_mem>>) src(%dma_wait3A_190 : memref<80xi32, #tpu.memory_space<hbm>>) dst(%arg10 : memref<80xi32, #tpu.memory_space<vmem>>)
        %dma_start3A_191 = arith.constant 0 : i32
        %dma_start3A_192 = arith.constant 0 : i32
        %dma_start3A_193 = tpu.memref_slice %arg18[%dma_start3A_191, %dma_start3A_192] : memref<10240x64xf32, #tpu.memory_space<vmem_shared>> -> memref<10240x64xf32, #tpu.memory_space<vmem_shared>>
        tpu.enqueue_indirect_dma source(%arg14 : memref<80x64xf32, #tpu.memory_space<vmem>>) target(%dma_start3A_193 : memref<10240x64xf32, #tpu.memory_space<vmem_shared>>) offsets(%arg10 : memref<80xi32, #tpu.memory_space<vmem>>) semaphore(%arg32 : memref<!tpu.dma_semaphore, #tpu.memory_space<semaphore_mem>>) {add = true}
      } else {
      }
      %add3A_122 = arith.constant 2 : i32
      %add3A_123 = arith.addi %add3A_116, %add3A_122 : i32
      %lt3A_124 = arith.constant 250 : i32
      %lt3A_125 = arith.cmpi slt, %add3A_123, %lt3A_124 : i32
      %convert_element_type3A_126 = arith.extui %lt3A_125 : i1 to i32
      %cond3A_127 = arith.constant 0 : i32
      %cond3A_128 = arith.cmpi ne, %convert_element_type3A_126, %cond3A_127 : i32
      scf.if %cond3A_128 {
        %ge3A = arith.constant 2 : i32
        %ge3A_182 = arith.cmpi sge, %add3A_116, %ge3A : i32
        %convert_element_type3A_183 = arith.extui %ge3A_182 : i1 to i32
        %cond3A_184 = arith.constant 0 : i32
        %cond3A_185 = arith.cmpi ne, %convert_element_type3A_183, %cond3A_184 : i32
        scf.if %cond3A_185 {
          %dma_wait3A_204 = arith.constant 0 : i32
          %dma_wait3A_205 = arith.constant 0 : i32
          %dma_wait3A_206 = tpu.memref_slice %arg18[%dma_wait3A_204, %dma_wait3A_205] : memref<10240x64xf32, #tpu.memory_space<vmem_shared>> -> memref<10240x64xf32, #tpu.memory_space<vmem_shared>>
          tpu.wait_indirect_dma semaphore(%arg34 : memref<!tpu.dma_semaphore, #tpu.memory_space<semaphore_mem>>) src(%arg16 : memref<80x64xf32, #tpu.memory_space<vmem>>) dst(%dma_wait3A_206 : memref<10240x64xf32, #tpu.memory_space<vmem_shared>>)
        } else {
        }
        %add3A_186 = arith.constant 2 : i32
        %add3A_187 = arith.addi %add3A_116, %add3A_186 : i32
        %add3A_188 = arith.constant 320000 : i32
        %add3A_189 = arith.addi %add3A_188, %mul3A_24 : i32
        %mul3A_190 = arith.constant 80 : i32
        %mul3A_191 = arith.muli %add3A_187, %mul3A_190 : i32
        %add3A_192 = arith.addi %add3A_189, %mul3A_191 : i32
        %dma_start3A_193 = tpu.memref_slice %arg3[%add3A_192] : memref<640000xi32, #tpu.memory_space<hbm>> -> memref<80xi32, #tpu.memory_space<hbm>>
        %dma_start3A_194 = tpu.memref_slice %arg3[%add3A_192] : memref<640000xi32, #tpu.memory_space<hbm>> -> memref<80xi32, #tpu.memory_space<hbm>>
        tpu.enqueue_dma source(%dma_start3A_194 : memref<80xi32, #tpu.memory_space<hbm>>) target(%arg12 : memref<80xi32, #tpu.memory_space<vmem>>) target_semaphore(%arg26 : memref<!tpu.dma_semaphore, #tpu.memory_space<semaphore_mem>>)
        %dma_wait3A_195 = tpu.memref_slice %arg3[%mul3A_24] : memref<640000xi32, #tpu.memory_space<hbm>> -> memref<80xi32, #tpu.memory_space<hbm>>
        %dma_wait3A_196 = tpu.memref_slice %arg3[%mul3A_24] : memref<640000xi32, #tpu.memory_space<hbm>> -> memref<80xi32, #tpu.memory_space<hbm>>
        tpu.wait_dma2 semaphore(%arg22 : memref<!tpu.dma_semaphore, #tpu.memory_space<semaphore_mem>>) src(%dma_wait3A_196 : memref<80xi32, #tpu.memory_space<hbm>>) dst(%arg8 : memref<80xi32, #tpu.memory_space<vmem>>)
        %dma_start3A_197 = arith.constant 0 : i32
        %dma_start3A_198 = arith.constant 0 : i32
        %dma_start3A_199 = tpu.memref_slice %arg2[%arg0, %dma_start3A_197, %dma_start3A_198] : memref<2x10000x64xf32, #tpu.memory_space<hbm>> -> memref<1x10000x64xf32, #tpu.memory_space<hbm>>
        %dma_start3A_200 = tpu.memref_squeeze %dma_start3A_199 : memref<1x10000x64xf32, #tpu.memory_space<hbm>> -> memref<10000x64xf32, #tpu.memory_space<hbm>>
        %dma_start3A_201 = arith.constant 0 : i32
        %dma_start3A_202 = arith.constant 0 : i32
        %dma_start3A_203 = tpu.memref_slice %dma_start3A_200[%dma_start3A_201, %dma_start3A_202] : memref<10000x64xf32, #tpu.memory_space<hbm>> -> memref<10000x64xf32, #tpu.memory_space<hbm>>
        tpu.enqueue_indirect_dma source(%dma_start3A_203 : memref<10000x64xf32, #tpu.memory_space<hbm>>) target(%arg16 : memref<80x64xf32, #tpu.memory_space<vmem>>) offsets(%arg8 : memref<80xi32, #tpu.memory_space<vmem>>) semaphore(%arg30 : memref<!tpu.dma_semaphore, #tpu.memory_space<semaphore_mem>>)
      } else {
      }
      %add3A_129 = arith.constant 4 : i32
      %add3A_130 = arith.addi %add3A_116, %add3A_129 : i32
      %lt3A_131 = arith.constant 250 : i32
      %lt3A_132 = arith.cmpi slt, %add3A_130, %lt3A_131 : i32
      %convert_element_type3A_133 = arith.extui %lt3A_132 : i1 to i32
      %cond3A_134 = arith.constant 0 : i32
      %cond3A_135 = arith.cmpi ne, %convert_element_type3A_133, %cond3A_134 : i32
      scf.if %cond3A_135 {
        %add3A_182 = arith.constant 4 : i32
        %add3A_183 = arith.addi %add3A_116, %add3A_182 : i32
        %mul3A_184 = arith.constant 80 : i32
        %mul3A_185 = arith.muli %add3A_183, %mul3A_184 : i32
        %add3A_186 = arith.addi %mul3A_24, %mul3A_185 : i32
        %dma_start3A_187 = tpu.memref_slice %arg3[%add3A_186] : memref<640000xi32, #tpu.memory_space<hbm>> -> memref<80xi32, #tpu.memory_space<hbm>>
        %dma_start3A_188 = tpu.memref_slice %arg3[%add3A_186] : memref<640000xi32, #tpu.memory_space<hbm>> -> memref<80xi32, #tpu.memory_space<hbm>>
        tpu.enqueue_dma source(%dma_start3A_188 : memref<80xi32, #tpu.memory_space<hbm>>) target(%arg6 : memref<80xi32, #tpu.memory_space<vmem>>) target_semaphore(%arg20 : memref<!tpu.dma_semaphore, #tpu.memory_space<semaphore_mem>>)
      } else {
      }
      %mul3A_136 = arith.constant 4 : i32
      %mul3A_137 = arith.muli %scan3A_92, %mul3A_136 : i32
      %add3A_138 = arith.constant 2 : i32
      %add3A_139 = arith.addi %mul3A_137, %add3A_138 : i32
      %lt3A_140 = arith.constant 250 : i32
      %lt3A_141 = arith.cmpi slt, %add3A_139, %lt3A_140 : i32
      %convert_element_type3A_142 = arith.extui %lt3A_141 : i1 to i32
      %cond3A_143 = arith.constant 0 : i32
      %cond3A_144 = arith.cmpi ne, %convert_element_type3A_142, %cond3A_143 : i32
      scf.if %cond3A_144 {
        %dma_wait3A_182 = arith.constant 0 : i32
        %dma_wait3A_183 = arith.constant 0 : i32
        %dma_wait3A_184 = tpu.memref_slice %arg2[%arg0, %dma_wait3A_182, %dma_wait3A_183] : memref<2x10000x64xf32, #tpu.memory_space<hbm>> -> memref<1x10000x64xf32, #tpu.memory_space<hbm>>
        %dma_wait3A_185 = tpu.memref_squeeze %dma_wait3A_184 : memref<1x10000x64xf32, #tpu.memory_space<hbm>> -> memref<10000x64xf32, #tpu.memory_space<hbm>>
        %dma_wait3A_186 = arith.constant 0 : i32
        %dma_wait3A_187 = arith.constant 0 : i32
        %dma_wait3A_188 = tpu.memref_slice %dma_wait3A_185[%dma_wait3A_186, %dma_wait3A_187] : memref<10000x64xf32, #tpu.memory_space<hbm>> -> memref<10000x64xf32, #tpu.memory_space<hbm>>
        tpu.wait_indirect_dma semaphore(%arg29 : memref<!tpu.dma_semaphore, #tpu.memory_space<semaphore_mem>>) src(%dma_wait3A_188 : memref<10000x64xf32, #tpu.memory_space<hbm>>) dst(%arg15 : memref<80x64xf32, #tpu.memory_space<vmem>>)
        %dma_wait3A_189 = tpu.memref_slice %arg3[%mul3A_24] : memref<640000xi32, #tpu.memory_space<hbm>> -> memref<80xi32, #tpu.memory_space<hbm>>
        %dma_wait3A_190 = tpu.memref_slice %arg3[%mul3A_24] : memref<640000xi32, #tpu.memory_space<hbm>> -> memref<80xi32, #tpu.memory_space<hbm>>
        tpu.wait_dma2 semaphore(%arg25 : memref<!tpu.dma_semaphore, #tpu.memory_space<semaphore_mem>>) src(%dma_wait3A_190 : memref<80xi32, #tpu.memory_space<hbm>>) dst(%arg11 : memref<80xi32, #tpu.memory_space<vmem>>)
        %dma_start3A_191 = arith.constant 0 : i32
        %dma_start3A_192 = arith.constant 0 : i32
        %dma_start3A_193 = tpu.memref_slice %arg18[%dma_start3A_191, %dma_start3A_192] : memref<10240x64xf32, #tpu.memory_space<vmem_shared>> -> memref<10240x64xf32, #tpu.memory_space<vmem_shared>>
        tpu.enqueue_indirect_dma source(%arg15 : memref<80x64xf32, #tpu.memory_space<vmem>>) target(%dma_start3A_193 : memref<10240x64xf32, #tpu.memory_space<vmem_shared>>) offsets(%arg11 : memref<80xi32, #tpu.memory_space<vmem>>) semaphore(%arg33 : memref<!tpu.dma_semaphore, #tpu.memory_space<semaphore_mem>>) {add = true}
      } else {
      }
      %add3A_145 = arith.constant 2 : i32
      %add3A_146 = arith.addi %add3A_139, %add3A_145 : i32
      %lt3A_147 = arith.constant 250 : i32
      %lt3A_148 = arith.cmpi slt, %add3A_146, %lt3A_147 : i32
      %convert_element_type3A_149 = arith.extui %lt3A_148 : i1 to i32
      %cond3A_150 = arith.constant 0 : i32
      %cond3A_151 = arith.cmpi ne, %convert_element_type3A_149, %cond3A_150 : i32
      scf.if %cond3A_151 {
        %ge3A = arith.constant 2 : i32
        %ge3A_182 = arith.cmpi sge, %add3A_139, %ge3A : i32
        %convert_element_type3A_183 = arith.extui %ge3A_182 : i1 to i32
        %cond3A_184 = arith.constant 0 : i32
        %cond3A_185 = arith.cmpi ne, %convert_element_type3A_183, %cond3A_184 : i32
        scf.if %cond3A_185 {
          %dma_wait3A_204 = arith.constant 0 : i32
          %dma_wait3A_205 = arith.constant 0 : i32
          %dma_wait3A_206 = tpu.memref_slice %arg18[%dma_wait3A_204, %dma_wait3A_205] : memref<10240x64xf32, #tpu.memory_space<vmem_shared>> -> memref<10240x64xf32, #tpu.memory_space<vmem_shared>>
          tpu.wait_indirect_dma semaphore(%arg31 : memref<!tpu.dma_semaphore, #tpu.memory_space<semaphore_mem>>) src(%arg13 : memref<80x64xf32, #tpu.memory_space<vmem>>) dst(%dma_wait3A_206 : memref<10240x64xf32, #tpu.memory_space<vmem_shared>>)
        } else {
        }
        %add3A_186 = arith.constant 2 : i32
        %add3A_187 = arith.addi %add3A_139, %add3A_186 : i32
        %add3A_188 = arith.constant 320000 : i32
        %add3A_189 = arith.addi %add3A_188, %mul3A_24 : i32
        %mul3A_190 = arith.constant 80 : i32
        %mul3A_191 = arith.muli %add3A_187, %mul3A_190 : i32
        %add3A_192 = arith.addi %add3A_189, %mul3A_191 : i32
        %dma_start3A_193 = tpu.memref_slice %arg3[%add3A_192] : memref<640000xi32, #tpu.memory_space<hbm>> -> memref<80xi32, #tpu.memory_space<hbm>>
        %dma_start3A_194 = tpu.memref_slice %arg3[%add3A_192] : memref<640000xi32, #tpu.memory_space<hbm>> -> memref<80xi32, #tpu.memory_space<hbm>>
        tpu.enqueue_dma source(%dma_start3A_194 : memref<80xi32, #tpu.memory_space<hbm>>) target(%arg9 : memref<80xi32, #tpu.memory_space<vmem>>) target_semaphore(%arg23 : memref<!tpu.dma_semaphore, #tpu.memory_space<semaphore_mem>>)
        %dma_wait3A_195 = tpu.memref_slice %arg3[%mul3A_24] : memref<640000xi32, #tpu.memory_space<hbm>> -> memref<80xi32, #tpu.memory_space<hbm>>
        %dma_wait3A_196 = tpu.memref_slice %arg3[%mul3A_24] : memref<640000xi32, #tpu.memory_space<hbm>> -> memref<80xi32, #tpu.memory_space<hbm>>
        tpu.wait_dma2 semaphore(%arg19 : memref<!tpu.dma_semaphore, #tpu.memory_space<semaphore_mem>>) src(%dma_wait3A_196 : memref<80xi32, #tpu.memory_space<hbm>>) dst(%arg5 : memref<80xi32, #tpu.memory_space<vmem>>)
        %dma_start3A_197 = arith.constant 0 : i32
        %dma_start3A_198 = arith.constant 0 : i32
        %dma_start3A_199 = tpu.memref_slice %arg2[%arg0, %dma_start3A_197, %dma_start3A_198] : memref<2x10000x64xf32, #tpu.memory_space<hbm>> -> memref<1x10000x64xf32, #tpu.memory_space<hbm>>
        %dma_start3A_200 = tpu.memref_squeeze %dma_start3A_199 : memref<1x10000x64xf32, #tpu.memory_space<hbm>> -> memref<10000x64xf32, #tpu.memory_space<hbm>>
        %dma_start3A_201 = arith.constant 0 : i32
        %dma_start3A_202 = arith.constant 0 : i32
        %dma_start3A_203 = tpu.memref_slice %dma_start3A_200[%dma_start3A_201, %dma_start3A_202] : memref<10000x64xf32, #tpu.memory_space<hbm>> -> memref<10000x64xf32, #tpu.memory_space<hbm>>
        tpu.enqueue_indirect_dma source(%dma_start3A_203 : memref<10000x64xf32, #tpu.memory_space<hbm>>) target(%arg13 : memref<80x64xf32, #tpu.memory_space<vmem>>) offsets(%arg5 : memref<80xi32, #tpu.memory_space<vmem>>) semaphore(%arg27 : memref<!tpu.dma_semaphore, #tpu.memory_space<semaphore_mem>>)
      } else {
      }
      %add3A_152 = arith.constant 4 : i32
      %add3A_153 = arith.addi %add3A_139, %add3A_152 : i32
      %lt3A_154 = arith.constant 250 : i32
      %lt3A_155 = arith.cmpi slt, %add3A_153, %lt3A_154 : i32
      %convert_element_type3A_156 = arith.extui %lt3A_155 : i1 to i32
      %cond3A_157 = arith.constant 0 : i32
      %cond3A_158 = arith.cmpi ne, %convert_element_type3A_156, %cond3A_157 : i32
      scf.if %cond3A_158 {
        %add3A_182 = arith.constant 4 : i32
        %add3A_183 = arith.addi %add3A_139, %add3A_182 : i32
        %mul3A_184 = arith.constant 80 : i32
        %mul3A_185 = arith.muli %add3A_183, %mul3A_184 : i32
        %add3A_186 = arith.addi %mul3A_24, %mul3A_185 : i32
        %dma_start3A_187 = tpu.memref_slice %arg3[%add3A_186] : memref<640000xi32, #tpu.memory_space<hbm>> -> memref<80xi32, #tpu.memory_space<hbm>>
        %dma_start3A_188 = tpu.memref_slice %arg3[%add3A_186] : memref<640000xi32, #tpu.memory_space<hbm>> -> memref<80xi32, #tpu.memory_space<hbm>>
        tpu.enqueue_dma source(%dma_start3A_188 : memref<80xi32, #tpu.memory_space<hbm>>) target(%arg7 : memref<80xi32, #tpu.memory_space<vmem>>) target_semaphore(%arg21 : memref<!tpu.dma_semaphore, #tpu.memory_space<semaphore_mem>>)
      } else {
      }
      %mul3A_159 = arith.constant 4 : i32
      %mul3A_160 = arith.muli %scan3A_92, %mul3A_159 : i32
      %add3A_161 = arith.constant 3 : i32
      %add3A_162 = arith.addi %mul3A_160, %add3A_161 : i32
      %lt3A_163 = arith.constant 250 : i32
      %lt3A_164 = arith.cmpi slt, %add3A_162, %lt3A_163 : i32
      %convert_element_type3A_165 = arith.extui %lt3A_164 : i1 to i32
      %cond3A_166 = arith.constant 0 : i32
      %cond3A_167 = arith.cmpi ne, %convert_element_type3A_165, %cond3A_166 : i32
      scf.if %cond3A_167 {
        %dma_wait3A_182 = arith.constant 0 : i32
        %dma_wait3A_183 = arith.constant 0 : i32
        %dma_wait3A_184 = tpu.memref_slice %arg2[%arg0, %dma_wait3A_182, %dma_wait3A_183] : memref<2x10000x64xf32, #tpu.memory_space<hbm>> -> memref<1x10000x64xf32, #tpu.memory_space<hbm>>
        %dma_wait3A_185 = tpu.memref_squeeze %dma_wait3A_184 : memref<1x10000x64xf32, #tpu.memory_space<hbm>> -> memref<10000x64xf32, #tpu.memory_space<hbm>>
        %dma_wait3A_186 = arith.constant 0 : i32
        %dma_wait3A_187 = arith.constant 0 : i32
        %dma_wait3A_188 = tpu.memref_slice %dma_wait3A_185[%dma_wait3A_186, %dma_wait3A_187] : memref<10000x64xf32, #tpu.memory_space<hbm>> -> memref<10000x64xf32, #tpu.memory_space<hbm>>
        tpu.wait_indirect_dma semaphore(%arg30 : memref<!tpu.dma_semaphore, #tpu.memory_space<semaphore_mem>>) src(%dma_wait3A_188 : memref<10000x64xf32, #tpu.memory_space<hbm>>) dst(%arg16 : memref<80x64xf32, #tpu.memory_space<vmem>>)
        %dma_wait3A_189 = tpu.memref_slice %arg3[%mul3A_24] : memref<640000xi32, #tpu.memory_space<hbm>> -> memref<80xi32, #tpu.memory_space<hbm>>
        %dma_wait3A_190 = tpu.memref_slice %arg3[%mul3A_24] : memref<640000xi32, #tpu.memory_space<hbm>> -> memref<80xi32, #tpu.memory_space<hbm>>
        tpu.wait_dma2 semaphore(%arg26 : memref<!tpu.dma_semaphore, #tpu.memory_space<semaphore_mem>>) src(%dma_wait3A_190 : memref<80xi32, #tpu.memory_space<hbm>>) dst(%arg12 : memref<80xi32, #tpu.memory_space<vmem>>)
        %dma_start3A_191 = arith.constant 0 : i32
        %dma_start3A_192 = arith.constant 0 : i32
        %dma_start3A_193 = tpu.memref_slice %arg18[%dma_start3A_191, %dma_start3A_192] : memref<10240x64xf32, #tpu.memory_space<vmem_shared>> -> memref<10240x64xf32, #tpu.memory_space<vmem_shared>>
        tpu.enqueue_indirect_dma source(%arg16 : memref<80x64xf32, #tpu.memory_space<vmem>>) target(%dma_start3A_193 : memref<10240x64xf32, #tpu.memory_space<vmem_shared>>) offsets(%arg12 : memref<80xi32, #tpu.memory_space<vmem>>) semaphore(%arg34 : memref<!tpu.dma_semaphore, #tpu.memory_space<semaphore_mem>>) {add = true}
      } else {
      }
      %add3A_168 = arith.constant 2 : i32
      %add3A_169 = arith.addi %add3A_162, %add3A_168 : i32
      %lt3A_170 = arith.constant 250 : i32
      %lt3A_171 = arith.cmpi slt, %add3A_169, %lt3A_170 : i32
      %convert_element_type3A_172 = arith.extui %lt3A_171 : i1 to i32
      %cond3A_173 = arith.constant 0 : i32
      %cond3A_174 = arith.cmpi ne, %convert_element_type3A_172, %cond3A_173 : i32
      scf.if %cond3A_174 {
        %ge3A = arith.constant 2 : i32
        %ge3A_182 = arith.cmpi sge, %add3A_162, %ge3A : i32
        %convert_element_type3A_183 = arith.extui %ge3A_182 : i1 to i32
        %cond3A_184 = arith.constant 0 : i32
        %cond3A_185 = arith.cmpi ne, %convert_element_type3A_183, %cond3A_184 : i32
        scf.if %cond3A_185 {
          %dma_wait3A_204 = arith.constant 0 : i32
          %dma_wait3A_205 = arith.constant 0 : i32
          %dma_wait3A_206 = tpu.memref_slice %arg18[%dma_wait3A_204, %dma_wait3A_205] : memref<10240x64xf32, #tpu.memory_space<vmem_shared>> -> memref<10240x64xf32, #tpu.memory_space<vmem_shared>>
          tpu.wait_indirect_dma semaphore(%arg32 : memref<!tpu.dma_semaphore, #tpu.memory_space<semaphore_mem>>) src(%arg14 : memref<80x64xf32, #tpu.memory_space<vmem>>) dst(%dma_wait3A_206 : memref<10240x64xf32, #tpu.memory_space<vmem_shared>>)
        } else {
        }
        %add3A_186 = arith.constant 2 : i32
        %add3A_187 = arith.addi %add3A_162, %add3A_186 : i32
        %add3A_188 = arith.constant 320000 : i32
        %add3A_189 = arith.addi %add3A_188, %mul3A_24 : i32
        %mul3A_190 = arith.constant 80 : i32
        %mul3A_191 = arith.muli %add3A_187, %mul3A_190 : i32
        %add3A_192 = arith.addi %add3A_189, %mul3A_191 : i32
        %dma_start3A_193 = tpu.memref_slice %arg3[%add3A_192] : memref<640000xi32, #tpu.memory_space<hbm>> -> memref<80xi32, #tpu.memory_space<hbm>>
        %dma_start3A_194 = tpu.memref_slice %arg3[%add3A_192] : memref<640000xi32, #tpu.memory_space<hbm>> -> memref<80xi32, #tpu.memory_space<hbm>>
        tpu.enqueue_dma source(%dma_start3A_194 : memref<80xi32, #tpu.memory_space<hbm>>) target(%arg10 : memref<80xi32, #tpu.memory_space<vmem>>) target_semaphore(%arg24 : memref<!tpu.dma_semaphore, #tpu.memory_space<semaphore_mem>>)
        %dma_wait3A_195 = tpu.memref_slice %arg3[%mul3A_24] : memref<640000xi32, #tpu.memory_space<hbm>> -> memref<80xi32, #tpu.memory_space<hbm>>
        %dma_wait3A_196 = tpu.memref_slice %arg3[%mul3A_24] : memref<640000xi32, #tpu.memory_space<hbm>> -> memref<80xi32, #tpu.memory_space<hbm>>
        tpu.wait_dma2 semaphore(%arg20 : memref<!tpu.dma_semaphore, #tpu.memory_space<semaphore_mem>>) src(%dma_wait3A_196 : memref<80xi32, #tpu.memory_space<hbm>>) dst(%arg6 : memref<80xi32, #tpu.memory_space<vmem>>)
        %dma_start3A_197 = arith.constant 0 : i32
        %dma_start3A_198 = arith.constant 0 : i32
        %dma_start3A_199 = tpu.memref_slice %arg2[%arg0, %dma_start3A_197, %dma_start3A_198] : memref<2x10000x64xf32, #tpu.memory_space<hbm>> -> memref<1x10000x64xf32, #tpu.memory_space<hbm>>
        %dma_start3A_200 = tpu.memref_squeeze %dma_start3A_199 : memref<1x10000x64xf32, #tpu.memory_space<hbm>> -> memref<10000x64xf32, #tpu.memory_space<hbm>>
        %dma_start3A_201 = arith.constant 0 : i32
        %dma_start3A_202 = arith.constant 0 : i32
        %dma_start3A_203 = tpu.memref_slice %dma_start3A_200[%dma_start3A_201, %dma_start3A_202] : memref<10000x64xf32, #tpu.memory_space<hbm>> -> memref<10000x64xf32, #tpu.memory_space<hbm>>
        tpu.enqueue_indirect_dma source(%dma_start3A_203 : memref<10000x64xf32, #tpu.memory_space<hbm>>) target(%arg14 : memref<80x64xf32, #tpu.memory_space<vmem>>) offsets(%arg6 : memref<80xi32, #tpu.memory_space<vmem>>) semaphore(%arg28 : memref<!tpu.dma_semaphore, #tpu.memory_space<semaphore_mem>>)
      } else {
      }
      %add3A_175 = arith.constant 4 : i32
      %add3A_176 = arith.addi %add3A_162, %add3A_175 : i32
      %lt3A_177 = arith.constant 250 : i32
      %lt3A_178 = arith.cmpi slt, %add3A_176, %lt3A_177 : i32
      %convert_element_type3A_179 = arith.extui %lt3A_178 : i1 to i32
      %cond3A_180 = arith.constant 0 : i32
      %cond3A_181 = arith.cmpi ne, %convert_element_type3A_179, %cond3A_180 : i32
      scf.if %cond3A_181 {
        %add3A_182 = arith.constant 4 : i32
        %add3A_183 = arith.addi %add3A_162, %add3A_182 : i32
        %mul3A_184 = arith.constant 80 : i32
        %mul3A_185 = arith.muli %add3A_183, %mul3A_184 : i32
        %add3A_186 = arith.addi %mul3A_24, %mul3A_185 : i32
        %dma_start3A_187 = tpu.memref_slice %arg3[%add3A_186] : memref<640000xi32, #tpu.memory_space<hbm>> -> memref<80xi32, #tpu.memory_space<hbm>>
        %dma_start3A_188 = tpu.memref_slice %arg3[%add3A_186] : memref<640000xi32, #tpu.memory_space<hbm>> -> memref<80xi32, #tpu.memory_space<hbm>>
        tpu.enqueue_dma source(%dma_start3A_188 : memref<80xi32, #tpu.memory_space<hbm>>) target(%arg8 : memref<80xi32, #tpu.memory_space<vmem>>) target_semaphore(%arg22 : memref<!tpu.dma_semaphore, #tpu.memory_space<semaphore_mem>>)
      } else {
      }
    }
    %scan3A_74 = arith.constant 63 : i32
    %dma_wait3A_75 = arith.constant 0 : i32
    %dma_wait3A_76 = arith.constant 0 : i32
    %dma_wait3A_77 = tpu.memref_slice %arg18[%dma_wait3A_75, %dma_wait3A_76] : memref<10240x64xf32, #tpu.memory_space<vmem_shared>> -> memref<10240x64xf32, #tpu.memory_space<vmem_shared>>
    tpu.wait_indirect_dma semaphore(%arg31 : memref<!tpu.dma_semaphore, #tpu.memory_space<semaphore_mem>>) src(%arg13 : memref<80x64xf32, #tpu.memory_space<vmem>>) dst(%dma_wait3A_77 : memref<10240x64xf32, #tpu.memory_space<vmem_shared>>)
    %dma_wait3A_78 = arith.constant 0 : i32
    %dma_wait3A_79 = arith.constant 0 : i32
    %dma_wait3A_80 = tpu.memref_slice %arg18[%dma_wait3A_78, %dma_wait3A_79] : memref<10240x64xf32, #tpu.memory_space<vmem_shared>> -> memref<10240x64xf32, #tpu.memory_space<vmem_shared>>
    tpu.wait_indirect_dma semaphore(%arg32 : memref<!tpu.dma_semaphore, #tpu.memory_space<semaphore_mem>>) src(%arg14 : memref<80x64xf32, #tpu.memory_space<vmem>>) dst(%dma_wait3A_80 : memref<10240x64xf32, #tpu.memory_space<vmem_shared>>)
    %dma_wait3A_81 = arith.constant 0 : i32
    %dma_wait3A_82 = arith.constant 0 : i32
    %dma_wait3A_83 = tpu.memref_slice %arg18[%dma_wait3A_81, %dma_wait3A_82] : memref<10240x64xf32, #tpu.memory_space<vmem_shared>> -> memref<10240x64xf32, #tpu.memory_space<vmem_shared>>
    tpu.wait_indirect_dma semaphore(%arg33 : memref<!tpu.dma_semaphore, #tpu.memory_space<semaphore_mem>>) src(%arg15 : memref<80x64xf32, #tpu.memory_space<vmem>>) dst(%dma_wait3A_83 : memref<10240x64xf32, #tpu.memory_space<vmem_shared>>)
    %dma_wait3A_84 = arith.constant 0 : i32
    %dma_wait3A_85 = arith.constant 0 : i32
    %dma_wait3A_86 = tpu.memref_slice %arg18[%dma_wait3A_84, %dma_wait3A_85] : memref<10240x64xf32, #tpu.memory_space<vmem_shared>> -> memref<10240x64xf32, #tpu.memory_space<vmem_shared>>
    tpu.wait_indirect_dma semaphore(%arg34 : memref<!tpu.dma_semaphore, #tpu.memory_space<semaphore_mem>>) src(%arg16 : memref<80x64xf32, #tpu.memory_space<vmem>>) dst(%dma_wait3A_86 : memref<10240x64xf32, #tpu.memory_space<vmem_shared>>)
    %barrier3A_87 = arith.constant 0 : index
    tpu.barrier barrier_id(%barrier3A_87)
    %mul3A_88 = arith.constant 640 : i32
    %mul3A_89 = arith.muli %arg1, %mul3A_88 : i32
    %mul3A_90 = arith.constant 640 : i32
    %mul3A_91 = arith.muli %arg1, %mul3A_90 : i32
    "tpu.region"() ({
      %run_scoped3A = tpu.sem_alloc : memref<!tpu.dma_semaphore, #tpu.memory_space<semaphore_mem>>
      %dma_start3A_92 = arith.constant 0 : i32
      %dma_start3A_93 = tpu.memref_slice %arg4[%arg0, %mul3A_91, %dma_start3A_92] : memref<2x10240x64xf32, #tpu.memory_space<hbm>> -> memref<1x640x64xf32, #tpu.memory_space<hbm>>
      %dma_start3A_94 = tpu.memref_squeeze %dma_start3A_93 : memref<1x640x64xf32, #tpu.memory_space<hbm>> -> memref<640x64xf32, #tpu.memory_space<hbm>>
      %dma_start3A_95 = arith.constant 0 : i32
      %dma_start3A_96 = tpu.memref_slice %arg18[%mul3A_89, %dma_start3A_95] : memref<10240x64xf32, #tpu.memory_space<vmem_shared>> -> memref<640x64xf32, #tpu.memory_space<vmem_shared>>
      tpu.enqueue_dma source(%dma_start3A_96 : memref<640x64xf32, #tpu.memory_space<vmem_shared>>) target(%dma_start3A_94 : memref<640x64xf32, #tpu.memory_space<hbm>>) target_semaphore(%run_scoped3A : memref<!tpu.dma_semaphore, #tpu.memory_space<semaphore_mem>>)
      %dma_wait3A_97 = arith.constant 0 : i32
      %dma_wait3A_98 = tpu.memref_slice %arg4[%arg0, %mul3A_91, %dma_wait3A_97] : memref<2x10240x64xf32, #tpu.memory_space<hbm>> -> memref<1x640x64xf32, #tpu.memory_space<hbm>>
      %dma_wait3A_99 = tpu.memref_squeeze %dma_wait3A_98 : memref<1x640x64xf32, #tpu.memory_space<hbm>> -> memref<640x64xf32, #tpu.memory_space<hbm>>
      %dma_wait3A_100 = arith.constant 0 : i32
      %dma_wait3A_101 = tpu.memref_slice %arg18[%mul3A_89, %dma_wait3A_100] : memref<10240x64xf32, #tpu.memory_space<vmem_shared>> -> memref<640x64xf32, #tpu.memory_space<vmem_shared>>
      tpu.wait_dma2 semaphore(%run_scoped3A : memref<!tpu.dma_semaphore, #tpu.memory_space<semaphore_mem>>) src(%dma_wait3A_101 : memref<640x64xf32, #tpu.memory_space<vmem_shared>>) dst(%dma_wait3A_99 : memref<640x64xf32, #tpu.memory_space<hbm>>)
      tpu.yield
    }) : () -> ()
    return
  }
}

#map = affine_map<(d0, d1) -> (0)>
#map1 = affine_map<(d0, d1) -> (0, 0, 0)>
module attributes {stable_mosaic.version = 14 : i64} {
  func.func @_deg_body(%arg0: i32, %arg1: i32, %arg2: memref<640000xi32, #tpu.memory_space<hbm>>, %arg3: memref<2x10240x16xf32, #tpu.memory_space<hbm>>, %arg4: memref<640x16xf32, #tpu.memory_space<vmem>>, %arg5: memref<40xi32, #tpu.memory_space<vmem>>, %arg6: memref<40xi32, #tpu.memory_space<vmem>>, %arg7: memref<640x16xf32, #tpu.memory_space<vmem>>, %arg8: memref<10240x16xf32, #tpu.memory_space<vmem_shared>>, %arg9: memref<!tpu.dma_semaphore, #tpu.memory_space<semaphore_mem>>, %arg10: memref<!tpu.dma_semaphore, #tpu.memory_space<semaphore_mem>>) attributes {dimension_semantics = [#tpu.dimension_semantics<core_parallel>, #tpu.dimension_semantics<subcore_parallel>], iteration_bounds = array<i64: 2, 16>, scalar_prefetch = 0 : i64, scratch_operands = 7 : i64, tpu.core_type = #tpu.core_type<sc_vector_subcore>, window_params = [{transform_indices = #map}, {transform_indices = #map1}]} {
    %mul3A = arith.constant 16 : i32
    %mul3A_0 = arith.muli %arg0, %mul3A : i32
    %add3A = arith.addi %mul3A_0, %arg1 : i32
    %scan3A = arith.constant 0 : i32
    %scan3A_1 = arith.constant 0 : i32
    %scan3A_2 = arith.constant 640 : i32
    %scan3A_3 = arith.addi %scan3A_1, %scan3A_2 : i32
    %scan3A_4 = arith.constant 1 : i32
    scf.for %scan3A_26 = %scan3A_1 to %scan3A_3 step %scan3A_4  : i32 {
      %broadcast_in_dim3A = arith.constant 1.000000e+00 : f32
      %broadcast_in_dim3A_27 = vector.broadcast %broadcast_in_dim3A : f32 to vector<16xf32>
      %swap3A = arith.index_cast %scan3A_26 : i32 to index
      %swap3A_28 = arith.constant 0 : index
      %swap3A_29 = tpu.vector_load %arg4[%swap3A, %swap3A_28] {strides = array<i32>} : memref<640x16xf32, #tpu.memory_space<vmem>>, vector<1x16xf32>,
      %swap3A_30 = vector.shape_cast %swap3A_29 : vector<1x16xf32> to vector<16xf32>
      %swap3A_31 = vector.shape_cast %broadcast_in_dim3A_27 : vector<16xf32> to vector<1x16xf32>
      tpu.vector_store %arg4[%swap3A, %swap3A_28], %swap3A_31 {strides = array<i32>} : memref<640x16xf32, #tpu.memory_space<vmem>>, vector<1x16xf32>,
      %broadcast_in_dim3A_32 = arith.constant 0.000000e+00 : f32
      %broadcast_in_dim3A_33 = vector.broadcast %broadcast_in_dim3A_32 : f32 to vector<16xf32>
      %swap3A_34 = arith.index_cast %scan3A_26 : i32 to index
      %swap3A_35 = arith.constant 0 : index
      %swap3A_36 = tpu.vector_load %arg7[%swap3A_34, %swap3A_35] {strides = array<i32>} : memref<640x16xf32, #tpu.memory_space<vmem>>, vector<1x16xf32>,
      %swap3A_37 = vector.shape_cast %swap3A_36 : vector<1x16xf32> to vector<16xf32>
      %swap3A_38 = vector.shape_cast %broadcast_in_dim3A_33 : vector<16xf32> to vector<1x16xf32>
      tpu.vector_store %arg7[%swap3A_34, %swap3A_35], %swap3A_38 {strides = array<i32>} : memref<640x16xf32, #tpu.memory_space<vmem>>, vector<1x16xf32>,
    }
    %scan3A_5 = arith.constant 640 : i32
    %mul3A_6 = arith.constant 640 : i32
    %mul3A_7 = arith.muli %arg1, %mul3A_6 : i32
    "tpu.region"() ({
      %run_scoped3A = tpu.sem_alloc : memref<!tpu.dma_semaphore, #tpu.memory_space<semaphore_mem>>
      %dma_start3A_26 = arith.constant 0 : i32
      %dma_start3A_27 = tpu.memref_slice %arg8[%mul3A_7, %dma_start3A_26] : memref<10240x16xf32, #tpu.memory_space<vmem_shared>> -> memref<640x16xf32, #tpu.memory_space<vmem_shared>>
      %dma_start3A_28 = arith.constant 0 : i32
      %dma_start3A_29 = tpu.memref_slice %arg8[%mul3A_7, %dma_start3A_28] : memref<10240x16xf32, #tpu.memory_space<vmem_shared>> -> memref<640x16xf32, #tpu.memory_space<vmem_shared>>
      tpu.enqueue_dma source(%arg7 : memref<640x16xf32, #tpu.memory_space<vmem>>) target(%dma_start3A_29 : memref<640x16xf32, #tpu.memory_space<vmem_shared>>) target_semaphore(%run_scoped3A : memref<!tpu.dma_semaphore, #tpu.memory_space<semaphore_mem>>)
      %dma_wait3A = arith.constant 0 : i32
      %dma_wait3A_30 = tpu.memref_slice %arg8[%mul3A_7, %dma_wait3A] : memref<10240x16xf32, #tpu.memory_space<vmem_shared>> -> memref<640x16xf32, #tpu.memory_space<vmem_shared>>
      %dma_wait3A_31 = arith.constant 0 : i32
      %dma_wait3A_32 = tpu.memref_slice %arg8[%mul3A_7, %dma_wait3A_31] : memref<10240x16xf32, #tpu.memory_space<vmem_shared>> -> memref<640x16xf32, #tpu.memory_space<vmem_shared>>
      tpu.wait_dma2 semaphore(%run_scoped3A : memref<!tpu.dma_semaphore, #tpu.memory_space<semaphore_mem>>) src(%arg7 : memref<640x16xf32, #tpu.memory_space<vmem>>) dst(%dma_wait3A_32 : memref<640x16xf32, #tpu.memory_space<vmem_shared>>)
      tpu.yield
    }) : () -> ()
    %barrier3A = arith.constant 0 : index
    tpu.barrier barrier_id(%barrier3A)
    %mul3A_8 = arith.constant 10000 : i32
    %mul3A_9 = arith.muli %add3A, %mul3A_8 : i32
    %add3A_10 = arith.constant 320000 : i32
    %add3A_11 = arith.addi %add3A_10, %mul3A_9 : i32
    %add3A_12 = arith.constant 0 : i32
    %add3A_13 = arith.addi %add3A_11, %add3A_12 : i32
    %dma_start3A = tpu.memref_slice %arg2[%add3A_13] : memref<640000xi32, #tpu.memory_space<hbm>> -> memref<40xi32, #tpu.memory_space<hbm>>
    %dma_start3A_14 = tpu.memref_slice %arg2[%add3A_13] : memref<640000xi32, #tpu.memory_space<hbm>> -> memref<40xi32, #tpu.memory_space<hbm>>
    tpu.enqueue_dma source(%dma_start3A_14 : memref<40xi32, #tpu.memory_space<hbm>>) target(%arg5 : memref<40xi32, #tpu.memory_space<vmem>>) target_semaphore(%arg9 : memref<!tpu.dma_semaphore, #tpu.memory_space<semaphore_mem>>)
    %scan3A_15 = arith.constant 0 : i32
    %scan3A_16 = arith.constant 0 : i32
    %scan3A_17 = arith.constant 125 : i32
    %scan3A_18 = arith.addi %scan3A_16, %scan3A_17 : i32
    %scan3A_19 = arith.constant 1 : i32
    scf.for %scan3A_26 = %scan3A_16 to %scan3A_18 step %scan3A_19  : i32 {
      %mul3A_27 = arith.constant 2 : i32
      %mul3A_28 = arith.muli %scan3A_26, %mul3A_27 : i32
      %add3A_29 = arith.constant 0 : i32
      %add3A_30 = arith.addi %mul3A_28, %add3A_29 : i32
      %add3A_31 = arith.constant 1 : i32
      %add3A_32 = arith.addi %add3A_30, %add3A_31 : i32
      %lt3A = arith.constant 250 : i32
      %lt3A_33 = arith.cmpi slt, %add3A_32, %lt3A : i32
      %convert_element_type3A = arith.extui %lt3A_33 : i1 to i32
      %cond3A = arith.constant 0 : i32
      %cond3A_34 = arith.cmpi ne, %convert_element_type3A, %cond3A : i32
      scf.if %cond3A_34 {
        %add3A_53 = arith.constant 1 : i32
        %add3A_54 = arith.addi %add3A_30, %add3A_53 : i32
        %add3A_55 = arith.constant 320000 : i32
        %add3A_56 = arith.addi %add3A_55, %mul3A_9 : i32
        %mul3A_57 = arith.constant 40 : i32
        %mul3A_58 = arith.muli %add3A_54, %mul3A_57 : i32
        %add3A_59 = arith.addi %add3A_56, %mul3A_58 : i32
        %dma_start3A_60 = tpu.memref_slice %arg2[%add3A_59] : memref<640000xi32, #tpu.memory_space<hbm>> -> memref<40xi32, #tpu.memory_space<hbm>>
        %dma_start3A_61 = tpu.memref_slice %arg2[%add3A_59] : memref<640000xi32, #tpu.memory_space<hbm>> -> memref<40xi32, #tpu.memory_space<hbm>>
        tpu.enqueue_dma source(%dma_start3A_61 : memref<40xi32, #tpu.memory_space<hbm>>) target(%arg6 : memref<40xi32, #tpu.memory_space<vmem>>) target_semaphore(%arg10 : memref<!tpu.dma_semaphore, #tpu.memory_space<semaphore_mem>>)
      } else {
      }
      %add3A_35 = arith.constant 320000 : i32
      %add3A_36 = arith.addi %add3A_35, %mul3A_9 : i32
      %dma_wait3A = tpu.memref_slice %arg2[%add3A_36] : memref<640000xi32, #tpu.memory_space<hbm>> -> memref<40xi32, #tpu.memory_space<hbm>>
      %dma_wait3A_37 = tpu.memref_slice %arg2[%add3A_36] : memref<640000xi32, #tpu.memory_space<hbm>> -> memref<40xi32, #tpu.memory_space<hbm>>
      tpu.wait_dma2 semaphore(%arg9 : memref<!tpu.dma_semaphore, #tpu.memory_space<semaphore_mem>>) src(%dma_wait3A_37 : memref<40xi32, #tpu.memory_space<hbm>>) dst(%arg5 : memref<40xi32, #tpu.memory_space<vmem>>)
      "tpu.region"() ({
        %run_scoped3A = tpu.sem_alloc : memref<!tpu.dma_semaphore, #tpu.memory_space<semaphore_mem>>
        %dma_start3A_53 = arith.constant 0 : i32
        %dma_start3A_54 = arith.constant 0 : i32
        %dma_start3A_55 = tpu.memref_slice %arg4[%dma_start3A_53, %dma_start3A_54] : memref<640x16xf32, #tpu.memory_space<vmem>> -> memref<40x16xf32, #tpu.memory_space<vmem>>
        %dma_start3A_56 = arith.constant 0 : i32
        %dma_start3A_57 = arith.constant 0 : i32
        %dma_start3A_58 = tpu.memref_slice %arg8[%dma_start3A_56, %dma_start3A_57] : memref<10240x16xf32, #tpu.memory_space<vmem_shared>> -> memref<10240x16xf32, #tpu.memory_space<vmem_shared>>
        tpu.enqueue_indirect_dma source(%dma_start3A_55 : memref<40x16xf32, #tpu.memory_space<vmem>>) target(%dma_start3A_58 : memref<10240x16xf32, #tpu.memory_space<vmem_shared>>) offsets(%arg5 : memref<40xi32, #tpu.memory_space<vmem>>) semaphore(%run_scoped3A : memref<!tpu.dma_semaphore, #tpu.memory_space<semaphore_mem>>) {add = true}
        %dma_wait3A_59 = arith.constant 0 : i32
        %dma_wait3A_60 = arith.constant 0 : i32
        %dma_wait3A_61 = tpu.memref_slice %arg4[%dma_wait3A_59, %dma_wait3A_60] : memref<640x16xf32, #tpu.memory_space<vmem>> -> memref<40x16xf32, #tpu.memory_space<vmem>>
        %dma_wait3A_62 = arith.constant 0 : i32
        %dma_wait3A_63 = arith.constant 0 : i32
        %dma_wait3A_64 = tpu.memref_slice %arg8[%dma_wait3A_62, %dma_wait3A_63] : memref<10240x16xf32, #tpu.memory_space<vmem_shared>> -> memref<10240x16xf32, #tpu.memory_space<vmem_shared>>
        tpu.wait_indirect_dma semaphore(%run_scoped3A : memref<!tpu.dma_semaphore, #tpu.memory_space<semaphore_mem>>) src(%dma_wait3A_61 : memref<40x16xf32, #tpu.memory_space<vmem>>) dst(%dma_wait3A_64 : memref<10240x16xf32, #tpu.memory_space<vmem_shared>>)
        tpu.yield
      }) : () -> ()
      %mul3A_38 = arith.constant 2 : i32
      %mul3A_39 = arith.muli %scan3A_26, %mul3A_38 : i32
      %add3A_40 = arith.constant 1 : i32
      %add3A_41 = arith.addi %mul3A_39, %add3A_40 : i32
      %add3A_42 = arith.constant 1 : i32
      %add3A_43 = arith.addi %add3A_41, %add3A_42 : i32
      %lt3A_44 = arith.constant 250 : i32
      %lt3A_45 = arith.cmpi slt, %add3A_43, %lt3A_44 : i32
      %convert_element_type3A_46 = arith.extui %lt3A_45 : i1 to i32
      %cond3A_47 = arith.constant 0 : i32
      %cond3A_48 = arith.cmpi ne, %convert_element_type3A_46, %cond3A_47 : i32
      scf.if %cond3A_48 {
        %add3A_53 = arith.constant 1 : i32
        %add3A_54 = arith.addi %add3A_41, %add3A_53 : i32
        %add3A_55 = arith.constant 320000 : i32
        %add3A_56 = arith.addi %add3A_55, %mul3A_9 : i32
        %mul3A_57 = arith.constant 40 : i32
        %mul3A_58 = arith.muli %add3A_54, %mul3A_57 : i32
        %add3A_59 = arith.addi %add3A_56, %mul3A_58 : i32
        %dma_start3A_60 = tpu.memref_slice %arg2[%add3A_59] : memref<640000xi32, #tpu.memory_space<hbm>> -> memref<40xi32, #tpu.memory_space<hbm>>
        %dma_start3A_61 = tpu.memref_slice %arg2[%add3A_59] : memref<640000xi32, #tpu.memory_space<hbm>> -> memref<40xi32, #tpu.memory_space<hbm>>
        tpu.enqueue_dma source(%dma_start3A_61 : memref<40xi32, #tpu.memory_space<hbm>>) target(%arg5 : memref<40xi32, #tpu.memory_space<vmem>>) target_semaphore(%arg9 : memref<!tpu.dma_semaphore, #tpu.memory_space<semaphore_mem>>)
      } else {
      }
      %add3A_49 = arith.constant 320000 : i32
      %add3A_50 = arith.addi %add3A_49, %mul3A_9 : i32
      %dma_wait3A_51 = tpu.memref_slice %arg2[%add3A_50] : memref<640000xi32, #tpu.memory_space<hbm>> -> memref<40xi32, #tpu.memory_space<hbm>>
      %dma_wait3A_52 = tpu.memref_slice %arg2[%add3A_50] : memref<640000xi32, #tpu.memory_space<hbm>> -> memref<40xi32, #tpu.memory_space<hbm>>
      tpu.wait_dma2 semaphore(%arg10 : memref<!tpu.dma_semaphore, #tpu.memory_space<semaphore_mem>>) src(%dma_wait3A_52 : memref<40xi32, #tpu.memory_space<hbm>>) dst(%arg6 : memref<40xi32, #tpu.memory_space<vmem>>)
      "tpu.region"() ({
        %run_scoped3A = tpu.sem_alloc : memref<!tpu.dma_semaphore, #tpu.memory_space<semaphore_mem>>
        %dma_start3A_53 = arith.constant 0 : i32
        %dma_start3A_54 = arith.constant 0 : i32
        %dma_start3A_55 = tpu.memref_slice %arg4[%dma_start3A_53, %dma_start3A_54] : memref<640x16xf32, #tpu.memory_space<vmem>> -> memref<40x16xf32, #tpu.memory_space<vmem>>
        %dma_start3A_56 = arith.constant 0 : i32
        %dma_start3A_57 = arith.constant 0 : i32
        %dma_start3A_58 = tpu.memref_slice %arg8[%dma_start3A_56, %dma_start3A_57] : memref<10240x16xf32, #tpu.memory_space<vmem_shared>> -> memref<10240x16xf32, #tpu.memory_space<vmem_shared>>
        tpu.enqueue_indirect_dma source(%dma_start3A_55 : memref<40x16xf32, #tpu.memory_space<vmem>>) target(%dma_start3A_58 : memref<10240x16xf32, #tpu.memory_space<vmem_shared>>) offsets(%arg6 : memref<40xi32, #tpu.memory_space<vmem>>) semaphore(%run_scoped3A : memref<!tpu.dma_semaphore, #tpu.memory_space<semaphore_mem>>) {add = true}
        %dma_wait3A_59 = arith.constant 0 : i32
        %dma_wait3A_60 = arith.constant 0 : i32
        %dma_wait3A_61 = tpu.memref_slice %arg4[%dma_wait3A_59, %dma_wait3A_60] : memref<640x16xf32, #tpu.memory_space<vmem>> -> memref<40x16xf32, #tpu.memory_space<vmem>>
        %dma_wait3A_62 = arith.constant 0 : i32
        %dma_wait3A_63 = arith.constant 0 : i32
        %dma_wait3A_64 = tpu.memref_slice %arg8[%dma_wait3A_62, %dma_wait3A_63] : memref<10240x16xf32, #tpu.memory_space<vmem_shared>> -> memref<10240x16xf32, #tpu.memory_space<vmem_shared>>
        tpu.wait_indirect_dma semaphore(%run_scoped3A : memref<!tpu.dma_semaphore, #tpu.memory_space<semaphore_mem>>) src(%dma_wait3A_61 : memref<40x16xf32, #tpu.memory_space<vmem>>) dst(%dma_wait3A_64 : memref<10240x16xf32, #tpu.memory_space<vmem_shared>>)
        tpu.yield
      }) : () -> ()
    }
    %scan3A_20 = arith.constant 125 : i32
    %barrier3A_21 = arith.constant 0 : index
    tpu.barrier barrier_id(%barrier3A_21)
    %mul3A_22 = arith.constant 640 : i32
    %mul3A_23 = arith.muli %arg1, %mul3A_22 : i32
    %mul3A_24 = arith.constant 640 : i32
    %mul3A_25 = arith.muli %arg1, %mul3A_24 : i32
    "tpu.region"() ({
      %run_scoped3A = tpu.sem_alloc : memref<!tpu.dma_semaphore, #tpu.memory_space<semaphore_mem>>
      %dma_start3A_26 = arith.constant 0 : i32
      %dma_start3A_27 = tpu.memref_slice %arg3[%arg0, %mul3A_25, %dma_start3A_26] : memref<2x10240x16xf32, #tpu.memory_space<hbm>> -> memref<1x640x16xf32, #tpu.memory_space<hbm>>
      %dma_start3A_28 = tpu.memref_squeeze %dma_start3A_27 : memref<1x640x16xf32, #tpu.memory_space<hbm>> -> memref<640x16xf32, #tpu.memory_space<hbm>>
      %dma_start3A_29 = arith.constant 0 : i32
      %dma_start3A_30 = tpu.memref_slice %arg8[%mul3A_23, %dma_start3A_29] : memref<10240x16xf32, #tpu.memory_space<vmem_shared>> -> memref<640x16xf32, #tpu.memory_space<vmem_shared>>
      tpu.enqueue_dma source(%dma_start3A_30 : memref<640x16xf32, #tpu.memory_space<vmem_shared>>) target(%dma_start3A_28 : memref<640x16xf32, #tpu.memory_space<hbm>>) target_semaphore(%run_scoped3A : memref<!tpu.dma_semaphore, #tpu.memory_space<semaphore_mem>>)
      %dma_wait3A = arith.constant 0 : i32
      %dma_wait3A_31 = tpu.memref_slice %arg3[%arg0, %mul3A_25, %dma_wait3A] : memref<2x10240x16xf32, #tpu.memory_space<hbm>> -> memref<1x640x16xf32, #tpu.memory_space<hbm>>
      %dma_wait3A_32 = tpu.memref_squeeze %dma_wait3A_31 : memref<1x640x16xf32, #tpu.memory_space<hbm>> -> memref<640x16xf32, #tpu.memory_space<hbm>>
      %dma_wait3A_33 = arith.constant 0 : i32
      %dma_wait3A_34 = tpu.memref_slice %arg8[%mul3A_23, %dma_wait3A_33] : memref<10240x16xf32, #tpu.memory_space<vmem_shared>> -> memref<640x16xf32, #tpu.memory_space<vmem_shared>>
      tpu.wait_dma2 semaphore(%run_scoped3A : memref<!tpu.dma_semaphore, #tpu.memory_space<semaphore_mem>>) src(%dma_wait3A_34 : memref<640x16xf32, #tpu.memory_space<vmem_shared>>) dst(%dma_wait3A_32 : memref<640x16xf32, #tpu.memory_space<hbm>>)
      tpu.yield
    }) : () -> ()
    return
  }
}

module attributes {stable_mosaic.version = 14 : i64} {
  func.func @_pre_body(%arg0: i32, %arg1: memref<400x128xf32, #tpu.memory_space<vmem>>, %arg2: memref<128x128xf32, #tpu.memory_space<vmem>>, %arg3: memref<2x400x16xf32, #tpu.memory_space<vmem>>, %arg4: memref<2x400x64xf32, #tpu.memory_space<vmem>>) attributes {dimension_semantics = [#tpu.dimension_semantics<arbitrary>], iteration_bounds = array<i64: 25>, scalar_prefetch = 0 : i64, scratch_operands = 0 : i64, tpu.core_type = #tpu.core_type<tc>, window_params = [{transform_indices = @transform_0, window_bounds = array<i64: 400, 128>}, {pipeline_mode = #tpu.pipeline_mode<synchronous>, transform_indices = @transform_1, window_bounds = array<i64: 128, 128>}, {transform_indices = @transform_2, window_bounds = array<i64: 2, 400, 16>}, {transform_indices = @transform_3, window_bounds = array<i64: 2, 400, 64>}]} {
    %get3A = arith.constant 0 : index
    %get3A_0 = arith.constant 0 : index
    %get3A_1 = vector.load %arg1[%get3A, %get3A_0] : memref<400x128xf32, #tpu.memory_space<vmem>>, vector<400x128xf32>
    %get3A_2 = arith.constant 0 : index
    %get3A_3 = arith.constant 0 : index
    %get3A_4 = vector.load %arg2[%get3A_2, %get3A_3] : memref<128x128xf32, #tpu.memory_space<vmem>>, vector<128x128xf32>
    %dot_general3A = arith.constant dense<0.000000e+00> : vector<400x128xf32>
    %dot_general3A_5 = tpu.matmul %get3A_1, %get3A_4, %dot_general3A {dimension_numbers = #tpu.dot_dimension_numbers<[1], [0], [0], [1], [0, 0, 1, 1], [], []>, transpose_lhs_hint = false} : vector<400x128xf32>, vector<128x128xf32>, vector<400x128xf32> -> vector<400x128xf32>
    %get3A_6 = arith.constant 0 : index
    %get3A_7 = arith.constant 0 : index
    %get3A_8 = arith.constant 0 : index
    %get3A_9 = vector.load %arg3[%get3A_6, %get3A_7, %get3A_8] : memref<2x400x16xf32, #tpu.memory_space<vmem>>, vector<1x400x16xf32>
    %get3A_10 = vector.shape_cast %get3A_9 : vector<1x400x16xf32> to vector<400x16xf32>
    %get3A_11 = arith.constant 1 : index
    %get3A_12 = arith.constant 0 : index
    %get3A_13 = arith.constant 0 : index
    %get3A_14 = vector.load %arg3[%get3A_11, %get3A_12, %get3A_13] : memref<2x400x16xf32, #tpu.memory_space<vmem>>, vector<1x400x16xf32>
    %get3A_15 = vector.shape_cast %get3A_14 : vector<1x400x16xf32> to vector<400x16xf32>
    %add3A = arith.addf %get3A_10, %get3A_15 : vector<400x16xf32>
    %slice3A = vector.extract_strided_slice %add3A {offsets = [0, 0], sizes = [400, 1], strides = [1, 1]} : vector<400x16xf32> to vector<400x1xf32>
    %add3A_16 = arith.constant 1.000000e+00 : f32
    %add3A_17 = vector.broadcast %add3A_16 : f32 to vector<400x1xf32>
    %add3A_18 = arith.addf %slice3A, %add3A_17 : vector<400x1xf32>
    %rsqrt3A = math.rsqrt %add3A_18 : vector<400x1xf32>
    %mul3A = vector.broadcast %rsqrt3A : vector<400x1xf32> to vector<400x128xf32>
    %mul3A_19 = arith.mulf %dot_general3A_5, %mul3A : vector<400x128xf32>
    %slice3A_20 = vector.extract_strided_slice %mul3A_19 {offsets = [0, 0], sizes = [400, 64], strides = [1, 1]} : vector<400x128xf32> to vector<400x64xf32>
    %swap3A = arith.constant 0 : index
    %swap3A_21 = arith.constant 0 : index
    %swap3A_22 = arith.constant 0 : index
    %swap3A_23 = vector.load %arg4[%swap3A, %swap3A_21, %swap3A_22] : memref<2x400x64xf32, #tpu.memory_space<vmem>>, vector<1x400x64xf32>
    %swap3A_24 = vector.shape_cast %swap3A_23 : vector<1x400x64xf32> to vector<400x64xf32>
    %swap3A_25 = vector.shape_cast %slice3A_20 : vector<400x64xf32> to vector<1x400x64xf32>
    tpu.vector_store %arg4[%swap3A, %swap3A_21, %swap3A_22], %swap3A_25 {strides = array<i32>} : memref<2x400x64xf32, #tpu.memory_space<vmem>>, vector<1x400x64xf32>,
    %slice3A_26 = vector.extract_strided_slice %mul3A_19 {offsets = [0, 64], sizes = [400, 64], strides = [1, 1]} : vector<400x128xf32> to vector<400x64xf32>
    %swap3A_27 = arith.constant 1 : index
    %swap3A_28 = arith.constant 0 : index
    %swap3A_29 = arith.constant 0 : index
    %swap3A_30 = vector.load %arg4[%swap3A_27, %swap3A_28, %swap3A_29] : memref<2x400x64xf32, #tpu.memory_space<vmem>>, vector<1x400x64xf32>
    %swap3A_31 = vector.shape_cast %swap3A_30 : vector<1x400x64xf32> to vector<400x64xf32>
    %swap3A_32 = vector.shape_cast %slice3A_26 : vector<400x64xf32> to vector<1x400x64xf32>
    tpu.vector_store %arg4[%swap3A_27, %swap3A_28, %swap3A_29], %swap3A_32 {strides = array<i32>} : memref<2x400x64xf32, #tpu.memory_space<vmem>>, vector<1x400x64xf32>,
    return
  }
  func.func @transform_0(%arg0: i32) -> (i32, i32) {
    %c0_i32 = arith.constant 0 : i32
    %c0_i32_0 = arith.constant 0 : i32
    return %arg0, %c0_i32 : i32, i32
  }
  func.func @transform_1(%arg0: i32) -> (i32, i32) {
    %c0_i32 = arith.constant 0 : i32
    %c0_i32_0 = arith.constant 0 : i32
    %c0_i32_1 = arith.constant 0 : i32
    return %c0_i32, %c0_i32_0 : i32, i32
  }
  func.func @transform_2(%arg0: i32) -> (i32, i32, i32) {
    %c0_i32 = arith.constant 0 : i32
    %c0_i32_0 = arith.constant 0 : i32
    %c0_i32_1 = arith.constant 0 : i32
    return %c0_i32, %arg0, %c0_i32_0 : i32, i32, i32
  }
  func.func @transform_3(%arg0: i32) -> (i32, i32, i32) {
    %c0_i32 = arith.constant 0 : i32
    %c0_i32_0 = arith.constant 0 : i32
    %c0_i32_1 = arith.constant 0 : i32
    return %c0_i32, %arg0, %c0_i32_0 : i32, i32, i32
  }
}

module attributes {stable_mosaic.version = 14 : i64} {
  func.func @_mid_body(%arg0: i32, %arg1: memref<2x400x64xf32, #tpu.memory_space<vmem>>, %arg2: memref<2x400x64xf32, #tpu.memory_space<vmem>>, %arg3: memref<2x400x16xf32, #tpu.memory_space<vmem>>, %arg4: memref<128x128xf32, #tpu.memory_space<vmem>>, %arg5: memref<1x128xf32, #tpu.memory_space<vmem>>, %arg6: memref<1x128xf32, #tpu.memory_space<vmem>>, %arg7: memref<400x128xf32, #tpu.memory_space<vmem>>, %arg8: memref<2x400x64xf32, #tpu.memory_space<vmem>>) attributes {dimension_semantics = [#tpu.dimension_semantics<arbitrary>], iteration_bounds = array<i64: 25>, scalar_prefetch = 0 : i64, scratch_operands = 0 : i64, tpu.core_type = #tpu.core_type<tc>, window_params = [{transform_indices = @transform_0, window_bounds = array<i64: 2, 400, 64>}, {transform_indices = @transform_1, window_bounds = array<i64: 2, 400, 64>}, {transform_indices = @transform_2, window_bounds = array<i64: 2, 400, 16>}, {pipeline_mode = #tpu.pipeline_mode<synchronous>, transform_indices = @transform_3, window_bounds = array<i64: 128, 128>}, {pipeline_mode = #tpu.pipeline_mode<synchronous>, transform_indices = @transform_4, window_bounds = array<i64: 1, 128>}, {pipeline_mode = #tpu.pipeline_mode<synchronous>, transform_indices = @transform_5, window_bounds = array<i64: 1, 128>}, {transform_indices = @transform_6, window_bounds = array<i64: 400, 128>}, {transform_indices = @transform_7, window_bounds = array<i64: 2, 400, 64>}]} {
    %get3A = arith.constant 0 : index
    %get3A_0 = arith.constant 0 : index
    %get3A_1 = arith.constant 0 : index
    %get3A_2 = vector.load %arg3[%get3A, %get3A_0, %get3A_1] : memref<2x400x16xf32, #tpu.memory_space<vmem>>, vector<1x400x16xf32>
    %get3A_3 = vector.shape_cast %get3A_2 : vector<1x400x16xf32> to vector<400x16xf32>
    %get3A_4 = arith.constant 1 : index
    %get3A_5 = arith.constant 0 : index
    %get3A_6 = arith.constant 0 : index
    %get3A_7 = vector.load %arg3[%get3A_4, %get3A_5, %get3A_6] : memref<2x400x16xf32, #tpu.memory_space<vmem>>, vector<1x400x16xf32>
    %get3A_8 = vector.shape_cast %get3A_7 : vector<1x400x16xf32> to vector<400x16xf32>
    %add3A = arith.addf %get3A_3, %get3A_8 : vector<400x16xf32>
    %slice3A = vector.extract_strided_slice %add3A {offsets = [0, 0], sizes = [400, 1], strides = [1, 1]} : vector<400x16xf32> to vector<400x1xf32>
    %add3A_9 = arith.constant 1.000000e+00 : f32
    %add3A_10 = vector.broadcast %add3A_9 : f32 to vector<400x1xf32>
    %add3A_11 = arith.addf %slice3A, %add3A_10 : vector<400x1xf32>
    %rsqrt3A = math.rsqrt %add3A_11 : vector<400x1xf32>
    %get3A_12 = arith.constant 0 : index
    %get3A_13 = arith.constant 0 : index
    %get3A_14 = arith.constant 0 : index
    %get3A_15 = vector.load %arg1[%get3A_12, %get3A_13, %get3A_14] : memref<2x400x64xf32, #tpu.memory_space<vmem>>, vector<1x400x64xf32>
    %get3A_16 = vector.shape_cast %get3A_15 : vector<1x400x64xf32> to vector<400x64xf32>
    %get3A_17 = arith.constant 0 : index
    %get3A_18 = arith.constant 0 : index
    %get3A_19 = arith.constant 0 : index
    %get3A_20 = vector.load %arg2[%get3A_17, %get3A_18, %get3A_19] : memref<2x400x64xf32, #tpu.memory_space<vmem>>, vector<1x400x64xf32>
    %get3A_21 = vector.shape_cast %get3A_20 : vector<1x400x64xf32> to vector<400x64xf32>
    %add3A_22 = arith.addf %get3A_16, %get3A_21 : vector<400x64xf32>
    %get3A_23 = arith.constant 1 : index
    %get3A_24 = arith.constant 0 : index
    %get3A_25 = arith.constant 0 : index
    %get3A_26 = vector.load %arg1[%get3A_23, %get3A_24, %get3A_25] : memref<2x400x64xf32, #tpu.memory_space<vmem>>, vector<1x400x64xf32>
    %get3A_27 = vector.shape_cast %get3A_26 : vector<1x400x64xf32> to vector<400x64xf32>
    %get3A_28 = arith.constant 1 : index
    %get3A_29 = arith.constant 0 : index
    %get3A_30 = arith.constant 0 : index
    %get3A_31 = vector.load %arg2[%get3A_28, %get3A_29, %get3A_30] : memref<2x400x64xf32, #tpu.memory_space<vmem>>, vector<1x400x64xf32>
    %get3A_32 = vector.shape_cast %get3A_31 : vector<1x400x64xf32> to vector<400x64xf32>
    %add3A_33 = arith.addf %get3A_27, %get3A_32 : vector<400x64xf32>
    %concatenate3A = tpu.concatenate %add3A_22, %add3A_33 in 1 : vector<400x64xf32>, vector<400x64xf32> -> vector<400x128xf32>
    %mul3A = vector.broadcast %rsqrt3A : vector<400x1xf32> to vector<400x128xf32>
    %mul3A_34 = arith.mulf %concatenate3A, %mul3A : vector<400x128xf32>
    %get3A_35 = arith.constant 0 : index
    %get3A_36 = arith.constant 0 : index
    %get3A_37 = vector.load %arg5[%get3A_35, %get3A_36] : memref<1x128xf32, #tpu.memory_space<vmem>>, vector<1x128xf32>
    %mul3A_38 = vector.broadcast %get3A_37 : vector<1x128xf32> to vector<400x128xf32>
    %mul3A_39 = arith.mulf %mul3A_34, %mul3A_38 : vector<400x128xf32>
    %get3A_40 = arith.constant 0 : index
    %get3A_41 = arith.constant 0 : index
    %get3A_42 = vector.load %arg6[%get3A_40, %get3A_41] : memref<1x128xf32, #tpu.memory_space<vmem>>, vector<1x128xf32>
    %add3A_43 = vector.broadcast %get3A_42 : vector<1x128xf32> to vector<400x128xf32>
    %add3A_44 = arith.addf %mul3A_39, %add3A_43 : vector<400x128xf32>
    %max3A = arith.constant 0.000000e+00 : f32
    %max3A_45 = vector.broadcast %max3A : f32 to vector<400x128xf32>
    %max3A_46 = arith.maximumf %add3A_44, %max3A_45 : vector<400x128xf32>
    %swap3A = arith.constant 0 : index
    %swap3A_47 = arith.constant 0 : index
    %swap3A_48 = vector.load %arg7[%swap3A, %swap3A_47] : memref<400x128xf32, #tpu.memory_space<vmem>>, vector<400x128xf32>
    tpu.vector_store %arg7[%swap3A, %swap3A_47], %max3A_46 {strides = array<i32>} : memref<400x128xf32, #tpu.memory_space<vmem>>, vector<400x128xf32>,
    %get3A_49 = arith.constant 0 : index
    %get3A_50 = arith.constant 0 : index
    %get3A_51 = vector.load %arg4[%get3A_49, %get3A_50] : memref<128x128xf32, #tpu.memory_space<vmem>>, vector<128x128xf32>
    %dot_general3A = arith.constant dense<0.000000e+00> : vector<400x128xf32>
    %dot_general3A_52 = tpu.matmul %max3A_46, %get3A_51, %dot_general3A {dimension_numbers = #tpu.dot_dimension_numbers<[1], [0], [0], [1], [0, 0, 1, 1], [], []>, transpose_lhs_hint = false} : vector<400x128xf32>, vector<128x128xf32>, vector<400x128xf32> -> vector<400x128xf32>
    %mul3A_53 = vector.broadcast %rsqrt3A : vector<400x1xf32> to vector<400x128xf32>
    %mul3A_54 = arith.mulf %dot_general3A_52, %mul3A_53 : vector<400x128xf32>
    %slice3A_55 = vector.extract_strided_slice %mul3A_54 {offsets = [0, 0], sizes = [400, 64], strides = [1, 1]} : vector<400x128xf32> to vector<400x64xf32>
    %swap3A_56 = arith.constant 0 : index
    %swap3A_57 = arith.constant 0 : index
    %swap3A_58 = arith.constant 0 : index
    %swap3A_59 = vector.load %arg8[%swap3A_56, %swap3A_57, %swap3A_58] : memref<2x400x64xf32, #tpu.memory_space<vmem>>, vector<1x400x64xf32>
    %swap3A_60 = vector.shape_cast %swap3A_59 : vector<1x400x64xf32> to vector<400x64xf32>
    %swap3A_61 = vector.shape_cast %slice3A_55 : vector<400x64xf32> to vector<1x400x64xf32>
    tpu.vector_store %arg8[%swap3A_56, %swap3A_57, %swap3A_58], %swap3A_61 {strides = array<i32>} : memref<2x400x64xf32, #tpu.memory_space<vmem>>, vector<1x400x64xf32>,
    %slice3A_62 = vector.extract_strided_slice %mul3A_54 {offsets = [0, 64], sizes = [400, 64], strides = [1, 1]} : vector<400x128xf32> to vector<400x64xf32>
    %swap3A_63 = arith.constant 1 : index
    %swap3A_64 = arith.constant 0 : index
    %swap3A_65 = arith.constant 0 : index
    %swap3A_66 = vector.load %arg8[%swap3A_63, %swap3A_64, %swap3A_65] : memref<2x400x64xf32, #tpu.memory_space<vmem>>, vector<1x400x64xf32>
    %swap3A_67 = vector.shape_cast %swap3A_66 : vector<1x400x64xf32> to vector<400x64xf32>
    %swap3A_68 = vector.shape_cast %slice3A_62 : vector<400x64xf32> to vector<1x400x64xf32>
    tpu.vector_store %arg8[%swap3A_63, %swap3A_64, %swap3A_65], %swap3A_68 {strides = array<i32>} : memref<2x400x64xf32, #tpu.memory_space<vmem>>, vector<1x400x64xf32>,
    return
  }
  func.func @transform_0(%arg0: i32) -> (i32, i32, i32) {
    %c0_i32 = arith.constant 0 : i32
    %c0_i32_0 = arith.constant 0 : i32
    %c0_i32_1 = arith.constant 0 : i32
    return %c0_i32, %arg0, %c0_i32_0 : i32, i32, i32
  }
  func.func @transform_1(%arg0: i32) -> (i32, i32, i32) {
    %c0_i32 = arith.constant 0 : i32
    %c0_i32_0 = arith.constant 0 : i32
    %c0_i32_1 = arith.constant 0 : i32
    return %c0_i32, %arg0, %c0_i32_0 : i32, i32, i32
  }
  func.func @transform_2(%arg0: i32) -> (i32, i32, i32) {
    %c0_i32 = arith.constant 0 : i32
    %c0_i32_0 = arith.constant 0 : i32
    %c0_i32_1 = arith.constant 0 : i32
    return %c0_i32, %arg0, %c0_i32_0 : i32, i32, i32
  }
  func.func @transform_3(%arg0: i32) -> (i32, i32) {
    %c0_i32 = arith.constant 0 : i32
    %c0_i32_0 = arith.constant 0 : i32
    %c0_i32_1 = arith.constant 0 : i32
    return %c0_i32, %c0_i32_0 : i32, i32
  }
  func.func @transform_4(%arg0: i32) -> (i32, i32) {
    %c0_i32 = arith.constant 0 : i32
    %c0_i32_0 = arith.constant 0 : i32
    %c0_i32_1 = arith.constant 0 : i32
    return %c0_i32, %c0_i32_0 : i32, i32
  }
  func.func @transform_5(%arg0: i32) -> (i32, i32) {
    %c0_i32 = arith.constant 0 : i32
    %c0_i32_0 = arith.constant 0 : i32
    %c0_i32_1 = arith.constant 0 : i32
    return %c0_i32, %c0_i32_0 : i32, i32
  }
  func.func @transform_6(%arg0: i32) -> (i32, i32) {
    %c0_i32 = arith.constant 0 : i32
    %c0_i32_0 = arith.constant 0 : i32
    return %arg0, %c0_i32 : i32, i32
  }
  func.func @transform_7(%arg0: i32) -> (i32, i32, i32) {
    %c0_i32 = arith.constant 0 : i32
    %c0_i32_0 = arith.constant 0 : i32
    %c0_i32_1 = arith.constant 0 : i32
    return %c0_i32, %arg0, %c0_i32_0 : i32, i32, i32
  }
}

module attributes {stable_mosaic.version = 14 : i64} {
  func.func @_fin_body(%arg0: i32, %arg1: memref<2x400x64xf32, #tpu.memory_space<vmem>>, %arg2: memref<2x400x64xf32, #tpu.memory_space<vmem>>, %arg3: memref<2x400x16xf32, #tpu.memory_space<vmem>>, %arg4: memref<400x128xf32, #tpu.memory_space<vmem>>, %arg5: memref<400x128xf32, #tpu.memory_space<vmem>>, %arg6: memref<384x40xf32, #tpu.memory_space<vmem>>, %arg7: memref<1x128xf32, #tpu.memory_space<vmem>>, %arg8: memref<1x128xf32, #tpu.memory_space<vmem>>, %arg9: memref<1x40xf32, #tpu.memory_space<vmem>>, %arg10: memref<400x40xf32, #tpu.memory_space<vmem>>) attributes {dimension_semantics = [#tpu.dimension_semantics<arbitrary>], iteration_bounds = array<i64: 25>, scalar_prefetch = 0 : i64, scratch_operands = 0 : i64, tpu.core_type = #tpu.core_type<tc>, window_params = [{transform_indices = @transform_0, window_bounds = array<i64: 2, 400, 64>}, {transform_indices = @transform_1, window_bounds = array<i64: 2, 400, 64>}, {transform_indices = @transform_2, window_bounds = array<i64: 2, 400, 16>}, {transform_indices = @transform_3, window_bounds = array<i64: 400, 128>}, {transform_indices = @transform_4, window_bounds = array<i64: 400, 128>}, {pipeline_mode = #tpu.pipeline_mode<synchronous>, transform_indices = @transform_5, window_bounds = array<i64: 384, 40>}, {pipeline_mode = #tpu.pipeline_mode<synchronous>, transform_indices = @transform_6, window_bounds = array<i64: 1, 128>}, {pipeline_mode = #tpu.pipeline_mode<synchronous>, transform_indices = @transform_7, window_bounds = array<i64: 1, 128>}, {pipeline_mode = #tpu.pipeline_mode<synchronous>, transform_indices = @transform_8, window_bounds = array<i64: 1, 40>}, {transform_indices = @transform_9, window_bounds = array<i64: 400, 40>}]} {
    %get3A = arith.constant 0 : index
    %get3A_0 = arith.constant 0 : index
    %get3A_1 = arith.constant 0 : index
    %get3A_2 = vector.load %arg3[%get3A, %get3A_0, %get3A_1] : memref<2x400x16xf32, #tpu.memory_space<vmem>>, vector<1x400x16xf32>
    %get3A_3 = vector.shape_cast %get3A_2 : vector<1x400x16xf32> to vector<400x16xf32>
    %get3A_4 = arith.constant 1 : index
    %get3A_5 = arith.constant 0 : index
    %get3A_6 = arith.constant 0 : index
    %get3A_7 = vector.load %arg3[%get3A_4, %get3A_5, %get3A_6] : memref<2x400x16xf32, #tpu.memory_space<vmem>>, vector<1x400x16xf32>
    %get3A_8 = vector.shape_cast %get3A_7 : vector<1x400x16xf32> to vector<400x16xf32>
    %add3A = arith.addf %get3A_3, %get3A_8 : vector<400x16xf32>
    %slice3A = vector.extract_strided_slice %add3A {offsets = [0, 0], sizes = [400, 1], strides = [1, 1]} : vector<400x16xf32> to vector<400x1xf32>
    %add3A_9 = arith.constant 1.000000e+00 : f32
    %add3A_10 = vector.broadcast %add3A_9 : f32 to vector<400x1xf32>
    %add3A_11 = arith.addf %slice3A, %add3A_10 : vector<400x1xf32>
    %rsqrt3A = math.rsqrt %add3A_11 : vector<400x1xf32>
    %get3A_12 = arith.constant 0 : index
    %get3A_13 = arith.constant 0 : index
    %get3A_14 = arith.constant 0 : index
    %get3A_15 = vector.load %arg1[%get3A_12, %get3A_13, %get3A_14] : memref<2x400x64xf32, #tpu.memory_space<vmem>>, vector<1x400x64xf32>
    %get3A_16 = vector.shape_cast %get3A_15 : vector<1x400x64xf32> to vector<400x64xf32>
    %get3A_17 = arith.constant 0 : index
    %get3A_18 = arith.constant 0 : index
    %get3A_19 = arith.constant 0 : index
    %get3A_20 = vector.load %arg2[%get3A_17, %get3A_18, %get3A_19] : memref<2x400x64xf32, #tpu.memory_space<vmem>>, vector<1x400x64xf32>
    %get3A_21 = vector.shape_cast %get3A_20 : vector<1x400x64xf32> to vector<400x64xf32>
    %add3A_22 = arith.addf %get3A_16, %get3A_21 : vector<400x64xf32>
    %get3A_23 = arith.constant 1 : index
    %get3A_24 = arith.constant 0 : index
    %get3A_25 = arith.constant 0 : index
    %get3A_26 = vector.load %arg1[%get3A_23, %get3A_24, %get3A_25] : memref<2x400x64xf32, #tpu.memory_space<vmem>>, vector<1x400x64xf32>
    %get3A_27 = vector.shape_cast %get3A_26 : vector<1x400x64xf32> to vector<400x64xf32>
    %get3A_28 = arith.constant 1 : index
    %get3A_29 = arith.constant 0 : index
    %get3A_30 = arith.constant 0 : index
    %get3A_31 = vector.load %arg2[%get3A_28, %get3A_29, %get3A_30] : memref<2x400x64xf32, #tpu.memory_space<vmem>>, vector<1x400x64xf32>
    %get3A_32 = vector.shape_cast %get3A_31 : vector<1x400x64xf32> to vector<400x64xf32>
    %add3A_33 = arith.addf %get3A_27, %get3A_32 : vector<400x64xf32>
    %concatenate3A = tpu.concatenate %add3A_22, %add3A_33 in 1 : vector<400x64xf32>, vector<400x64xf32> -> vector<400x128xf32>
    %mul3A = vector.broadcast %rsqrt3A : vector<400x1xf32> to vector<400x128xf32>
    %mul3A_34 = arith.mulf %concatenate3A, %mul3A : vector<400x128xf32>
    %get3A_35 = arith.constant 0 : index
    %get3A_36 = arith.constant 0 : index
    %get3A_37 = vector.load %arg7[%get3A_35, %get3A_36] : memref<1x128xf32, #tpu.memory_space<vmem>>, vector<1x128xf32>
    %mul3A_38 = vector.broadcast %get3A_37 : vector<1x128xf32> to vector<400x128xf32>
    %mul3A_39 = arith.mulf %mul3A_34, %mul3A_38 : vector<400x128xf32>
    %get3A_40 = arith.constant 0 : index
    %get3A_41 = arith.constant 0 : index
    %get3A_42 = vector.load %arg8[%get3A_40, %get3A_41] : memref<1x128xf32, #tpu.memory_space<vmem>>, vector<1x128xf32>
    %add3A_43 = vector.broadcast %get3A_42 : vector<1x128xf32> to vector<400x128xf32>
    %add3A_44 = arith.addf %mul3A_39, %add3A_43 : vector<400x128xf32>
    %max3A = arith.constant 0.000000e+00 : f32
    %max3A_45 = vector.broadcast %max3A : f32 to vector<400x128xf32>
    %max3A_46 = arith.maximumf %add3A_44, %max3A_45 : vector<400x128xf32>
    %get3A_47 = arith.constant 0 : index
    %get3A_48 = arith.constant 0 : index
    %get3A_49 = vector.load %arg4[%get3A_47, %get3A_48] : memref<400x128xf32, #tpu.memory_space<vmem>>, vector<400x128xf32>
    %get3A_50 = arith.constant 0 : index
    %get3A_51 = arith.constant 0 : index
    %get3A_52 = vector.load %arg6[%get3A_50, %get3A_51] : memref<384x40xf32, #tpu.memory_space<vmem>>, vector<128x40xf32>
    %dot_general3A = arith.constant dense<0.000000e+00> : vector<400x40xf32>
    %dot_general3A_53 = tpu.matmul %get3A_49, %get3A_52, %dot_general3A {dimension_numbers = #tpu.dot_dimension_numbers<[1], [0], [0], [1], [0, 0, 1, 1], [], []>, transpose_lhs_hint = false} : vector<400x128xf32>, vector<128x40xf32>, vector<400x40xf32> -> vector<400x40xf32>
    %get3A_54 = arith.constant 0 : index
    %get3A_55 = arith.constant 0 : index
    %get3A_56 = vector.load %arg5[%get3A_54, %get3A_55] : memref<400x128xf32, #tpu.memory_space<vmem>>, vector<400x128xf32>
    %get3A_57 = arith.constant 128 : index
    %get3A_58 = arith.constant 0 : index
    %get3A_59 = vector.load %arg6[%get3A_57, %get3A_58] : memref<384x40xf32, #tpu.memory_space<vmem>>, vector<128x40xf32>
    %dot_general3A_60 = arith.constant dense<0.000000e+00> : vector<400x40xf32>
    %dot_general3A_61 = tpu.matmul %get3A_56, %get3A_59, %dot_general3A_60 {dimension_numbers = #tpu.dot_dimension_numbers<[1], [0], [0], [1], [0, 0, 1, 1], [], []>, transpose_lhs_hint = false} : vector<400x128xf32>, vector<128x40xf32>, vector<400x40xf32> -> vector<400x40xf32>
    %add3A_62 = arith.addf %dot_general3A_53, %dot_general3A_61 : vector<400x40xf32>
    %get3A_63 = arith.constant 256 : index
    %get3A_64 = arith.constant 0 : index
    %get3A_65 = vector.load %arg6[%get3A_63, %get3A_64] : memref<384x40xf32, #tpu.memory_space<vmem>>, vector<128x40xf32>
    %dot_general3A_66 = arith.constant dense<0.000000e+00> : vector<400x40xf32>
    %dot_general3A_67 = tpu.matmul %max3A_46, %get3A_65, %dot_general3A_66 {dimension_numbers = #tpu.dot_dimension_numbers<[1], [0], [0], [1], [0, 0, 1, 1], [], []>, transpose_lhs_hint = false} : vector<400x128xf32>, vector<128x40xf32>, vector<400x40xf32> -> vector<400x40xf32>
    %add3A_68 = arith.addf %add3A_62, %dot_general3A_67 : vector<400x40xf32>
    %get3A_69 = arith.constant 0 : index
    %get3A_70 = arith.constant 0 : index
    %get3A_71 = vector.load %arg9[%get3A_69, %get3A_70] : memref<1x40xf32, #tpu.memory_space<vmem>>, vector<1x40xf32>
    %add3A_72 = vector.broadcast %get3A_71 : vector<1x40xf32> to vector<400x40xf32>
    %add3A_73 = arith.addf %add3A_68, %add3A_72 : vector<400x40xf32>
    %swap3A = arith.constant 0 : index
    %swap3A_74 = arith.constant 0 : index
    %swap3A_75 = vector.load %arg10[%swap3A, %swap3A_74] : memref<400x40xf32, #tpu.memory_space<vmem>>, vector<400x40xf32>
    tpu.vector_store %arg10[%swap3A, %swap3A_74], %add3A_73 {strides = array<i32>} : memref<400x40xf32, #tpu.memory_space<vmem>>, vector<400x40xf32>,
    return
  }
  func.func @transform_0(%arg0: i32) -> (i32, i32, i32) {
    %c0_i32 = arith.constant 0 : i32
    %c0_i32_0 = arith.constant 0 : i32
    %c0_i32_1 = arith.constant 0 : i32
    return %c0_i32, %arg0, %c0_i32_0 : i32, i32, i32
  }
  func.func @transform_1(%arg0: i32) -> (i32, i32, i32) {
    %c0_i32 = arith.constant 0 : i32
    %c0_i32_0 = arith.constant 0 : i32
    %c0_i32_1 = arith.constant 0 : i32
    return %c0_i32, %arg0, %c0_i32_0 : i32, i32, i32
  }
  func.func @transform_2(%arg0: i32) -> (i32, i32, i32) {
    %c0_i32 = arith.constant 0 : i32
    %c0_i32_0 = arith.constant 0 : i32
    %c0_i32_1 = arith.constant 0 : i32
    return %c0_i32, %arg0, %c0_i32_0 : i32, i32, i32
  }
  func.func @transform_3(%arg0: i32) -> (i32, i32) {
    %c0_i32 = arith.constant 0 : i32
    %c0_i32_0 = arith.constant 0 : i32
    return %arg0, %c0_i32 : i32, i32
  }
  func.func @transform_4(%arg0: i32) -> (i32, i32) {
    %c0_i32 = arith.constant 0 : i32
    %c0_i32_0 = arith.constant 0 : i32
    return %arg0, %c0_i32 : i32, i32
  }
  func.func @transform_5(%arg0: i32) -> (i32, i32) {
    %c0_i32 = arith.constant 0 : i32
    %c0_i32_0 = arith.constant 0 : i32
    %c0_i32_1 = arith.constant 0 : i32
    return %c0_i32, %c0_i32_0 : i32, i32
  }
  func.func @transform_6(%arg0: i32) -> (i32, i32) {
    %c0_i32 = arith.constant 0 : i32
    %c0_i32_0 = arith.constant 0 : i32
    %c0_i32_1 = arith.constant 0 : i32
    return %c0_i32, %c0_i32_0 : i32, i32
  }
  func.func @transform_7(%arg0: i32) -> (i32, i32) {
    %c0_i32 = arith.constant 0 : i32
    %c0_i32_0 = arith.constant 0 : i32
    %c0_i32_1 = arith.constant 0 : i32
    return %c0_i32, %c0_i32_0 : i32, i32
  }
  func.func @transform_8(%arg0: i32) -> (i32, i32) {
    %c0_i32 = arith.constant 0 : i32
    %c0_i32_0 = arith.constant 0 : i32
    %c0_i32_1 = arith.constant 0 : i32
    return %c0_i32, %c0_i32_0 : i32, i32
  }
  func.func @transform_9(%arg0: i32) -> (i32, i32) {
    %c0_i32 = arith.constant 0 : i32
    %c0_i32_0 = arith.constant 0 : i32
    return %arg0, %c0_i32 : i32, i32
  }
}

</mosaic_0001>

<sc_bundles>
// kernel: kernel.11.cloned.1.call-start
scs
__scs_entry_jumppad:
0x0: {  	(pc) =	sbr.rel $0x88, $3  }
0x1: {  	(tag) =	ssettag $0x0;
	lr =	simm.s32 $0x1  }
0x2: {  	[smem:$0x3F95] =	sst lr;
	_ =	strace $0xD0000000  }
0x3: {  	_ = 	snop  }
0x4: {  	_ = 	snop  }
0x5: {  	_ = 	snop  }
0x6: {  	_ = 	snop  }
0x7: {  	_ = 	snop  }
__scs_overlays_trampoline_lowered:
0x8: {  	[smem:$0x3FA4] =	sst s0  }
0x9: {  	[smem:$0x3FA5] =	sst s1  }
0xa: {  	[smem:$0x3FA6] =	sst s2  }
0xb: {  	[smem:$0x3FA7] =	sst s3  }
0xc: {  	[smem:$0x3FA8] =	sst s4  }
0xd: {  	[smem:$0x3FA9] =	sst s5  }
0xe: {  	[smem:$0x3FAA] =	sst s6  }
0xf: {  	[smem:$0x3FAB] =	sst s7  }
0x10: {  	[smem:$0x3FAC] =	sst s8  }
0x11: {  	[smem:$0x3FAD] =	sst s9;
	s0 =	simm.s32 @!p0 $0x0  }
0x12: {  	s1 =	sld [smem:$0x3F93];
	s0 =	simm.s32 @p0 $0x1  }
0x13: {  	[smem:$0x3FAE] =	sst s0;
	s0 =	simm.s32 @!p1 $0x0  }
0x14: {  	s2 =	sld [smem:$0x3F92];
	s0 =	simm.s32 @p1 $0x1  }
0x15: {  	[smem:$0x3FAF] =	sst s0;
	s0 =	simm.s32 @!p2 $0x0  }
0x16: {  	s3 =	sld [smem:$0x3FDB];
	s0 =	simm.s32 @p2 $0x1  }
0x17: {  	s4 =	simm.s32 $0x1BF5;
	[smem:$0x3FB1] =	sst s0  }
0x18: {  	s0 =	sld [smem:$0x3F94];
	_ =	swait.ge [sflag:s4], $0x0  }
0x19: {  	s7 =	sld [smem:$0x3F95]  }
0x1a: {  	s8 =	sadd.s32 $0xFFFFE003, lr  }
0x1b: {  	s9 =	sadd.s32 $0xFFFFFEF7, lr;
	s5 =	simm.s32 $0xFFFFFFFF;
	p2 =	slt.u32 s8, $0xFFFFF086  }
0x1c: {  	p1 =	slt.u32 s9, $0xF7A;
	s5 =	simm.s32 @!p2 $0x0  }
0x1d: {  	s5 =	simm.s32 @p1 $0x1;
	p0 =	seq.s32 s7, s2  }
0x1e: {  	s7 =	smul.u32 @!p0 $0xF7A, s2;
	p2 =	seq.s32 @!p0 s5, $0x0  }
0x1f: {  	s9 =	smul.u32 $0xF7A, s1;
	s8 =	simm.s32 @!p0 $0x1BF5;
	p2 =	por !p2, p0  }
0x20: {  	[sflag:s8] =	ssyncset.s32 @!p0 $0xFFFFF086;
	s6 =	sadd.s32 @!p0 s3, s7;
	s7 =	simm.s32 @!p0 $0x108  }
0x21: {  	s3 =	sadd.s32 s3, s9;
	s6 =	sadd.s32 @!p0 $0x88, s6;
	s7 =	simm.s32 @p2 $0x1082  }
0x22: {  	[simem:s7], [sflag:s8] =	dma.local @!p0 [hbm:s6], $0xF7A  }
0x23: {  	s9 =	sor.u32 $0xD0000000, s2;
	s6 =	simm.s32 $0x108;
	_ =	swait.ge @!p0 [sflag:s8], $0x0  }
0x24: {  	s3 =	sadd.s32 $0x88, s3;
	s6 =	simm.s32 @!p1 $0x1082;
	[sflag:s4] =	ssyncset.s32 $0xFFFFF086  }
0x25: {  	[simem:s6], [sflag:s4] =	dma.local [hbm:s3], $0xF7A  }
0x26: {  	[smem:$0x3F95] =	sst s1;
	(tag) =	ssettag s2;
	_ =	strace s9  }
0x27: {  	s1 =	sld [smem:$0x3FA5]  }
0x28: {  	s2 =	sld [smem:$0x3FA6]  }
0x29: {  	s4 =	sld [smem:$0x3FA8]  }
0x2a: {  	p0 =	seq.s32 s5, $0x0;
	s5 =	sld [smem:$0x3FA9]  }
0x2b: {  	s6 =	sld [smem:$0x3FAA]  }
0x2c: {  	s7 =	sld [smem:$0x3FAB]  }
0x2d: {  	s3 =	simm.s32 $0x108;
	s8 =	sld [smem:$0x3FAC]  }
0x2e: {  	s3 =	simm.s32 @!p0 $0x1082;
	s9 =	sld [smem:$0x3FAD]  }
0x2f: {  	lr =	sadd.s32 s0, s3;
	s0 =	sld [smem:$0x3FA4]  }
0x30: {  	s3 =	sld [smem:$0x3FA7]  }
0x31: {  	[smem:$0x3FB0] =	sst s10  }
0x32: {  	s10 =	sld [smem:$0x3FAE];
	_ =	sdelay $0x3  }
0x33: {  	p0 =	seq.s32 s10, $0x1;
	s10 =	sld [smem:$0x3FB0];
	_ =	sdelay $0x3  }
0x34: {  	[smem:$0x3FB0] =	sst s10  }
0x35: {  	s10 =	sld [smem:$0x3FAF];
	_ =	sdelay $0x3  }
0x36: {  	p1 =	seq.s32 s10, $0x1;
	s10 =	sld [smem:$0x3FB0];
	_ =	sdelay $0x3  }
0x37: {  	[smem:$0x3FB0] =	sst s10  }
0x38: {  	s10 =	sld [smem:$0x3FB1]  }
0x39: {  	_ = 	snop;
	(pc) =	sbr.ind lr, $3  }
0x3a: {  	_ = 	snop  }
0x3b: {  	_ = 	snop  }
0x3c: {  	p2 =	seq.s32 s10, $0x1;
	s10 =	sld [smem:$0x3FB0]  }
0x3d: {  	_ =	shalt  }
0x3e: {  	_ =	shalt  }
0x3f: {  	_ =	shalt  }
0x40: {  	_ =	shalt  }
0x41: {  	_ =	shalt  }
0x42: {  	_ =	shalt  }
0x43: {  	_ =	shalt  }
0x44: {  	_ =	shalt  }
0x45: {  	_ =	shalt  }
0x46: {  	_ =	shalt  }
0x47: {  	_ =	shalt  }
0x48: {  	_ =	shalt  }
0x49: {  	_ =	shalt  }
0x4a: {  	_ =	shalt  }
0x4b: {  	_ =	shalt  }
0x4c: {  	_ =	shalt  }
0x4d: {  	_ =	shalt  }
0x4e: {  	_ =	shalt  }
0x4f: {  	_ =	shalt  }
0x50: {  	_ =	shalt  }
0x51: {  	_ =	shalt  }
0x52: {  	_ =	shalt  }
0x53: {  	_ =	shalt  }
0x54: {  	_ =	shalt  }
0x55: {  	_ =	shalt  }
0x56: {  	_ =	shalt  }
0x57: {  	_ =	shalt  }
0x58: {  	_ =	shalt  }
0x59: {  	_ =	shalt  }
0x5a: {  	_ =	shalt  }
0x5b: {  	_ =	shalt  }
0x5c: {  	_ =	shalt  }
0x5d: {  	_ =	shalt  }
0x5e: {  	_ =	shalt  }
0x5f: {  	_ =	shalt  }
0x60: {  	_ =	shalt  }
0x61: {  	_ =	shalt  }
0x62: {  	_ =	shalt  }
0x63: {  	_ =	shalt  }
0x64: {  	_ =	shalt  }
0x65: {  	_ =	shalt  }
0x66: {  	_ =	shalt  }
0x67: {  	_ =	shalt  }
0x68: {  	_ =	shalt  }
0x69: {  	_ =	shalt  }
0x6a: {  	_ =	shalt  }
0x6b: {  	_ =	shalt  }
0x6c: {  	_ =	shalt  }
0x6d: {  	_ =	shalt  }
0x6e: {  	_ =	shalt  }
0x6f: {  	_ =	shalt  }
0x70: {  	_ =	shalt  }
0x71: {  	_ =	shalt  }
0x72: {  	_ =	shalt  }
0x73: {  	_ =	shalt  }
0x74: {  	_ =	shalt  }
0x75: {  	_ =	shalt  }
0x76: {  	_ =	shalt  }
0x77: {  	_ =	shalt  }
0x78: {  	_ =	shalt  }
0x79: {  	_ =	shalt  }
0x7a: {  	_ =	shalt  }
0x7b: {  	_ =	shalt  }
0x7c: {  	_ =	shalt  }
0x7d: {  	_ =	shalt  }
0x7e: {  	_ =	shalt  }
0x7f: {  	_ =	shalt  }
0x80: {  	_ =	shalt  }
0x81: {  	_ =	shalt  }
0x82: {  	_ =	shalt  }
0x83: {  	_ =	shalt  }
0x84: {  	_ =	shalt  }
0x85: {  	_ =	shalt  }
0x86: {  	_ =	shalt  }
0x87: {  	_ =	shalt  }
.Lfunc_end0:
.L_simem_size_0:
called_computation.1_lowered:
.L_overlay_start_0:
0x88: {  	s2 =	sld [smem:$0x3FD9]  }
0x89: {  	s3 =	sld [smem:$0x3FFE];
	_ =	sdelay $0x1  }
0x8a: {  	s1 =	srdreg.scid  }
0x8b: {  	s0 =	sand.u32 $0x1, s1  }
0x8c: {  	s16 =	sshll.u32 s0, $0xA;
	s2 =	sadd.s32 s3, s2  }
0x8d: {  	s2 =	sadd.s32 s2, s16  }
0x8e: {  	[smem:$0x3FBC] =	sst s2  }
0x8f: {  	_ = 	snop  }
0x90: {  	(tm) =	ssettm $0x1  }
0x91: {  	s17 =	sld [smem:$0x3FFB];
	_ =	sdelay $0x3  }
0x92: {  	_ =	strace s17  }
0x93: {  	s2 =	sld [smem:$0x3FFC];
	_ =	sdelay $0x3  }
0x94: {  	_ =	strace s2  }
0x95: {  	s2 =	sld [smem:$0x3FFD];
	_ =	sdelay $0x3  }
0x96: {  	_ =	strace s2  }
0x97: {  	_ =	strace $0x8FFFFFFF  }
0x98: {  	s18 =	sld [smem:$0x3FDB];
	_ =	sdelay $0x1  }
0x99: {  	s19 =	simm.s32 $_scs_section_size  }
0x9a: {  	s4 =	simm.s32 $_size__tile_overlayer_lowered;
	s5 =	simm.s32 $_tile_overlayer_lowered  }
0x9b: {  	s22 =	simm.s32 $0x1BFF;
	s21 =	sshll.u32 s5, $0x1;
	s2 =	sadd.s32 s19, s18  }
0x9c: {  	s6 =	simm.s32 $0x0;
	s20 =	sshll.u32 s4, $0x1;
	s4 =	sadd.s32 s21, s2  }
0x9d: {  	[timem:s6], [sflag:s22] =	dma.local [hbm:s4], s20  }
0x9e: {  	_ =	swait.ge [sflag:s22], s20  }
0x9f: {  	s3 =	ssub.s32 $0x0, s20;
	[sflag:s22] =	ssyncset.done $0x0  }
0xa0: {  	[sflag:s22] =	ssyncadd.s32 s3;
	_ =	sdelay $0x1  }
0xa1: {  	s23 =	simm.s32 $0x1B8B  }
0xa2: {  	_ =	swait.ge [sflag:s23], $0x1  }
0xa3: {  	[sflag:s23] =	ssyncset.done $0x0  }
0xa4: {  	s25 =	simm.s32 $0x1B8E;
	s24 =	sld [smem:$0x3FFE];
	[sflag:s23] =	ssyncadd.s32 $0xFFFFFFFF  }
0xa5: {  	s26 =	simm.s32 $execute0_lowered;
	[smem:$0x3FD2] =	sst s25  }
0xa6: {  	s4 =	sshll.u32 s26, $0x1;
	_ =	strace $0x80000049;
	[dreg:$0x1] =	wrdreg $0xFFFFFFFF  }
0xa7: {  	s28 =	simm.s32 $_size_execute0_lowered;
	s2 =	sadd.s32 s2, s4;
	[dreg:$0x0] =	wrdreg $0x0  }
0xa8: {  	s4 =	sshll.u32 s28, $0x1;
	[dreg:$0x2] =	wrdreg s2  }
0xa9: {  	[dreg:$0x3] =	wrdreg s4  }
0xaa: {  	[dreg:$0x4] =	wrdreg $0xC0  }
0xab: {  	_ =	task [dreg:s6], $0x5FFFF  }
0xac: {  	[dreg:$0x1] =	wrdreg $0xFFFFFFFF  }
0xad: {  	[dreg:$0x0] =	wrdreg $0x60  }
0xae: {  	[dreg:$0x2] =	wrdreg s24  }
0xaf: {  	[dreg:$0x3] =	wrdreg $0x72800  }
0xb0: {  	[dreg:$0x4] =	wrdreg $0x9  }
0xb1: {  	_ =	task.clear_ibuf [dreg:s6], $0x5FFFF;
	_ =	strace $0x90000049  }
0xb2: {  	s29 =	simm.s32 $0x9;
	_ =	strace $0x8000004B  }
0xb3: {  	_ =	swait.ge [sflag:s29], $0x1  }
0xb4: {  	[sflag:s29] =	ssyncadd.s32 $0xFFFFFFFF  }
0xb5: {  	_ =	strace $0x9000004B  }
0xb6: {  	_ =	sfence  }
0xb7: {  	s30 =	sld [smem:$0x0];
	_ =	sdelay $0x2  }
0xb8: {  	s31 =	sshll.u32 s1, $0xD;
	s1 =	sshrl.u32 s1, $0x2  }
0xb9: {  	s3 =	sand.u32 $0x4000, s31;
	s1 =	sadd.s32 s1, s30  }
0xba: {  	s0 =	sor.u32 s3, s0;
	s1 =	sshll.u32 s1, $0x11  }
0xbb: {  	s0 =	sor.u32 s1, s0  }
0xbc: {  	s0 =	sadd.s32 $0x8F2B, s0  }
0xbd: {  	[sflag:s0] =	ssyncadd.remote.s32 $0x1  }
0xbe: {  	_ =	sfence.sel $0xFFFF  }
0xbf: {  	[dreg:$0x0] =	wrdreg $0xFFFFFFFF;
	(pc) =	sbr.abs _section_cstart, $3  }
0xc0: {  	[dreg:$0x1] =	wrdreg $0xFFFFFFFF  }
0xc1: {  	_ =	task.clear_ibuf [dreg:s6], $0x2FFFF;
	_ =	strace $0x9FFFFFFF  }
0xc2: {  	(tm) =	ssettm $0x7FFFFFFF  }
0xc3: {  	_ =	shalt  }
tec
execute0_lowered:
.L_overlay_start_1:
0x0: {  	(tag) =	ssettag $0x1  }
0x1: {  	s0 =	rddreg [dreg:$0x0];
	s3 =	stileid.u32  }
0x2: {  	s1 =	srdreg.scid;
	s5 =	smul.u32 $0xA000, s3  }
0x3: {  	s2 =	rddreg [dreg:$0x1];
	s14 =	smul.u32 $0x28000, s3  }
0x4: {  	s11 =	simm.s32 $0x0;
	s28 =	simm.s32 $0x280;
	s10 =	smul.u32 $0x4E20, s3  }
0x5: {  	s30 =	simm.s32 $0x1680;
	s1 =	sand.u32 $0x1, s1;
	s25 =	smul.u32 $0x9C4, s3  }
0x6: {  	s31 =	simm.s32 $0x9;
	[smem:$0x7FF] =	sst s11;
	s4 =	smul.u32 $0x13880, s1  }
0x7: {  	s8 =	sadd.s32 $0x3200, s0;
	s6 =	smul.u32 $0xA0000, s1;
	s1 =	ssub.s32 $0x2, s1  }
0x8: {  	_ =	strace $0x8000004A;
	s9 =	sshrl.u32 s1, $0x1;
	s16 =	sshrl.u32 s10, $0x3  }
0x9: {  	s7 =	sadd.s32 s4, s0;
	s13 =	sadd.s32 s5, s6;
	s19 =	sadd.s32 s8, s16  }
0xa: {  	s6 =	sshrl.u32 s14, $0x2;
	s21 =	sadd.s32 $0xA, s19;
	[dreg:$0x8] =	wrdreg s19  }
0xb: {  	s1 =	ssub.s32 s1, s9;
	s22 =	sadd.s32 $0x14, s19;
	[dreg:$0xa] =	wrdreg s21  }
0xc: {  	s4 =	sshrl.u32 s13, $0x3;
	s23 =	sadd.s32 $0x1E, s19;
	[dreg:$0xb] =	wrdreg s22  }
0xd: {  	s6 =	sadd.s32 s6, s2;
	s24 =	sadd.s32 $0x9C40, s19;
	[dreg:$0xc] =	wrdreg s23  }
0xe: {  	s26 =	sadd.s32 $0x9C4A, s19;
	s29 =	smax.u32 s1, $0x1;
	[dreg:$0xd] =	wrdreg s24  }
0xf: {  	s0 =	sadd.s32 s4, s0;
	s4 =	sadd.s32 s5, s2;
	[dreg:$0xe] =	wrdreg s26  }
0x10: {  	s15 =	sadd.s32 $0x2000, s6;
	s17 =	sadd.s32 $0x4000, s6;
	[dreg:$0x10] =	wrdreg s29  }
0x11: {  	s18 =	sadd.s32 $0x6000, s6;
	s20 =	sadd.s32 $0x8000, s6;
	[dreg:$0x5] =	wrdreg s15  }
0x12: {  	s21 =	simm.s32 $0x50;
	s24 =	simm.s32 $0x140;
	[dreg:$0x6] =	wrdreg s17  }
0x13: {  	s22 =	simm.s32 $0xA;
	s23 =	simm.s32 $0x6;
	[dreg:$0x7] =	wrdreg s18  }
0x14: {  	[dreg:$0x9] =	wrdreg s20;
	s15 =	sadd.s32 $0xB4E00, s7;
	s0 =	sadd.s32 $0xDC000, s0  }
0x15: {  	s18 =	sadd.s32 s25, s8;
	s20 =	simm.s32 $0x11;
	[dreg:$0x4] =	wrdreg s4  }
0x16: {  	v0 =	vimm.f32 $0.0e+00;
	s25 =	simm.s32 $0x190;
	[dreg:$0xf] =	wrdreg s0;
	s0 =	simm.s32 $0x5  }
.LBB2_1:
0x17: {  	[dreg:$0x3] =	wrdreg s11;
	s5 =	simm.s32 $0x100;
	s1 =	simm.s32 $0x0  }
.LBB2_2:
0x18: {  	p0 =	sne.s32 s5, $0x7F00;
	[tilespmem:s1+$0x52B0] =	vst v0;
	s6 =	smov.u32 s5;
	s5 =	sadd.s32 $0x100, s5  }
.Ltmp0:
0x19: {  	[tilespmem:s1+$0x52A0] =	vst v0;
	(pc) =	sbr.rel @p0 .LBB2_2-.Ltmp0, $3  }
0x1a: {  	[tilespmem:s1+$0x5280] =	vst v0  }
0x1b: {  	[tilespmem:s1+$0x5290] =	vst v0;
	_ =	sdelay $0x1  }
0x1c: {  	s1 =	sshra.s32 s6, $0x2  }
0x1d: {  	[tilespmem:s1+$0x52B0] =	vst v0  }
0x1e: {  	[tilespmem:s1+$0x52A0] =	vst v0  }
0x1f: {  	[tilespmem:s1+$0x5280] =	vst v0  }
0x20: {  	[tilespmem:s1+$0x5290] =	vst v0;
	s3 =	simm.s32 $0x5280  }
0x21: {  	[spmem:s4] =	stream.linear.scatter [tilespmem:s3], [sflag:$0x11], $0x2000, $0x38;
	[tilespmem:$0x11280] =	vst v63  }
0x22: {  	_ =	swait.ge [sflag:s20], $0x2000  }
0x23: {  	[sflag:s20] =	ssyncset.done $0x0  }
0x24: {  	s6 =	rddreg [dreg:$0x5];
	[sflag:s20] =	ssyncadd.s32 $0xFFFFE000  }
0x25: {  	[spmem:s6] =	stream.linear.scatter [tilespmem:s3], [sflag:$0x11], $0x2000, $0x38;
	[tilespmem:$0x11280] =	vst v63  }
0x26: {  	_ =	swait.ge [sflag:s20], $0x2000  }
0x27: {  	[sflag:s20] =	ssyncset.done $0x0  }
0x28: {  	s7 =	rddreg [dreg:$0x6];
	[sflag:s20] =	ssyncadd.s32 $0xFFFFE000  }
0x29: {  	[spmem:s7] =	stream.linear.scatter [tilespmem:s3], [sflag:$0x11], $0x2000, $0x38;
	[tilespmem:$0x11280] =	vst v63  }
0x2a: {  	_ =	swait.ge [sflag:s20], $0x2000  }
0x2b: {  	[sflag:s20] =	ssyncset.done $0x0  }
0x2c: {  	s8 =	rddreg [dreg:$0x7];
	[sflag:s20] =	ssyncadd.s32 $0xFFFFE000  }
0x2d: {  	[spmem:s8] =	stream.linear.scatter [tilespmem:s3], [sflag:$0x11], $0x2000, $0x38;
	[tilespmem:$0x11280] =	vst v63  }
0x2e: {  	_ =	swait.ge [sflag:s20], $0x2000  }
0x2f: {  	[sflag:s20] =	ssyncset.done $0x0  }
0x30: {  	s9 =	rddreg [dreg:$0x9];
	[sflag:s20] =	ssyncadd.s32 $0xFFFFE000  }
0x31: {  	[spmem:s9] =	stream.linear.scatter [tilespmem:s3], [sflag:$0x11], $0x2000, $0x38;
	[tilespmem:$0x11280] =	vst v63  }
0x32: {  	_ =	swait.ge [sflag:s20], $0x2000  }
0x33: {  	[sflag:s20] =	ssyncset.done $0x0  }
0x34: {  	[sflag:s20] =	ssyncadd.s32 $0xFFFFE000  }
0x35: {  	[bflag:$0x0] =	sbarrier.arrive $0xFFFF  }
0x36: {  	s9 =	simm.s32 $0x0;
	s10 =	rddreg [dreg:$0x8]  }
0x37: {  	[tilespmem:s9], [sflag:$0x1] =	stream.linear.gather [hbm4b:s10+s9], $0x50, $0x38;
	[tilespmem:$0x11280] =	vst v63  }
0x38: {  	s11 =	rddreg [dreg:$0xa]  }
0x39: {  	[tilespmem:s21], [sflag:$0x2] =	stream.linear.gather [hbm4b:s11+s9], $0x50, $0x38;
	[tilespmem:$0x11280] =	vst v63  }
0x3a: {  	s13 =	simm.s32 $0xA0;
	s12 =	rddreg [dreg:$0xb]  }
0x3b: {  	[tilespmem:s13], [sflag:$0x3] =	stream.linear.gather [hbm4b:s12+s9], $0x50, $0x38;
	[tilespmem:$0x11280] =	vst v63  }
0x3c: {  	s16 =	simm.s32 $0xF0;
	s14 =	rddreg [dreg:$0xc]  }
0x3d: {  	[tilespmem:s16], [sflag:$0x4] =	stream.linear.gather [hbm4b:s14+s9], $0x50, $0x38;
	[tilespmem:$0x11280] =	vst v63  }
0x3e: {  	s17 =	rddreg [dreg:$0xd]  }
0x3f: {  	[tilespmem:s24], [sflag:$0x5] =	stream.linear.gather [hbm4b:s17+s9], $0x50, $0x38;
	[tilespmem:$0x11280] =	vst v63  }
0x40: {  	s26 =	simm.s32 $0x1;
	s19 =	rddreg [dreg:$0xe]  }
0x41: {  	[tilespmem:s25], [sflag:$0x6] =	stream.linear.gather [hbm4b:s19+s9], $0x50, $0x38;
	[tilespmem:$0x11280] =	vst v63  }
0x42: {  	_ =	swait.ge [sflag:s26], $0x50  }
0x43: {  	[sflag:s26] =	ssyncset.done $0x0  }
0x44: {  	s29 =	simm.s32 $0x2;
	[sflag:s26] =	ssyncadd.s32 $0xFFFFFFB0  }
0x45: {  	[tilespmem:s28], [sflag:$0x9] =	stream.indirect.gather [hbm4b:s15+s21], $0x40, s9, s21, $0xb8;
	[tilespmem:$0x11280] =	vst v63  }
0x46: {  	_ =	swait.ge [sflag:s29], $0x50  }
0x47: {  	[sflag:s29] =	ssyncset.done $0x0  }
0x48: {  	[sflag:s29] =	ssyncadd.s32 $0xFFFFFFB0  }
0x49: {  	[tilespmem:s30], [sflag:$0xA] =	stream.indirect.gather [hbm4b:s15+s21], $0x40, s21, s21, $0xb8;
	[tilespmem:$0x11280] =	vst v63  }
0x4a: {  	_ =	swait.ge [sflag:s31], $0x1400  }
0x4b: {  	[sflag:s31] =	ssyncset.done $0x0  }
0x4c: {  	p1 =	por $0x0, $0x0;
	[sflag:s31] =	ssyncadd.s32 $0xFFFFEC00  }
0x4d: {  	p0 =	por @!p1 $0x1, $0x1;
	_ =	swait.ge [sflag:s0], $0x50  }
0x4e: {  	p0 =	por p0, p1;
	[sflag:s0] =	ssyncset.done $0x0  }
0x4f: {  	s1 =	simm.s32 @!p0 $0xF;
	[sflag:s0] =	ssyncadd.s32 $0xFFFFFFB0  }
0x50: {  	[spmem:s2] =	stream.indirect.scatter.add.f32 [tilespmem:s28], [sflag:$0xD], $0x40, s24, s21, $0xb8;
	[tilespmem:$0x11280] =	vst v63  }
0x51: {  	s5 =	sadd.s32 @!p1 $0x0, s18;
	_ =	swait.ge @!p0 [sflag:s1], $0x1400  }
0x52: {  	s5 =	sadd.s32 @!p1 $0x9C54, s5;
	s6 =	simm.s32 @!p1 $0x0;
	[sflag:s1] =	ssyncset.done @!p0 $0x0  }
0x53: {  	s7 =	simm.s32 @!p1 $0x1E0;
	[sflag:s1] =	ssyncadd.s32 @!p0 $0xFFFFEC00;
	s1 =	simm.s32 @!p1 $0x3  }
0x54: {  	[tilespmem:s7], [sflag:$0x7] =	stream.linear.gather @!p1 [hbm4b:s5+s6], $0x50, $0x38;
	[tilespmem:$0x11280] =	vst v63  }
0x55: {  	s10 =	simm.s32 @!p1 $0xA0;
	_ =	swait.ge @!p1 [sflag:s1], $0x50  }
0x56: {  	p0 =	por $0x0, $0x0;
	s5 =	simm.s32 @!p1 $0x2A80;
	[sflag:s1] =	ssyncset.done @!p1 $0x0  }
0x57: {  	s6 =	simm.s32 @!p1 $0x50;
	s8 =	sadd.s32 @!p0 $0x0, s18;
	[sflag:s1] =	ssyncadd.s32 @!p1 $0xFFFFFFB0  }
0x58: {  	[tilespmem:s5], [sflag:$0xB] =	stream.indirect.gather @!p1 [hbm4b:s15+s6], $0x40, s10, s6, $0xb8;
	[tilespmem:$0x11280] =	vst v63  }
0x59: {  	s1 =	simm.s32 @!p0 $0x0;
	s10 =	sadd.s32 @!p0 $0x28, s8  }
0x5a: {  	[tilespmem:s1], [sflag:$0x1] =	stream.linear.gather @!p0 [hbm4b:s10+s1], $0x50, $0x38;
	[tilespmem:$0x11280] =	vst v63  }
0x5b: {  	_ =	swait.ge [sflag:s22], $0x1400  }
0x5c: {  	[sflag:s22] =	ssyncset.done $0x0  }
0x5d: {  	p2 =	por $0x0, $0x0;
	[sflag:s22] =	ssyncadd.s32 $0xFFFFEC00  }
0x5e: {  	p3 =	por @!p2 $0x1, $0x1;
	_ =	swait.ge [sflag:s23], $0x50  }
0x5f: {  	p3 =	por p3, p2;
	[sflag:s23] =	ssyncset.done $0x0  }
0x60: {  	s10 =	simm.s32 @!p3 $0x10;
	[sflag:s23] =	ssyncadd.s32 $0xFFFFFFB0  }
0x61: {  	[spmem:s2] =	stream.indirect.scatter.add.f32 [tilespmem:s30], [sflag:$0xE], $0x40, s25, s21, $0xb8;
	[tilespmem:$0x11280] =	vst v63  }
0x62: {  	s11 =	sadd.s32 @!p2 $0x0, s18;
	_ =	swait.ge @!p3 [sflag:s10], $0x1400  }
0x63: {  	s11 =	sadd.s32 @!p2 $0x9C5E, s11;
	s12 =	simm.s32 @!p2 $0x230;
	[sflag:s10] =	ssyncset.done @!p3 $0x0  }
0x64: {  	s13 =	simm.s32 @!p2 $0x0;
	[sflag:s10] =	ssyncadd.s32 @!p3 $0xFFFFEC00;
	s10 =	simm.s32 @!p2 $0x4  }
0x65: {  	[tilespmem:s12], [sflag:$0x8] =	stream.linear.gather @!p2 [hbm4b:s11+s13], $0x50, $0x38;
	[tilespmem:$0x11280] =	vst v63  }
0x66: {  	_ =	swait.ge @!p2 [sflag:s10], $0x50  }
0x67: {  	s14 =	simm.s32 @!p2 $0xF0;
	[sflag:s10] =	ssyncset.done @!p2 $0x0  }
0x68: {  	s11 =	simm.s32 @!p2 $0x3E80;
	s13 =	simm.s32 @!p2 $0x50;
	[sflag:s10] =	ssyncadd.s32 @!p2 $0xFFFFFFB0  }
0x69: {  	[tilespmem:s11], [sflag:$0xC] =	stream.indirect.gather @!p2 [hbm4b:s15+s13], $0x40, s14, s13, $0xb8;
	[tilespmem:$0x11280] =	vst v63  }
0x6a: {  	s10 =	sadd.s32 @!p0 $0x32, s8;
	s14 =	simm.s32 @!p0 $0x50  }
0x6b: {  	[tilespmem:s14], [sflag:$0x2] =	stream.linear.gather @!p0 [hbm4b:s10+s1], $0x50, $0x38;
	[tilespmem:$0x11280] =	vst v63  }
0x6c: {  	s10 =	simm.s32 @!p1 $0xB  }
0x6d: {  	_ =	swait.ge @!p1 [sflag:s10], $0x1400  }
0x6e: {  	[sflag:s10] =	ssyncset.done @!p1 $0x0  }
0x6f: {  	[sflag:s10] =	ssyncadd.s32 @!p1 $0xFFFFEC00;
	s10 =	simm.s32 @!p1 $0x7  }
0x70: {  	_ =	swait.ge @!p1 [sflag:s10], $0x50  }
0x71: {  	[sflag:s10] =	ssyncset.done @!p1 $0x0  }
0x72: {  	[sflag:s10] =	ssyncadd.s32 @!p1 $0xFFFFFFB0  }
0x73: {  	[spmem:s2] =	stream.indirect.scatter.add.f32 @!p1 [tilespmem:s5], [sflag:$0xF], $0x40, s7, s6, $0xb8;
	[tilespmem:$0x11280] =	vst v63  }
0x74: {  	s5 =	simm.s32 @!p0 $0xD  }
0x75: {  	_ =	swait.ge @!p0 [sflag:s5], $0x1400  }
0x76: {  	s6 =	sadd.s32 @!p0 $0x9C68, s8;
	[sflag:s5] =	ssyncset.done @!p0 $0x0  }
0x77: {  	s7 =	simm.s32 @!p0 $0x140;
	[sflag:s5] =	ssyncadd.s32 @!p0 $0xFFFFEC00;
	s5 =	simm.s32 @!p0 $0x1  }
0x78: {  	[tilespmem:s7], [sflag:$0x5] =	stream.linear.gather @!p0 [hbm4b:s6+s1], $0x50, $0x38;
	[tilespmem:$0x11280] =	vst v63  }
0x79: {  	p1 =	por @!p0 $0x0, $0x0;
	_ =	swait.ge @!p0 [sflag:s5], $0x50  }
0x7a: {  	p3 =	por p1, p0;
	[sflag:s5] =	ssyncset.done @!p0 $0x0  }
0x7b: {  	s6 =	sadd.s32 @!p3 $0x0, s18;
	s7 =	simm.s32 @!p0 $0x280;
	[sflag:s5] =	ssyncadd.s32 @!p0 $0xFFFFFFB0  }
0x7c: {  	[tilespmem:s7], [sflag:$0x9] =	stream.indirect.gather @!p0 [hbm4b:s15+s14], $0x40, s1, s14, $0xb8;
	[tilespmem:$0x11280] =	vst v63  }
0x7d: {  	s5 =	sadd.s32 @!p3 $0x3C, s6;
	s6 =	simm.s32 @!p3 $0x0;
	s7 =	simm.s32 @!p3 $0xA0  }
0x7e: {  	[tilespmem:s7], [sflag:$0x3] =	stream.linear.gather @!p3 [hbm4b:s5+s6], $0x50, $0x38;
	[tilespmem:$0x11280] =	vst v63  }
0x7f: {  	s5 =	simm.s32 @!p2 $0xC  }
0x80: {  	_ =	swait.ge @!p2 [sflag:s5], $0x1400  }
0x81: {  	[sflag:s5] =	ssyncset.done @!p2 $0x0  }
0x82: {  	[sflag:s5] =	ssyncadd.s32 @!p2 $0xFFFFEC00;
	s5 =	simm.s32 @!p2 $0x8  }
0x83: {  	_ =	swait.ge @!p2 [sflag:s5], $0x50  }
0x84: {  	[sflag:s5] =	ssyncset.done @!p2 $0x0  }
0x85: {  	[sflag:s5] =	ssyncadd.s32 @!p2 $0xFFFFFFB0;
	s5 =	simm.s32 @!p0 $0xE  }
0x86: {  	[spmem:s2] =	stream.indirect.scatter.add.f32 @!p2 [tilespmem:s11], [sflag:$0x10], $0x40, s12, s13, $0xb8;
	[tilespmem:$0x11280] =	vst v63  }
0x87: {  	_ =	swait.ge @!p0 [sflag:s5], $0x1400  }
0x88: {  	p1 =	por !p1, p0;
	s6 =	sadd.s32 @!p0 $0x9C72, s8;
	[sflag:s5] =	ssyncset.done @!p0 $0x0  }
0x89: {  	s7 =	simm.s32 @!p0 $0x190;
	[sflag:s5] =	ssyncadd.s32 @!p0 $0xFFFFEC00;
	s5 =	simm.s32 @!p0 $0x2  }
0x8a: {  	[tilespmem:s7], [sflag:$0x6] =	stream.linear.gather @!p0 [hbm4b:s6+s1], $0x50, $0x38;
	[tilespmem:$0x11280] =	vst v63  }
0x8b: {  	p3 =	por @!p3 $0x1, $0x1;
	p2 =	por @!p0 $0x0, $0x0;
	_ =	swait.ge @!p0 [sflag:s5], $0x50  }
0x8c: {  	p6 =	por $0x0, $0x0;
	p3 =	por @!p1 p2, p2;
	[sflag:s5] =	ssyncset.done @!p0 $0x0  }
0x8d: {  	p6 =	por @!p0 p3, p3;
	s1 =	simm.s32 @!p0 $0x1680;
	[sflag:s5] =	ssyncadd.s32 @!p0 $0xFFFFFFB0  }
0x8e: {  	[tilespmem:s1], [sflag:$0xA] =	stream.indirect.gather @!p0 [hbm4b:s15+s14], $0x40, s14, s14, $0xb8;
	[tilespmem:$0x11280] =	vst v63  }
0x8f: {  	s10 =	simm.s32 $0x3;
	s11 =	simm.s32 $0x28;
	s1 =	sadd.s32 @p6 $0x0, s18  }
0x90: {  	s5 =	simm.s32 @p6 $0xF0;
	s17 =	sadd.s32 @p6 $0x46, s1;
	s1 =	simm.s32 @p6 $0x0  }
.LBB2_4:
0x91: {  	s14 =	smov.u32 s11;
	s11 =	sadd.s32 $0x28, s11  }
0x92: {  	[tilespmem:s5], [sflag:$0x4] =	stream.linear.gather @p6 [hbm4b:s17+s1], $0x50, $0x38;
	[tilespmem:$0x11280] =	vst v63  }
0x93: {  	p0 =	sne.s32 s11, $0x9D8  }
0x94: {  	s10 =	sadd.s32 $0x4, s10;
	_ =	swait.ge [sflag:s31], $0x1400;
	s1 =	simm.s32 @!p0 $0x0  }
0x95: {  	s26 =	sadd.s32 $0xFFFFFFFF, s10;
	[sflag:s31] =	ssyncset.done $0x0;
	s1 =	simm.s32 @p0 $0x1  }
0x96: {  	p3 =	sgt.u32 s26, $0xF9;
	[sflag:s31] =	ssyncadd.s32 $0xFFFFEC00;
	[smem:$0x7FD] =	sst s1  }
0x97: {  	s9 =	sadd.s32 $0x1, s9;
	p0 =	seq.s32 @!p3 s14, $0x0;
	_ =	swait.ge [sflag:s0], $0x50  }
0x98: {  	p1 =	seq.s32 s14, $0x9B0;
	p0 =	por p0, p3;
	[sflag:s0] =	ssyncset.done $0x0  }
0x99: {  	p4 =	sgt.u32 s10, $0xF9;
	s5 =	simm.s32 @!p0 $0xF;
	[sflag:s0] =	ssyncadd.s32 $0xFFFFFFB0  }
0x9a: {  	[spmem:s2] =	stream.indirect.scatter.add.f32 [tilespmem:s28], [sflag:$0xD], $0x40, s24, s21, $0xb8;
	[tilespmem:$0x11280] =	vst v63  }
0x9b: {  	s12 =	simm.s32 @!p1 $0x0;
	s6 =	simm.s32 @!p3 $0x0;
	_ =	swait.ge @!p0 [sflag:s5], $0x1400  }
0x9c: {  	s16 =	simm.s32 @!p3 $0x1E0;
	s1 =	sadd.s32 @!p3 s14, s18;
	[sflag:s5] =	ssyncset.done @!p0 $0x0  }
0x9d: {  	s1 =	sadd.s32 @!p3 $0x9C54, s1;
	[sflag:s5] =	ssyncadd.s32 @!p0 $0xFFFFEC00;
	s5 =	simm.s32 @!p3 $0x3  }
0x9e: {  	[tilespmem:s16], [sflag:$0x7] =	stream.linear.gather @!p3 [hbm4b:s1+s6], $0x50, $0x38;
	[tilespmem:$0x11280] =	vst v63  }
0x9f: {  	p6 =	sgt.u32 @!p1 s9, $0x3C;
	s26 =	simm.s32 @!p4 $0x230;
	_ =	swait.ge @!p3 [sflag:s5], $0x50  }
0xa0: {  	s8 =	simm.s32 @!p3 $0x2A80;
	s29 =	simm.s32 @!p3 $0x50;
	[sflag:s5] =	ssyncset.done @!p3 $0x0  }
0xa1: {  	s1 =	simm.s32 @!p3 $0xA0;
	[sflag:s5] =	ssyncadd.s32 @!p3 $0xFFFFFFB0;
	s5 =	sadd.s32 @!p1 s14, s18  }
0xa2: {  	[tilespmem:s8], [sflag:$0xB] =	stream.indirect.gather @!p3 [hbm4b:s15+s29], $0x40, s1, s29, $0xb8;
	[tilespmem:$0x11280] =	vst v63  }
0xa3: {  	s4 =	simm.s32 @!p4 $0x0;
	p2 =	por p6, p1;
	s6 =	sadd.s32 @!p1 $0x28, s5  }
0xa4: {  	[tilespmem:s12], [sflag:$0x1] =	stream.linear.gather @!p1 [hbm4b:s6+s12], $0x50, $0x38;
	[tilespmem:$0x11280] =	vst v63  }
0xa5: {  	p5 =	por @!p1 $0x0, $0x0;
	s3 =	simm.s32 @!p2 $0x0;
	_ =	swait.ge [sflag:s22], $0x1400  }
0xa6: {  	s19 =	simm.s32 @!p4 $0x4;
	s3 =	simm.s32 @p2 $0x1;
	[sflag:s22] =	ssyncset.done $0x0  }
0xa7: {  	p6 =	por !p6, p1;
	[smem:$0x7FC] =	sst s3;
	[sflag:s22] =	ssyncadd.s32 $0xFFFFEC00  }
0xa8: {  	s17 =	sadd.s32 @!p2 s14, s18;
	p0 =	seq.s32 @!p4 s14, $0x0;
	_ =	swait.ge [sflag:s23], $0x50  }
0xa9: {  	p2 =	por @!p2 $0x1, $0x1;
	p0 =	por p0, p4;
	[sflag:s23] =	ssyncset.done $0x0  }
0xaa: {  	p2 =	por @!p6 p5, p5;
	s6 =	simm.s32 @!p0 $0x10;
	[sflag:s23] =	ssyncadd.s32 $0xFFFFFFB0  }
0xab: {  	[spmem:s2] =	stream.indirect.scatter.add.f32 [tilespmem:s30], [sflag:$0xE], $0x40, s25, s21, $0xb8;
	[tilespmem:$0x11280] =	vst v63  }
0xac: {  	s7 =	sadd.s32 @!p1 $0x32, s5;
	s1 =	sadd.s32 @!p1 $0x9C68, s5;
	_ =	swait.ge @!p0 [sflag:s6], $0x1400  }
0xad: {  	s13 =	sadd.s32 @!p1 $0x9C72, s5;
	s5 =	sadd.s32 @!p4 s14, s18;
	[sflag:s6] =	ssyncset.done @!p0 $0x0  }
0xae: {  	p6 =	por $0x0, $0x0;
	s5 =	sadd.s32 @!p4 $0x9C5E, s5;
	[sflag:s6] =	ssyncadd.s32 @!p0 $0xFFFFEC00  }
0xaf: {  	[tilespmem:s26], [sflag:$0x8] =	stream.linear.gather @!p4 [hbm4b:s5+s4], $0x50, $0x38;
	[tilespmem:$0x11280] =	vst v63  }
0xb0: {  	p6 =	por @!p1 p2, p2;
	_ =	swait.ge @!p4 [sflag:s19], $0x50  }
0xb1: {  	s3 =	simm.s32 @!p4 $0xF0;
	s6 =	simm.s32 @!p4 $0x50;
	[sflag:s19] =	ssyncset.done @!p4 $0x0  }
0xb2: {  	s5 =	simm.s32 @!p4 $0x3E80;
	[sflag:s19] =	ssyncadd.s32 @!p4 $0xFFFFFFB0;
	s19 =	sld [smem:$0x7FC]  }
0xb3: {  	[tilespmem:s5], [sflag:$0xC] =	stream.indirect.gather @!p4 [hbm4b:s15+s6], $0x40, s3, s6, $0xb8;
	[tilespmem:$0x11280] =	vst v63  }
0xb4: {  	s4 =	sadd.s32 @p6 s14, s18;
	s14 =	simm.s32 @!p1 $0x50;
	s3 =	simm.s32 @!p3 $0xB  }
0xb5: {  	[tilespmem:s14], [sflag:$0x2] =	stream.linear.gather @!p1 [hbm4b:s7+s12], $0x50, $0x38;
	[tilespmem:$0x11280] =	vst v63  }
0xb6: {  	p0 =	seq.s32 s19, $0x1;
	_ =	swait.ge @!p3 [sflag:s3], $0x1400  }
0xb7: {  	s19 =	sadd.s32 @!p0 $0x3C, s17;
	[sflag:s3] =	ssyncset.done @!p3 $0x0  }
0xb8: {  	s17 =	sadd.s32 @p6 $0x46, s4;
	s4 =	simm.s32 @!p3 $0x7;
	[sflag:s3] =	ssyncadd.s32 @!p3 $0xFFFFEC00  }
0xb9: {  	_ =	swait.ge @!p3 [sflag:s4], $0x50  }
0xba: {  	[sflag:s4] =	ssyncset.done @!p3 $0x0  }
0xbb: {  	s3 =	simm.s32 @!p1 $0xD;
	[sflag:s4] =	ssyncadd.s32 @!p3 $0xFFFFFFB0  }
0xbc: {  	[spmem:s2] =	stream.indirect.scatter.add.f32 @!p3 [tilespmem:s8], [sflag:$0xF], $0x40, s16, s29, $0xb8;
	[tilespmem:$0x11280] =	vst v63  }
0xbd: {  	_ =	swait.ge @!p1 [sflag:s3], $0x1400  }
0xbe: {  	[sflag:s3] =	ssyncset.done @!p1 $0x0  }
0xbf: {  	s4 =	simm.s32 @!p1 $0x140;
	[sflag:s3] =	ssyncadd.s32 @!p1 $0xFFFFEC00;
	s3 =	simm.s32 @!p1 $0x1  }
0xc0: {  	[tilespmem:s4], [sflag:$0x5] =	stream.linear.gather @!p1 [hbm4b:s1+s12], $0x50, $0x38;
	[tilespmem:$0x11280] =	vst v63  }
0xc1: {  	_ =	swait.ge @!p1 [sflag:s3], $0x50  }
0xc2: {  	[sflag:s3] =	ssyncset.done @!p1 $0x0  }
0xc3: {  	s1 =	simm.s32 @!p1 $0x280;
	[sflag:s3] =	ssyncadd.s32 @!p1 $0xFFFFFFB0  }
0xc4: {  	[tilespmem:s1], [sflag:$0x9] =	stream.indirect.gather @!p1 [hbm4b:s15+s14], $0x40, s12, s14, $0xb8;
	[tilespmem:$0x11280] =	vst v63  }
0xc5: {  	s4 =	simm.s32 @!p0 $0xA0;
	s3 =	simm.s32 @!p0 $0x0;
	s1 =	simm.s32 @!p4 $0xC  }
0xc6: {  	[tilespmem:s4], [sflag:$0x3] =	stream.linear.gather @!p0 [hbm4b:s19+s3], $0x50, $0x38;
	[tilespmem:$0x11280] =	vst v63  }
0xc7: {  	_ =	swait.ge @!p4 [sflag:s1], $0x1400  }
0xc8: {  	[sflag:s1] =	ssyncset.done @!p4 $0x0  }
0xc9: {  	s3 =	simm.s32 @!p4 $0x8;
	[sflag:s1] =	ssyncadd.s32 @!p4 $0xFFFFEC00  }
0xca: {  	_ =	swait.ge @!p4 [sflag:s3], $0x50  }
0xcb: {  	[sflag:s3] =	ssyncset.done @!p4 $0x0  }
0xcc: {  	s1 =	simm.s32 @!p1 $0xE;
	[sflag:s3] =	ssyncadd.s32 @!p4 $0xFFFFFFB0  }
0xcd: {  	[spmem:s2] =	stream.indirect.scatter.add.f32 @!p4 [tilespmem:s5], [sflag:$0x10], $0x40, s26, s6, $0xb8;
	[tilespmem:$0x11280] =	vst v63  }
0xce: {  	_ =	swait.ge @!p1 [sflag:s1], $0x1400  }
0xcf: {  	[sflag:s1] =	ssyncset.done @!p1 $0x0  }
0xd0: {  	s3 =	simm.s32 @!p1 $0x190;
	[sflag:s1] =	ssyncadd.s32 @!p1 $0xFFFFEC00;
	s1 =	simm.s32 @!p1 $0x2  }
0xd1: {  	[tilespmem:s3], [sflag:$0x6] =	stream.linear.gather @!p1 [hbm4b:s13+s12], $0x50, $0x38;
	[tilespmem:$0x11280] =	vst v63  }
0xd2: {  	_ =	swait.ge @!p1 [sflag:s1], $0x50  }
0xd3: {  	s29 =	sld [smem:$0x7FD];
	_ =	sdelay $0x2  }
0xd4: {  	p0 =	seq.s32 s29, $0x1  }
.Ltmp1:
0xd5: {  	_ = 	snop;
	(pc) =	sbr.rel @p0 .LBB2_4-.Ltmp1, $4  }
0xd6: {  	_ = 	snop  }
0xd7: {  	s5 =	simm.s32 @p6 $0xF0;
	[sflag:s1] =	ssyncset.done @!p1 $0x0  }
0xd8: {  	s3 =	simm.s32 @!p1 $0x1680;
	[sflag:s1] =	ssyncadd.s32 @!p1 $0xFFFFFFB0;
	s1 =	simm.s32 @p6 $0x0  }
0xd9: {  	[tilespmem:s3], [sflag:$0xA] =	stream.indirect.gather @!p1 [hbm4b:s15+s14], $0x40, s14, s14, $0xb8;
	[tilespmem:$0x11280] =	vst v63  }
0xda: {  	[tilespmem:s5], [sflag:$0x4] =	stream.linear.gather @p6 [hbm4b:s17+s1], $0x50, $0x38;
	[tilespmem:$0x11280] =	vst v63  }
0xdb: {  	s13 =	simm.s32 $0xD  }
0xdc: {  	_ =	swait.ge [sflag:s13], $0x1400  }
0xdd: {  	[sflag:s13] =	ssyncset.done $0x0  }
0xde: {  	s14 =	simm.s32 $0xE;
	[sflag:s13] =	ssyncadd.s32 $0xFFFFEC00  }
0xdf: {  	_ =	swait.ge [sflag:s14], $0x1400  }
0xe0: {  	[sflag:s14] =	ssyncset.done $0x0  }
0xe1: {  	s16 =	simm.s32 $0xF;
	[sflag:s14] =	ssyncadd.s32 $0xFFFFEC00  }
0xe2: {  	_ =	swait.ge [sflag:s16], $0x1400  }
0xe3: {  	[sflag:s16] =	ssyncset.done $0x0  }
0xe4: {  	s17 =	simm.s32 $0x10;
	[sflag:s16] =	ssyncadd.s32 $0xFFFFEC00  }
0xe5: {  	_ =	swait.ge [sflag:s17], $0x1400  }
0xe6: {  	[sflag:s17] =	ssyncset.done $0x0  }
0xe7: {  	[sflag:s17] =	ssyncadd.s32 $0xFFFFEC00  }
0xe8: {  	s19 =	stileid.u32;
	[bflag:$0x0] =	sbarrier.arrive $0xFFFF  }
0xe9: {  	s1 =	sshll.u32 s19, $0x6;
	s4 =	rddreg [dreg:$0x4]  }
0xea: {  	s1 =	sor.u32 $0x1C11, s1;
	s26 =	rddreg [dreg:$0xf];
	s3 =	sshrl.u32 s4, $0x3  }
0xeb: {  	[hbm:s26], [sflag:s1] =	dma.local [spmem:s3], $0x1400  }
0xec: {  	_ =	swait.ge [sflag:s20], $0x1400  }
0xed: {  	s11 =	rddreg [dreg:$0x3]  }
0xee: {  	s29 =	rddreg [dreg:$0x10];
	s11 =	sadd.s32 $0x1, s11  }
0xef: {  	p0 =	sne.s32 s11, s29  }
.Ltmp2:
0xf0: {  	_ = 	snop;
	(pc) =	sbr.rel @p0 .LBB2_1-.Ltmp2, $3  }
0xf1: {  	_ =	sdelay $0x1  }
0xf2: {  	[sflag:s20] =	ssyncset.done $0x0  }
0xf3: {  	[sflag:s20] =	ssyncadd.s32 $0xFFFFEC00  }
0xf4: {  	_ =	sfence.sel $0x180000  }
0xf5: {  	[bflag:$0x0] =	sbarrier.arrive $0xFFFF  }
0xf6: {  	_ =	strace $0x9000004A  }
0xf7: {  	s0 =	stileid.u32;
	[bflag:$0x2] =	sbarrier.arrive $0xFFFF  }
0xf8: {  	p0 =	sne.s32 s0, $0x0;
	s0 =	rddreg [dreg:$0x2]  }
0xf9: {  	s0 =	sadd.s32 @!p0 $0x100000, s0  }
0xfa: {  	[sflag:s0] =	ssyncadd.tile.s32 @!p0 $0x1;
	_ =	shalt  }
.Lfunc_end2:
_tile_overlayer_lowered:
.L_overlay_start_2:
0xfb: {  	(tag) =	ssettag $0x2  }
0xfc: {  	s0 =	rddreg [dreg:$0x0];
	s2 =	stileid.u32  }
0xfd: {  	s1 =	rddreg [dreg:$0x1];
	p0 =	sne.s32 s2, $0x0  }
0xfe: {  	s3 =	rddreg [dreg:$0x2];
	[bflag:$0x3] =	sbarrier.arrive $0xFFFF;
	s2 =	simm.s32 @!p0 $0x1C11  }
0xff: {  	[timem:s3], [sflag:s2] =	dma.local @!p0 [hbm:s0], s1  }
0x100: {  	s0 =	simm.s32 @!p0 $0x11  }
0x101: {  	_ =	swait.ge @!p0 [sflag:s0], s1  }
0x102: {  	s1 =	ssub.s32 @!p0 $0x0, s1;
	[sflag:s0] =	ssyncset.done @!p0 $0x0  }
0x103: {  	[sflag:s0] =	ssyncadd.s32 @!p0 s1  }
0x104: {  	[bflag:$0x3] =	sbarrier.arrive $0xFFFF  }
0x105: {  	_ =	shalt  }

// kernel: kernel.14.cloned.1.call-start
scs
__scs_entry_jumppad:
0x0: {  	(pc) =	sbr.rel $0x88, $3  }
0x1: {  	(tag) =	ssettag $0x0;
	lr =	simm.s32 $0x1  }
0x2: {  	[smem:$0x3F95] =	sst lr;
	_ =	strace $0xD0000000  }
0x3: {  	_ = 	snop  }
0x4: {  	_ = 	snop  }
0x5: {  	_ = 	snop  }
0x6: {  	_ = 	snop  }
0x7: {  	_ = 	snop  }
__scs_overlays_trampoline_lowered:
0x8: {  	[smem:$0x3FA4] =	sst s0  }
0x9: {  	[smem:$0x3FA5] =	sst s1  }
0xa: {  	[smem:$0x3FA6] =	sst s2  }
0xb: {  	[smem:$0x3FA7] =	sst s3  }
0xc: {  	[smem:$0x3FA8] =	sst s4  }
0xd: {  	[smem:$0x3FA9] =	sst s5  }
0xe: {  	[smem:$0x3FAA] =	sst s6  }
0xf: {  	[smem:$0x3FAB] =	sst s7  }
0x10: {  	[smem:$0x3FAC] =	sst s8  }
0x11: {  	[smem:$0x3FAD] =	sst s9;
	s0 =	simm.s32 @!p0 $0x0  }
0x12: {  	s1 =	sld [smem:$0x3F93];
	s0 =	simm.s32 @p0 $0x1  }
0x13: {  	[smem:$0x3FAE] =	sst s0;
	s0 =	simm.s32 @!p1 $0x0  }
0x14: {  	s2 =	sld [smem:$0x3F92];
	s0 =	simm.s32 @p1 $0x1  }
0x15: {  	[smem:$0x3FAF] =	sst s0;
	s0 =	simm.s32 @!p2 $0x0  }
0x16: {  	s3 =	sld [smem:$0x3FDB];
	s0 =	simm.s32 @p2 $0x1  }
0x17: {  	s4 =	simm.s32 $0x1BF5;
	[smem:$0x3FB1] =	sst s0  }
0x18: {  	s0 =	sld [smem:$0x3F94];
	_ =	swait.ge [sflag:s4], $0x0  }
0x19: {  	s7 =	sld [smem:$0x3F95]  }
0x1a: {  	s8 =	sadd.s32 $0xFFFFE003, lr  }
0x1b: {  	s9 =	sadd.s32 $0xFFFFFEF7, lr;
	s5 =	simm.s32 $0xFFFFFFFF;
	p2 =	slt.u32 s8, $0xFFFFF086  }
0x1c: {  	p1 =	slt.u32 s9, $0xF7A;
	s5 =	simm.s32 @!p2 $0x0  }
0x1d: {  	s5 =	simm.s32 @p1 $0x1;
	p0 =	seq.s32 s7, s2  }
0x1e: {  	s7 =	smul.u32 @!p0 $0xF7A, s2;
	p2 =	seq.s32 @!p0 s5, $0x0  }
0x1f: {  	s9 =	smul.u32 $0xF7A, s1;
	s8 =	simm.s32 @!p0 $0x1BF5;
	p2 =	por !p2, p0  }
0x20: {  	[sflag:s8] =	ssyncset.s32 @!p0 $0xFFFFF086;
	s6 =	sadd.s32 @!p0 s3, s7;
	s7 =	simm.s32 @!p0 $0x108  }
0x21: {  	s3 =	sadd.s32 s3, s9;
	s6 =	sadd.s32 @!p0 $0x88, s6;
	s7 =	simm.s32 @p2 $0x1082  }
0x22: {  	[simem:s7], [sflag:s8] =	dma.local @!p0 [hbm:s6], $0xF7A  }
0x23: {  	s9 =	sor.u32 $0xD0000000, s2;
	s6 =	simm.s32 $0x108;
	_ =	swait.ge @!p0 [sflag:s8], $0x0  }
0x24: {  	s3 =	sadd.s32 $0x88, s3;
	s6 =	simm.s32 @!p1 $0x1082;
	[sflag:s4] =	ssyncset.s32 $0xFFFFF086  }
0x25: {  	[simem:s6], [sflag:s4] =	dma.local [hbm:s3], $0xF7A  }
0x26: {  	[smem:$0x3F95] =	sst s1;
	(tag) =	ssettag s2;
	_ =	strace s9  }
0x27: {  	s1 =	sld [smem:$0x3FA5]  }
0x28: {  	s2 =	sld [smem:$0x3FA6]  }
0x29: {  	s4 =	sld [smem:$0x3FA8]  }
0x2a: {  	p0 =	seq.s32 s5, $0x0;
	s5 =	sld [smem:$0x3FA9]  }
0x2b: {  	s6 =	sld [smem:$0x3FAA]  }
0x2c: {  	s7 =	sld [smem:$0x3FAB]  }
0x2d: {  	s3 =	simm.s32 $0x108;
	s8 =	sld [smem:$0x3FAC]  }
0x2e: {  	s3 =	simm.s32 @!p0 $0x1082;
	s9 =	sld [smem:$0x3FAD]  }
0x2f: {  	lr =	sadd.s32 s0, s3;
	s0 =	sld [smem:$0x3FA4]  }
0x30: {  	s3 =	sld [smem:$0x3FA7]  }
0x31: {  	[smem:$0x3FB0] =	sst s10  }
0x32: {  	s10 =	sld [smem:$0x3FAE];
	_ =	sdelay $0x3  }
0x33: {  	p0 =	seq.s32 s10, $0x1;
	s10 =	sld [smem:$0x3FB0];
	_ =	sdelay $0x3  }
0x34: {  	[smem:$0x3FB0] =	sst s10  }
0x35: {  	s10 =	sld [smem:$0x3FAF];
	_ =	sdelay $0x3  }
0x36: {  	p1 =	seq.s32 s10, $0x1;
	s10 =	sld [smem:$0x3FB0];
	_ =	sdelay $0x3  }
0x37: {  	[smem:$0x3FB0] =	sst s10  }
0x38: {  	s10 =	sld [smem:$0x3FB1]  }
0x39: {  	_ = 	snop;
	(pc) =	sbr.ind lr, $3  }
0x3a: {  	_ = 	snop  }
0x3b: {  	_ = 	snop  }
0x3c: {  	p2 =	seq.s32 s10, $0x1;
	s10 =	sld [smem:$0x3FB0]  }
0x3d: {  	_ =	shalt  }
0x3e: {  	_ =	shalt  }
0x3f: {  	_ =	shalt  }
0x40: {  	_ =	shalt  }
0x41: {  	_ =	shalt  }
0x42: {  	_ =	shalt  }
0x43: {  	_ =	shalt  }
0x44: {  	_ =	shalt  }
0x45: {  	_ =	shalt  }
0x46: {  	_ =	shalt  }
0x47: {  	_ =	shalt  }
0x48: {  	_ =	shalt  }
0x49: {  	_ =	shalt  }
0x4a: {  	_ =	shalt  }
0x4b: {  	_ =	shalt  }
0x4c: {  	_ =	shalt  }
0x4d: {  	_ =	shalt  }
0x4e: {  	_ =	shalt  }
0x4f: {  	_ =	shalt  }
0x50: {  	_ =	shalt  }
0x51: {  	_ =	shalt  }
0x52: {  	_ =	shalt  }
0x53: {  	_ =	shalt  }
0x54: {  	_ =	shalt  }
0x55: {  	_ =	shalt  }
0x56: {  	_ =	shalt  }
0x57: {  	_ =	shalt  }
0x58: {  	_ =	shalt  }
0x59: {  	_ =	shalt  }
0x5a: {  	_ =	shalt  }
0x5b: {  	_ =	shalt  }
0x5c: {  	_ =	shalt  }
0x5d: {  	_ =	shalt  }
0x5e: {  	_ =	shalt  }
0x5f: {  	_ =	shalt  }
0x60: {  	_ =	shalt  }
0x61: {  	_ =	shalt  }
0x62: {  	_ =	shalt  }
0x63: {  	_ =	shalt  }
0x64: {  	_ =	shalt  }
0x65: {  	_ =	shalt  }
0x66: {  	_ =	shalt  }
0x67: {  	_ =	shalt  }
0x68: {  	_ =	shalt  }
0x69: {  	_ =	shalt  }
0x6a: {  	_ =	shalt  }
0x6b: {  	_ =	shalt  }
0x6c: {  	_ =	shalt  }
0x6d: {  	_ =	shalt  }
0x6e: {  	_ =	shalt  }
0x6f: {  	_ =	shalt  }
0x70: {  	_ =	shalt  }
0x71: {  	_ =	shalt  }
0x72: {  	_ =	shalt  }
0x73: {  	_ =	shalt  }
0x74: {  	_ =	shalt  }
0x75: {  	_ =	shalt  }
0x76: {  	_ =	shalt  }
0x77: {  	_ =	shalt  }
0x78: {  	_ =	shalt  }
0x79: {  	_ =	shalt  }
0x7a: {  	_ =	shalt  }
0x7b: {  	_ =	shalt  }
0x7c: {  	_ =	shalt  }
0x7d: {  	_ =	shalt  }
0x7e: {  	_ =	shalt  }
0x7f: {  	_ =	shalt  }
0x80: {  	_ =	shalt  }
0x81: {  	_ =	shalt  }
0x82: {  	_ =	shalt  }
0x83: {  	_ =	shalt  }
0x84: {  	_ =	shalt  }
0x85: {  	_ =	shalt  }
0x86: {  	_ =	shalt  }
0x87: {  	_ =	shalt  }
.Lfunc_end0:
.L_simem_size_0:
called_computation.2_lowered:
.L_overlay_start_0:
0x88: {  	s2 =	sld [smem:$0x3FD9]  }
0x89: {  	s3 =	sld [smem:$0x3FFE];
	_ =	sdelay $0x1  }
0x8a: {  	s1 =	srdreg.scid  }
0x8b: {  	s0 =	sand.u32 $0x1, s1  }
0x8c: {  	s16 =	sshll.u32 s0, $0xA;
	s2 =	sadd.s32 s3, s2  }
0x8d: {  	s2 =	sadd.s32 s2, s16  }
0x8e: {  	[smem:$0x3FBC] =	sst s2  }
0x8f: {  	_ = 	snop  }
0x90: {  	(tm) =	ssettm $0x1  }
0x91: {  	s17 =	sld [smem:$0x3FFB];
	_ =	sdelay $0x3  }
0x92: {  	_ =	strace s17  }
0x93: {  	s2 =	sld [smem:$0x3FFC];
	_ =	sdelay $0x3  }
0x94: {  	_ =	strace s2  }
0x95: {  	s2 =	sld [smem:$0x3FFD];
	_ =	sdelay $0x3  }
0x96: {  	_ =	strace s2  }
0x97: {  	_ =	strace $0x8FFFFFFF  }
0x98: {  	s18 =	sld [smem:$0x3FDB];
	_ =	sdelay $0x1  }
0x99: {  	s19 =	simm.s32 $_scs_section_size  }
0x9a: {  	s4 =	simm.s32 $_size__tile_overlayer_lowered;
	s5 =	simm.s32 $_tile_overlayer_lowered  }
0x9b: {  	s22 =	simm.s32 $0x1BFF;
	s21 =	sshll.u32 s5, $0x1;
	s2 =	sadd.s32 s19, s18  }
0x9c: {  	s6 =	simm.s32 $0x0;
	s20 =	sshll.u32 s4, $0x1;
	s4 =	sadd.s32 s21, s2  }
0x9d: {  	[timem:s6], [sflag:s22] =	dma.local [hbm:s4], s20  }
0x9e: {  	_ =	swait.ge [sflag:s22], s20  }
0x9f: {  	s3 =	ssub.s32 $0x0, s20;
	[sflag:s22] =	ssyncset.done $0x0  }
0xa0: {  	[sflag:s22] =	ssyncadd.s32 s3;
	_ =	sdelay $0x1  }
0xa1: {  	s23 =	simm.s32 $0x1B8B  }
0xa2: {  	_ =	swait.ge [sflag:s23], $0x1  }
0xa3: {  	[sflag:s23] =	ssyncset.done $0x0  }
0xa4: {  	s25 =	simm.s32 $0x1B8E;
	s24 =	sld [smem:$0x3FFE];
	[sflag:s23] =	ssyncadd.s32 $0xFFFFFFFF  }
0xa5: {  	s26 =	simm.s32 $execute0_lowered;
	[smem:$0x3FD2] =	sst s25  }
0xa6: {  	s4 =	sshll.u32 s26, $0x1;
	_ =	strace $0x8000004C;
	[dreg:$0x1] =	wrdreg $0xFFFFFFFF  }
0xa7: {  	s28 =	simm.s32 $_size_execute0_lowered;
	s2 =	sadd.s32 s2, s4;
	[dreg:$0x0] =	wrdreg $0x0  }
0xa8: {  	s4 =	sshll.u32 s28, $0x1;
	[dreg:$0x2] =	wrdreg s2  }
0xa9: {  	[dreg:$0x3] =	wrdreg s4  }
0xaa: {  	[dreg:$0x4] =	wrdreg $0xC0  }
0xab: {  	_ =	task [dreg:s6], $0x5FFFF  }
0xac: {  	[dreg:$0x1] =	wrdreg $0xFFFFFFFF  }
0xad: {  	[dreg:$0x0] =	wrdreg $0x60  }
0xae: {  	[dreg:$0x2] =	wrdreg s24  }
0xaf: {  	[dreg:$0x3] =	wrdreg $0x72800  }
0xb0: {  	[dreg:$0x4] =	wrdreg $0x9  }
0xb1: {  	_ =	task.clear_ibuf [dreg:s6], $0x5FFFF;
	_ =	strace $0x9000004C  }
0xb2: {  	s29 =	simm.s32 $0x9;
	_ =	strace $0x8000004E  }
0xb3: {  	_ =	swait.ge [sflag:s29], $0x1  }
0xb4: {  	[sflag:s29] =	ssyncadd.s32 $0xFFFFFFFF  }
0xb5: {  	_ =	strace $0x9000004E  }
0xb6: {  	_ =	sfence  }
0xb7: {  	s30 =	sld [smem:$0x0];
	_ =	sdelay $0x2  }
0xb8: {  	s31 =	sshll.u32 s1, $0xD;
	s1 =	sshrl.u32 s1, $0x2  }
0xb9: {  	s3 =	sand.u32 $0x4000, s31;
	s1 =	sadd.s32 s1, s30  }
0xba: {  	s0 =	sor.u32 s3, s0;
	s1 =	sshll.u32 s1, $0x11  }
0xbb: {  	s0 =	sor.u32 s1, s0  }
0xbc: {  	s0 =	sadd.s32 $0x8F2B, s0  }
0xbd: {  	[sflag:s0] =	ssyncadd.remote.s32 $0x1  }
0xbe: {  	_ =	sfence.sel $0xFFFF  }
0xbf: {  	[dreg:$0x0] =	wrdreg $0xFFFFFFFF;
	(pc) =	sbr.abs _section_cstart, $3  }
0xc0: {  	[dreg:$0x1] =	wrdreg $0xFFFFFFFF  }
0xc1: {  	_ =	task.clear_ibuf [dreg:s6], $0x2FFFF;
	_ =	strace $0x9FFFFFFF  }
0xc2: {  	(tm) =	ssettm $0x7FFFFFFF  }
0xc3: {  	_ =	shalt  }
tec
execute0_lowered:
.L_overlay_start_1:
0x0: {  	(tag) =	ssettag $0x1  }
0x1: {  	s0 =	rddreg [dreg:$0x0];
	s3 =	stileid.u32  }
0x2: {  	s1 =	srdreg.scid;
	s5 =	smul.u32 $0xA000, s3  }
0x3: {  	s2 =	rddreg [dreg:$0x1];
	s14 =	smul.u32 $0x28000, s3  }
0x4: {  	s11 =	simm.s32 $0x0;
	s28 =	simm.s32 $0x280;
	s10 =	smul.u32 $0x4E20, s3  }
0x5: {  	s30 =	simm.s32 $0x1680;
	s1 =	sand.u32 $0x1, s1;
	s25 =	smul.u32 $0x9C4, s3  }
0x6: {  	s31 =	simm.s32 $0x9;
	[smem:$0x7FF] =	sst s11;
	s4 =	smul.u32 $0x13880, s1  }
0x7: {  	s8 =	sadd.s32 $0x3200, s0;
	s6 =	smul.u32 $0xA0000, s1;
	s1 =	ssub.s32 $0x2, s1  }
0x8: {  	_ =	strace $0x8000004D;
	s9 =	sshrl.u32 s1, $0x1;
	s16 =	sshrl.u32 s10, $0x3  }
0x9: {  	s7 =	sadd.s32 s4, s0;
	s13 =	sadd.s32 s5, s6;
	s19 =	sadd.s32 s8, s16  }
0xa: {  	s6 =	sshrl.u32 s14, $0x2;
	s21 =	sadd.s32 $0xA, s19;
	[dreg:$0x8] =	wrdreg s19  }
0xb: {  	s1 =	ssub.s32 s1, s9;
	s22 =	sadd.s32 $0x14, s19;
	[dreg:$0xa] =	wrdreg s21  }
0xc: {  	s4 =	sshrl.u32 s13, $0x3;
	s23 =	sadd.s32 $0x1E, s19;
	[dreg:$0xb] =	wrdreg s22  }
0xd: {  	s6 =	sadd.s32 s6, s2;
	s24 =	sadd.s32 $0x9C40, s19;
	[dreg:$0xc] =	wrdreg s23  }
0xe: {  	s26 =	sadd.s32 $0x9C4A, s19;
	s29 =	smax.u32 s1, $0x1;
	[dreg:$0xd] =	wrdreg s24  }
0xf: {  	s0 =	sadd.s32 s4, s0;
	s4 =	sadd.s32 s5, s2;
	[dreg:$0xe] =	wrdreg s26  }
0x10: {  	s15 =	sadd.s32 $0x2000, s6;
	s17 =	sadd.s32 $0x4000, s6;
	[dreg:$0x10] =	wrdreg s29  }
0x11: {  	s18 =	sadd.s32 $0x6000, s6;
	s20 =	sadd.s32 $0x8000, s6;
	[dreg:$0x5] =	wrdreg s15  }
0x12: {  	s21 =	simm.s32 $0x50;
	s24 =	simm.s32 $0x140;
	[dreg:$0x6] =	wrdreg s17  }
0x13: {  	s22 =	simm.s32 $0xA;
	s23 =	simm.s32 $0x6;
	[dreg:$0x7] =	wrdreg s18  }
0x14: {  	[dreg:$0x9] =	wrdreg s20;
	s15 =	sadd.s32 $0xB4E00, s7;
	s0 =	sadd.s32 $0xDC000, s0  }
0x15: {  	s18 =	sadd.s32 s25, s8;
	s20 =	simm.s32 $0x11;
	[dreg:$0x4] =	wrdreg s4  }
0x16: {  	v0 =	vimm.f32 $0.0e+00;
	s25 =	simm.s32 $0x190;
	[dreg:$0xf] =	wrdreg s0;
	s0 =	simm.s32 $0x5  }
.LBB2_1:
0x17: {  	[dreg:$0x3] =	wrdreg s11;
	s5 =	simm.s32 $0x100;
	s1 =	simm.s32 $0x0  }
.LBB2_2:
0x18: {  	p0 =	sne.s32 s5, $0x7F00;
	[tilespmem:s1+$0x52B0] =	vst v0;
	s6 =	smov.u32 s5;
	s5 =	sadd.s32 $0x100, s5  }
.Ltmp0:
0x19: {  	[tilespmem:s1+$0x52A0] =	vst v0;
	(pc) =	sbr.rel @p0 .LBB2_2-.Ltmp0, $3  }
0x1a: {  	[tilespmem:s1+$0x5280] =	vst v0  }
0x1b: {  	[tilespmem:s1+$0x5290] =	vst v0;
	_ =	sdelay $0x1  }
0x1c: {  	s1 =	sshra.s32 s6, $0x2  }
0x1d: {  	[tilespmem:s1+$0x52B0] =	vst v0  }
0x1e: {  	[tilespmem:s1+$0x52A0] =	vst v0  }
0x1f: {  	[tilespmem:s1+$0x5280] =	vst v0  }
0x20: {  	[tilespmem:s1+$0x5290] =	vst v0;
	s3 =	simm.s32 $0x5280  }
0x21: {  	[spmem:s4] =	stream.linear.scatter [tilespmem:s3], [sflag:$0x11], $0x2000, $0x38;
	[tilespmem:$0x11280] =	vst v63  }
0x22: {  	_ =	swait.ge [sflag:s20], $0x2000  }
0x23: {  	[sflag:s20] =	ssyncset.done $0x0  }
0x24: {  	s6 =	rddreg [dreg:$0x5];
	[sflag:s20] =	ssyncadd.s32 $0xFFFFE000  }
0x25: {  	[spmem:s6] =	stream.linear.scatter [tilespmem:s3], [sflag:$0x11], $0x2000, $0x38;
	[tilespmem:$0x11280] =	vst v63  }
0x26: {  	_ =	swait.ge [sflag:s20], $0x2000  }
0x27: {  	[sflag:s20] =	ssyncset.done $0x0  }
0x28: {  	s7 =	rddreg [dreg:$0x6];
	[sflag:s20] =	ssyncadd.s32 $0xFFFFE000  }
0x29: {  	[spmem:s7] =	stream.linear.scatter [tilespmem:s3], [sflag:$0x11], $0x2000, $0x38;
	[tilespmem:$0x11280] =	vst v63  }
0x2a: {  	_ =	swait.ge [sflag:s20], $0x2000  }
0x2b: {  	[sflag:s20] =	ssyncset.done $0x0  }
0x2c: {  	s8 =	rddreg [dreg:$0x7];
	[sflag:s20] =	ssyncadd.s32 $0xFFFFE000  }
0x2d: {  	[spmem:s8] =	stream.linear.scatter [tilespmem:s3], [sflag:$0x11], $0x2000, $0x38;
	[tilespmem:$0x11280] =	vst v63  }
0x2e: {  	_ =	swait.ge [sflag:s20], $0x2000  }
0x2f: {  	[sflag:s20] =	ssyncset.done $0x0  }
0x30: {  	s9 =	rddreg [dreg:$0x9];
	[sflag:s20] =	ssyncadd.s32 $0xFFFFE000  }
0x31: {  	[spmem:s9] =	stream.linear.scatter [tilespmem:s3], [sflag:$0x11], $0x2000, $0x38;
	[tilespmem:$0x11280] =	vst v63  }
0x32: {  	_ =	swait.ge [sflag:s20], $0x2000  }
0x33: {  	[sflag:s20] =	ssyncset.done $0x0  }
0x34: {  	[sflag:s20] =	ssyncadd.s32 $0xFFFFE000  }
0x35: {  	[bflag:$0x0] =	sbarrier.arrive $0xFFFF  }
0x36: {  	s9 =	simm.s32 $0x0;
	s10 =	rddreg [dreg:$0x8]  }
0x37: {  	[tilespmem:s9], [sflag:$0x1] =	stream.linear.gather [hbm4b:s10+s9], $0x50, $0x38;
	[tilespmem:$0x11280] =	vst v63  }
0x38: {  	s11 =	rddreg [dreg:$0xa]  }
0x39: {  	[tilespmem:s21], [sflag:$0x2] =	stream.linear.gather [hbm4b:s11+s9], $0x50, $0x38;
	[tilespmem:$0x11280] =	vst v63  }
0x3a: {  	s13 =	simm.s32 $0xA0;
	s12 =	rddreg [dreg:$0xb]  }
0x3b: {  	[tilespmem:s13], [sflag:$0x3] =	stream.linear.gather [hbm4b:s12+s9], $0x50, $0x38;
	[tilespmem:$0x11280] =	vst v63  }
0x3c: {  	s16 =	simm.s32 $0xF0;
	s14 =	rddreg [dreg:$0xc]  }
0x3d: {  	[tilespmem:s16], [sflag:$0x4] =	stream.linear.gather [hbm4b:s14+s9], $0x50, $0x38;
	[tilespmem:$0x11280] =	vst v63  }
0x3e: {  	s17 =	rddreg [dreg:$0xd]  }
0x3f: {  	[tilespmem:s24], [sflag:$0x5] =	stream.linear.gather [hbm4b:s17+s9], $0x50, $0x38;
	[tilespmem:$0x11280] =	vst v63  }
0x40: {  	s26 =	simm.s32 $0x1;
	s19 =	rddreg [dreg:$0xe]  }
0x41: {  	[tilespmem:s25], [sflag:$0x6] =	stream.linear.gather [hbm4b:s19+s9], $0x50, $0x38;
	[tilespmem:$0x11280] =	vst v63  }
0x42: {  	_ =	swait.ge [sflag:s26], $0x50  }
0x43: {  	[sflag:s26] =	ssyncset.done $0x0  }
0x44: {  	s29 =	simm.s32 $0x2;
	[sflag:s26] =	ssyncadd.s32 $0xFFFFFFB0  }
0x45: {  	[tilespmem:s28], [sflag:$0x9] =	stream.indirect.gather [hbm4b:s15+s21], $0x40, s9, s21, $0xb8;
	[tilespmem:$0x11280] =	vst v63  }
0x46: {  	_ =	swait.ge [sflag:s29], $0x50  }
0x47: {  	[sflag:s29] =	ssyncset.done $0x0  }
0x48: {  	[sflag:s29] =	ssyncadd.s32 $0xFFFFFFB0  }
0x49: {  	[tilespmem:s30], [sflag:$0xA] =	stream.indirect.gather [hbm4b:s15+s21], $0x40, s21, s21, $0xb8;
	[tilespmem:$0x11280] =	vst v63  }
0x4a: {  	_ =	swait.ge [sflag:s31], $0x1400  }
0x4b: {  	[sflag:s31] =	ssyncset.done $0x0  }
0x4c: {  	p1 =	por $0x0, $0x0;
	[sflag:s31] =	ssyncadd.s32 $0xFFFFEC00  }
0x4d: {  	p0 =	por @!p1 $0x1, $0x1;
	_ =	swait.ge [sflag:s0], $0x50  }
0x4e: {  	p0 =	por p0, p1;
	[sflag:s0] =	ssyncset.done $0x0  }
0x4f: {  	s1 =	simm.s32 @!p0 $0xF;
	[sflag:s0] =	ssyncadd.s32 $0xFFFFFFB0  }
0x50: {  	[spmem:s2] =	stream.indirect.scatter.add.f32 [tilespmem:s28], [sflag:$0xD], $0x40, s24, s21, $0xb8;
	[tilespmem:$0x11280] =	vst v63  }
0x51: {  	s5 =	sadd.s32 @!p1 $0x0, s18;
	_ =	swait.ge @!p0 [sflag:s1], $0x1400  }
0x52: {  	s5 =	sadd.s32 @!p1 $0x9C54, s5;
	s6 =	simm.s32 @!p1 $0x0;
	[sflag:s1] =	ssyncset.done @!p0 $0x0  }
0x53: {  	s7 =	simm.s32 @!p1 $0x1E0;
	[sflag:s1] =	ssyncadd.s32 @!p0 $0xFFFFEC00;
	s1 =	simm.s32 @!p1 $0x3  }
0x54: {  	[tilespmem:s7], [sflag:$0x7] =	stream.linear.gather @!p1 [hbm4b:s5+s6], $0x50, $0x38;
	[tilespmem:$0x11280] =	vst v63  }
0x55: {  	s10 =	simm.s32 @!p1 $0xA0;
	_ =	swait.ge @!p1 [sflag:s1], $0x50  }
0x56: {  	p0 =	por $0x0, $0x0;
	s5 =	simm.s32 @!p1 $0x2A80;
	[sflag:s1] =	ssyncset.done @!p1 $0x0  }
0x57: {  	s6 =	simm.s32 @!p1 $0x50;
	s8 =	sadd.s32 @!p0 $0x0, s18;
	[sflag:s1] =	ssyncadd.s32 @!p1 $0xFFFFFFB0  }
0x58: {  	[tilespmem:s5], [sflag:$0xB] =	stream.indirect.gather @!p1 [hbm4b:s15+s6], $0x40, s10, s6, $0xb8;
	[tilespmem:$0x11280] =	vst v63  }
0x59: {  	s1 =	simm.s32 @!p0 $0x0;
	s10 =	sadd.s32 @!p0 $0x28, s8  }
0x5a: {  	[tilespmem:s1], [sflag:$0x1] =	stream.linear.gather @!p0 [hbm4b:s10+s1], $0x50, $0x38;
	[tilespmem:$0x11280] =	vst v63  }
0x5b: {  	_ =	swait.ge [sflag:s22], $0x1400  }
0x5c: {  	[sflag:s22] =	ssyncset.done $0x0  }
0x5d: {  	p2 =	por $0x0, $0x0;
	[sflag:s22] =	ssyncadd.s32 $0xFFFFEC00  }
0x5e: {  	p3 =	por @!p2 $0x1, $0x1;
	_ =	swait.ge [sflag:s23], $0x50  }
0x5f: {  	p3 =	por p3, p2;
	[sflag:s23] =	ssyncset.done $0x0  }
0x60: {  	s10 =	simm.s32 @!p3 $0x10;
	[sflag:s23] =	ssyncadd.s32 $0xFFFFFFB0  }
0x61: {  	[spmem:s2] =	stream.indirect.scatter.add.f32 [tilespmem:s30], [sflag:$0xE], $0x40, s25, s21, $0xb8;
	[tilespmem:$0x11280] =	vst v63  }
0x62: {  	s11 =	sadd.s32 @!p2 $0x0, s18;
	_ =	swait.ge @!p3 [sflag:s10], $0x1400  }
0x63: {  	s11 =	sadd.s32 @!p2 $0x9C5E, s11;
	s12 =	simm.s32 @!p2 $0x230;
	[sflag:s10] =	ssyncset.done @!p3 $0x0  }
0x64: {  	s13 =	simm.s32 @!p2 $0x0;
	[sflag:s10] =	ssyncadd.s32 @!p3 $0xFFFFEC00;
	s10 =	simm.s32 @!p2 $0x4  }
0x65: {  	[tilespmem:s12], [sflag:$0x8] =	stream.linear.gather @!p2 [hbm4b:s11+s13], $0x50, $0x38;
	[tilespmem:$0x11280] =	vst v63  }
0x66: {  	_ =	swait.ge @!p2 [sflag:s10], $0x50  }
0x67: {  	s14 =	simm.s32 @!p2 $0xF0;
	[sflag:s10] =	ssyncset.done @!p2 $0x0  }
0x68: {  	s11 =	simm.s32 @!p2 $0x3E80;
	s13 =	simm.s32 @!p2 $0x50;
	[sflag:s10] =	ssyncadd.s32 @!p2 $0xFFFFFFB0  }
0x69: {  	[tilespmem:s11], [sflag:$0xC] =	stream.indirect.gather @!p2 [hbm4b:s15+s13], $0x40, s14, s13, $0xb8;
	[tilespmem:$0x11280] =	vst v63  }
0x6a: {  	s10 =	sadd.s32 @!p0 $0x32, s8;
	s14 =	simm.s32 @!p0 $0x50  }
0x6b: {  	[tilespmem:s14], [sflag:$0x2] =	stream.linear.gather @!p0 [hbm4b:s10+s1], $0x50, $0x38;
	[tilespmem:$0x11280] =	vst v63  }
0x6c: {  	s10 =	simm.s32 @!p1 $0xB  }
0x6d: {  	_ =	swait.ge @!p1 [sflag:s10], $0x1400  }
0x6e: {  	[sflag:s10] =	ssyncset.done @!p1 $0x0  }
0x6f: {  	[sflag:s10] =	ssyncadd.s32 @!p1 $0xFFFFEC00;
	s10 =	simm.s32 @!p1 $0x7  }
0x70: {  	_ =	swait.ge @!p1 [sflag:s10], $0x50  }
0x71: {  	[sflag:s10] =	ssyncset.done @!p1 $0x0  }
0x72: {  	[sflag:s10] =	ssyncadd.s32 @!p1 $0xFFFFFFB0  }
0x73: {  	[spmem:s2] =	stream.indirect.scatter.add.f32 @!p1 [tilespmem:s5], [sflag:$0xF], $0x40, s7, s6, $0xb8;
	[tilespmem:$0x11280] =	vst v63  }
0x74: {  	s5 =	simm.s32 @!p0 $0xD  }
0x75: {  	_ =	swait.ge @!p0 [sflag:s5], $0x1400  }
0x76: {  	s6 =	sadd.s32 @!p0 $0x9C68, s8;
	[sflag:s5] =	ssyncset.done @!p0 $0x0  }
0x77: {  	s7 =	simm.s32 @!p0 $0x140;
	[sflag:s5] =	ssyncadd.s32 @!p0 $0xFFFFEC00;
	s5 =	simm.s32 @!p0 $0x1  }
0x78: {  	[tilespmem:s7], [sflag:$0x5] =	stream.linear.gather @!p0 [hbm4b:s6+s1], $0x50, $0x38;
	[tilespmem:$0x11280] =	vst v63  }
0x79: {  	p1 =	por @!p0 $0x0, $0x0;
	_ =	swait.ge @!p0 [sflag:s5], $0x50  }
0x7a: {  	p3 =	por p1, p0;
	[sflag:s5] =	ssyncset.done @!p0 $0x0  }
0x7b: {  	s6 =	sadd.s32 @!p3 $0x0, s18;
	s7 =	simm.s32 @!p0 $0x280;
	[sflag:s5] =	ssyncadd.s32 @!p0 $0xFFFFFFB0  }
0x7c: {  	[tilespmem:s7], [sflag:$0x9] =	stream.indirect.gather @!p0 [hbm4b:s15+s14], $0x40, s1, s14, $0xb8;
	[tilespmem:$0x11280] =	vst v63  }
0x7d: {  	s5 =	sadd.s32 @!p3 $0x3C, s6;
	s6 =	simm.s32 @!p3 $0x0;
	s7 =	simm.s32 @!p3 $0xA0  }
0x7e: {  	[tilespmem:s7], [sflag:$0x3] =	stream.linear.gather @!p3 [hbm4b:s5+s6], $0x50, $0x38;
	[tilespmem:$0x11280] =	vst v63  }
0x7f: {  	s5 =	simm.s32 @!p2 $0xC  }
0x80: {  	_ =	swait.ge @!p2 [sflag:s5], $0x1400  }
0x81: {  	[sflag:s5] =	ssyncset.done @!p2 $0x0  }
0x82: {  	[sflag:s5] =	ssyncadd.s32 @!p2 $0xFFFFEC00;
	s5 =	simm.s32 @!p2 $0x8  }
0x83: {  	_ =	swait.ge @!p2 [sflag:s5], $0x50  }
0x84: {  	[sflag:s5] =	ssyncset.done @!p2 $0x0  }
0x85: {  	[sflag:s5] =	ssyncadd.s32 @!p2 $0xFFFFFFB0;
	s5 =	simm.s32 @!p0 $0xE  }
0x86: {  	[spmem:s2] =	stream.indirect.scatter.add.f32 @!p2 [tilespmem:s11], [sflag:$0x10], $0x40, s12, s13, $0xb8;
	[tilespmem:$0x11280] =	vst v63  }
0x87: {  	_ =	swait.ge @!p0 [sflag:s5], $0x1400  }
0x88: {  	p1 =	por !p1, p0;
	s6 =	sadd.s32 @!p0 $0x9C72, s8;
	[sflag:s5] =	ssyncset.done @!p0 $0x0  }
0x89: {  	s7 =	simm.s32 @!p0 $0x190;
	[sflag:s5] =	ssyncadd.s32 @!p0 $0xFFFFEC00;
	s5 =	simm.s32 @!p0 $0x2  }
0x8a: {  	[tilespmem:s7], [sflag:$0x6] =	stream.linear.gather @!p0 [hbm4b:s6+s1], $0x50, $0x38;
	[tilespmem:$0x11280] =	vst v63  }
0x8b: {  	p3 =	por @!p3 $0x1, $0x1;
	p2 =	por @!p0 $0x0, $0x0;
	_ =	swait.ge @!p0 [sflag:s5], $0x50  }
0x8c: {  	p6 =	por $0x0, $0x0;
	p3 =	por @!p1 p2, p2;
	[sflag:s5] =	ssyncset.done @!p0 $0x0  }
0x8d: {  	p6 =	por @!p0 p3, p3;
	s1 =	simm.s32 @!p0 $0x1680;
	[sflag:s5] =	ssyncadd.s32 @!p0 $0xFFFFFFB0  }
0x8e: {  	[tilespmem:s1], [sflag:$0xA] =	stream.indirect.gather @!p0 [hbm4b:s15+s14], $0x40, s14, s14, $0xb8;
	[tilespmem:$0x11280] =	vst v63  }
0x8f: {  	s10 =	simm.s32 $0x3;
	s11 =	simm.s32 $0x28;
	s1 =	sadd.s32 @p6 $0x0, s18  }
0x90: {  	s5 =	simm.s32 @p6 $0xF0;
	s17 =	sadd.s32 @p6 $0x46, s1;
	s1 =	simm.s32 @p6 $0x0  }
.LBB2_4:
0x91: {  	s14 =	smov.u32 s11;
	s11 =	sadd.s32 $0x28, s11  }
0x92: {  	[tilespmem:s5], [sflag:$0x4] =	stream.linear.gather @p6 [hbm4b:s17+s1], $0x50, $0x38;
	[tilespmem:$0x11280] =	vst v63  }
0x93: {  	p0 =	sne.s32 s11, $0x9D8  }
0x94: {  	s10 =	sadd.s32 $0x4, s10;
	_ =	swait.ge [sflag:s31], $0x1400;
	s1 =	simm.s32 @!p0 $0x0  }
0x95: {  	s26 =	sadd.s32 $0xFFFFFFFF, s10;
	[sflag:s31] =	ssyncset.done $0x0;
	s1 =	simm.s32 @p0 $0x1  }
0x96: {  	p3 =	sgt.u32 s26, $0xF9;
	[sflag:s31] =	ssyncadd.s32 $0xFFFFEC00;
	[smem:$0x7FD] =	sst s1  }
0x97: {  	s9 =	sadd.s32 $0x1, s9;
	p0 =	seq.s32 @!p3 s14, $0x0;
	_ =	swait.ge [sflag:s0], $0x50  }
0x98: {  	p1 =	seq.s32 s14, $0x9B0;
	p0 =	por p0, p3;
	[sflag:s0] =	ssyncset.done $0x0  }
0x99: {  	p4 =	sgt.u32 s10, $0xF9;
	s5 =	simm.s32 @!p0 $0xF;
	[sflag:s0] =	ssyncadd.s32 $0xFFFFFFB0  }
0x9a: {  	[spmem:s2] =	stream.indirect.scatter.add.f32 [tilespmem:s28], [sflag:$0xD], $0x40, s24, s21, $0xb8;
	[tilespmem:$0x11280] =	vst v63  }
0x9b: {  	s12 =	simm.s32 @!p1 $0x0;
	s6 =	simm.s32 @!p3 $0x0;
	_ =	swait.ge @!p0 [sflag:s5], $0x1400  }
0x9c: {  	s16 =	simm.s32 @!p3 $0x1E0;
	s1 =	sadd.s32 @!p3 s14, s18;
	[sflag:s5] =	ssyncset.done @!p0 $0x0  }
0x9d: {  	s1 =	sadd.s32 @!p3 $0x9C54, s1;
	[sflag:s5] =	ssyncadd.s32 @!p0 $0xFFFFEC00;
	s5 =	simm.s32 @!p3 $0x3  }
0x9e: {  	[tilespmem:s16], [sflag:$0x7] =	stream.linear.gather @!p3 [hbm4b:s1+s6], $0x50, $0x38;
	[tilespmem:$0x11280] =	vst v63  }
0x9f: {  	p6 =	sgt.u32 @!p1 s9, $0x3C;
	s26 =	simm.s32 @!p4 $0x230;
	_ =	swait.ge @!p3 [sflag:s5], $0x50  }
0xa0: {  	s8 =	simm.s32 @!p3 $0x2A80;
	s29 =	simm.s32 @!p3 $0x50;
	[sflag:s5] =	ssyncset.done @!p3 $0x0  }
0xa1: {  	s1 =	simm.s32 @!p3 $0xA0;
	[sflag:s5] =	ssyncadd.s32 @!p3 $0xFFFFFFB0;
	s5 =	sadd.s32 @!p1 s14, s18  }
0xa2: {  	[tilespmem:s8], [sflag:$0xB] =	stream.indirect.gather @!p3 [hbm4b:s15+s29], $0x40, s1, s29, $0xb8;
	[tilespmem:$0x11280] =	vst v63  }
0xa3: {  	s4 =	simm.s32 @!p4 $0x0;
	p2 =	por p6, p1;
	s6 =	sadd.s32 @!p1 $0x28, s5  }
0xa4: {  	[tilespmem:s12], [sflag:$0x1] =	stream.linear.gather @!p1 [hbm4b:s6+s12], $0x50, $0x38;
	[tilespmem:$0x11280] =	vst v63  }
0xa5: {  	p5 =	por @!p1 $0x0, $0x0;
	s3 =	simm.s32 @!p2 $0x0;
	_ =	swait.ge [sflag:s22], $0x1400  }
0xa6: {  	s19 =	simm.s32 @!p4 $0x4;
	s3 =	simm.s32 @p2 $0x1;
	[sflag:s22] =	ssyncset.done $0x0  }
0xa7: {  	p6 =	por !p6, p1;
	[smem:$0x7FC] =	sst s3;
	[sflag:s22] =	ssyncadd.s32 $0xFFFFEC00  }
0xa8: {  	s17 =	sadd.s32 @!p2 s14, s18;
	p0 =	seq.s32 @!p4 s14, $0x0;
	_ =	swait.ge [sflag:s23], $0x50  }
0xa9: {  	p2 =	por @!p2 $0x1, $0x1;
	p0 =	por p0, p4;
	[sflag:s23] =	ssyncset.done $0x0  }
0xaa: {  	p2 =	por @!p6 p5, p5;
	s6 =	simm.s32 @!p0 $0x10;
	[sflag:s23] =	ssyncadd.s32 $0xFFFFFFB0  }
0xab: {  	[spmem:s2] =	stream.indirect.scatter.add.f32 [tilespmem:s30], [sflag:$0xE], $0x40, s25, s21, $0xb8;
	[tilespmem:$0x11280] =	vst v63  }
0xac: {  	s7 =	sadd.s32 @!p1 $0x32, s5;
	s1 =	sadd.s32 @!p1 $0x9C68, s5;
	_ =	swait.ge @!p0 [sflag:s6], $0x1400  }
0xad: {  	s13 =	sadd.s32 @!p1 $0x9C72, s5;
	s5 =	sadd.s32 @!p4 s14, s18;
	[sflag:s6] =	ssyncset.done @!p0 $0x0  }
0xae: {  	p6 =	por $0x0, $0x0;
	s5 =	sadd.s32 @!p4 $0x9C5E, s5;
	[sflag:s6] =	ssyncadd.s32 @!p0 $0xFFFFEC00  }
0xaf: {  	[tilespmem:s26], [sflag:$0x8] =	stream.linear.gather @!p4 [hbm4b:s5+s4], $0x50, $0x38;
	[tilespmem:$0x11280] =	vst v63  }
0xb0: {  	p6 =	por @!p1 p2, p2;
	_ =	swait.ge @!p4 [sflag:s19], $0x50  }
0xb1: {  	s3 =	simm.s32 @!p4 $0xF0;
	s6 =	simm.s32 @!p4 $0x50;
	[sflag:s19] =	ssyncset.done @!p4 $0x0  }
0xb2: {  	s5 =	simm.s32 @!p4 $0x3E80;
	[sflag:s19] =	ssyncadd.s32 @!p4 $0xFFFFFFB0;
	s19 =	sld [smem:$0x7FC]  }
0xb3: {  	[tilespmem:s5], [sflag:$0xC] =	stream.indirect.gather @!p4 [hbm4b:s15+s6], $0x40, s3, s6, $0xb8;
	[tilespmem:$0x11280] =	vst v63  }
0xb4: {  	s4 =	sadd.s32 @p6 s14, s18;
	s14 =	simm.s32 @!p1 $0x50;
	s3 =	simm.s32 @!p3 $0xB  }
0xb5: {  	[tilespmem:s14], [sflag:$0x2] =	stream.linear.gather @!p1 [hbm4b:s7+s12], $0x50, $0x38;
	[tilespmem:$0x11280] =	vst v63  }
0xb6: {  	p0 =	seq.s32 s19, $0x1;
	_ =	swait.ge @!p3 [sflag:s3], $0x1400  }
0xb7: {  	s19 =	sadd.s32 @!p0 $0x3C, s17;
	[sflag:s3] =	ssyncset.done @!p3 $0x0  }
0xb8: {  	s17 =	sadd.s32 @p6 $0x46, s4;
	s4 =	simm.s32 @!p3 $0x7;
	[sflag:s3] =	ssyncadd.s32 @!p3 $0xFFFFEC00  }
0xb9: {  	_ =	swait.ge @!p3 [sflag:s4], $0x50  }
0xba: {  	[sflag:s4] =	ssyncset.done @!p3 $0x0  }
0xbb: {  	s3 =	simm.s32 @!p1 $0xD;
	[sflag:s4] =	ssyncadd.s32 @!p3 $0xFFFFFFB0  }
0xbc: {  	[spmem:s2] =	stream.indirect.scatter.add.f32 @!p3 [tilespmem:s8], [sflag:$0xF], $0x40, s16, s29, $0xb8;
	[tilespmem:$0x11280] =	vst v63  }
0xbd: {  	_ =	swait.ge @!p1 [sflag:s3], $0x1400  }
0xbe: {  	[sflag:s3] =	ssyncset.done @!p1 $0x0  }
0xbf: {  	s4 =	simm.s32 @!p1 $0x140;
	[sflag:s3] =	ssyncadd.s32 @!p1 $0xFFFFEC00;
	s3 =	simm.s32 @!p1 $0x1  }
0xc0: {  	[tilespmem:s4], [sflag:$0x5] =	stream.linear.gather @!p1 [hbm4b:s1+s12], $0x50, $0x38;
	[tilespmem:$0x11280] =	vst v63  }
0xc1: {  	_ =	swait.ge @!p1 [sflag:s3], $0x50  }
0xc2: {  	[sflag:s3] =	ssyncset.done @!p1 $0x0  }
0xc3: {  	s1 =	simm.s32 @!p1 $0x280;
	[sflag:s3] =	ssyncadd.s32 @!p1 $0xFFFFFFB0  }
0xc4: {  	[tilespmem:s1], [sflag:$0x9] =	stream.indirect.gather @!p1 [hbm4b:s15+s14], $0x40, s12, s14, $0xb8;
	[tilespmem:$0x11280] =	vst v63  }
0xc5: {  	s4 =	simm.s32 @!p0 $0xA0;
	s3 =	simm.s32 @!p0 $0x0;
	s1 =	simm.s32 @!p4 $0xC  }
0xc6: {  	[tilespmem:s4], [sflag:$0x3] =	stream.linear.gather @!p0 [hbm4b:s19+s3], $0x50, $0x38;
	[tilespmem:$0x11280] =	vst v63  }
0xc7: {  	_ =	swait.ge @!p4 [sflag:s1], $0x1400  }
0xc8: {  	[sflag:s1] =	ssyncset.done @!p4 $0x0  }
0xc9: {  	s3 =	simm.s32 @!p4 $0x8;
	[sflag:s1] =	ssyncadd.s32 @!p4 $0xFFFFEC00  }
0xca: {  	_ =	swait.ge @!p4 [sflag:s3], $0x50  }
0xcb: {  	[sflag:s3] =	ssyncset.done @!p4 $0x0  }
0xcc: {  	s1 =	simm.s32 @!p1 $0xE;
	[sflag:s3] =	ssyncadd.s32 @!p4 $0xFFFFFFB0  }
0xcd: {  	[spmem:s2] =	stream.indirect.scatter.add.f32 @!p4 [tilespmem:s5], [sflag:$0x10], $0x40, s26, s6, $0xb8;
	[tilespmem:$0x11280] =	vst v63  }
0xce: {  	_ =	swait.ge @!p1 [sflag:s1], $0x1400  }
0xcf: {  	[sflag:s1] =	ssyncset.done @!p1 $0x0  }
0xd0: {  	s3 =	simm.s32 @!p1 $0x190;
	[sflag:s1] =	ssyncadd.s32 @!p1 $0xFFFFEC00;
	s1 =	simm.s32 @!p1 $0x2  }
0xd1: {  	[tilespmem:s3], [sflag:$0x6] =	stream.linear.gather @!p1 [hbm4b:s13+s12], $0x50, $0x38;
	[tilespmem:$0x11280] =	vst v63  }
0xd2: {  	_ =	swait.ge @!p1 [sflag:s1], $0x50  }
0xd3: {  	s29 =	sld [smem:$0x7FD];
	_ =	sdelay $0x2  }
0xd4: {  	p0 =	seq.s32 s29, $0x1  }
.Ltmp1:
0xd5: {  	_ = 	snop;
	(pc) =	sbr.rel @p0 .LBB2_4-.Ltmp1, $4  }
0xd6: {  	_ = 	snop  }
0xd7: {  	s5 =	simm.s32 @p6 $0xF0;
	[sflag:s1] =	ssyncset.done @!p1 $0x0  }
0xd8: {  	s3 =	simm.s32 @!p1 $0x1680;
	[sflag:s1] =	ssyncadd.s32 @!p1 $0xFFFFFFB0;
	s1 =	simm.s32 @p6 $0x0  }
0xd9: {  	[tilespmem:s3], [sflag:$0xA] =	stream.indirect.gather @!p1 [hbm4b:s15+s14], $0x40, s14, s14, $0xb8;
	[tilespmem:$0x11280] =	vst v63  }
0xda: {  	[tilespmem:s5], [sflag:$0x4] =	stream.linear.gather @p6 [hbm4b:s17+s1], $0x50, $0x38;
	[tilespmem:$0x11280] =	vst v63  }
0xdb: {  	s13 =	simm.s32 $0xD  }
0xdc: {  	_ =	swait.ge [sflag:s13], $0x1400  }
0xdd: {  	[sflag:s13] =	ssyncset.done $0x0  }
0xde: {  	s14 =	simm.s32 $0xE;
	[sflag:s13] =	ssyncadd.s32 $0xFFFFEC00  }
0xdf: {  	_ =	swait.ge [sflag:s14], $0x1400  }
0xe0: {  	[sflag:s14] =	ssyncset.done $0x0  }
0xe1: {  	s16 =	simm.s32 $0xF;
	[sflag:s14] =	ssyncadd.s32 $0xFFFFEC00  }
0xe2: {  	_ =	swait.ge [sflag:s16], $0x1400  }
0xe3: {  	[sflag:s16] =	ssyncset.done $0x0  }
0xe4: {  	s17 =	simm.s32 $0x10;
	[sflag:s16] =	ssyncadd.s32 $0xFFFFEC00  }
0xe5: {  	_ =	swait.ge [sflag:s17], $0x1400  }
0xe6: {  	[sflag:s17] =	ssyncset.done $0x0  }
0xe7: {  	[sflag:s17] =	ssyncadd.s32 $0xFFFFEC00  }
0xe8: {  	s19 =	stileid.u32;
	[bflag:$0x0] =	sbarrier.arrive $0xFFFF  }
0xe9: {  	s1 =	sshll.u32 s19, $0x6;
	s4 =	rddreg [dreg:$0x4]  }
0xea: {  	s1 =	sor.u32 $0x1C11, s1;
	s26 =	rddreg [dreg:$0xf];
	s3 =	sshrl.u32 s4, $0x3  }
0xeb: {  	[hbm:s26], [sflag:s1] =	dma.local [spmem:s3], $0x1400  }
0xec: {  	_ =	swait.ge [sflag:s20], $0x1400  }
0xed: {  	s11 =	rddreg [dreg:$0x3]  }
0xee: {  	s29 =	rddreg [dreg:$0x10];
	s11 =	sadd.s32 $0x1, s11  }
0xef: {  	p0 =	sne.s32 s11, s29  }
.Ltmp2:
0xf0: {  	_ = 	snop;
	(pc) =	sbr.rel @p0 .LBB2_1-.Ltmp2, $3  }
0xf1: {  	_ =	sdelay $0x1  }
0xf2: {  	[sflag:s20] =	ssyncset.done $0x0  }
0xf3: {  	[sflag:s20] =	ssyncadd.s32 $0xFFFFEC00  }
0xf4: {  	_ =	sfence.sel $0x180000  }
0xf5: {  	[bflag:$0x0] =	sbarrier.arrive $0xFFFF  }
0xf6: {  	_ =	strace $0x9000004D  }
0xf7: {  	s0 =	stileid.u32;
	[bflag:$0x2] =	sbarrier.arrive $0xFFFF  }
0xf8: {  	p0 =	sne.s32 s0, $0x0;
	s0 =	rddreg [dreg:$0x2]  }
0xf9: {  	s0 =	sadd.s32 @!p0 $0x100000, s0  }
0xfa: {  	[sflag:s0] =	ssyncadd.tile.s32 @!p0 $0x1;
	_ =	shalt  }
.Lfunc_end2:
_tile_overlayer_lowered:
.L_overlay_start_2:
0xfb: {  	(tag) =	ssettag $0x2  }
0xfc: {  	s0 =	rddreg [dreg:$0x0];
	s2 =	stileid.u32  }
0xfd: {  	s1 =	rddreg [dreg:$0x1];
	p0 =	sne.s32 s2, $0x0  }
0xfe: {  	s3 =	rddreg [dreg:$0x2];
	[bflag:$0x3] =	sbarrier.arrive $0xFFFF;
	s2 =	simm.s32 @!p0 $0x1C11  }
0xff: {  	[timem:s3], [sflag:s2] =	dma.local @!p0 [hbm:s0], s1  }
0x100: {  	s0 =	simm.s32 @!p0 $0x11  }
0x101: {  	_ =	swait.ge @!p0 [sflag:s0], s1  }
0x102: {  	s1 =	ssub.s32 @!p0 $0x0, s1;
	[sflag:s0] =	ssyncset.done @!p0 $0x0  }
0x103: {  	[sflag:s0] =	ssyncadd.s32 @!p0 s1  }
0x104: {  	[bflag:$0x3] =	sbarrier.arrive $0xFFFF  }
0x105: {  	_ =	shalt  }

// kernel: kernel.8.cloned.1.call-start
scs
__scs_entry_jumppad:
0x0: {  	(pc) =	sbr.rel $0x88, $3  }
0x1: {  	(tag) =	ssettag $0x0;
	lr =	simm.s32 $0x1  }
0x2: {  	[smem:$0x3F95] =	sst lr;
	_ =	strace $0xD0000000  }
0x3: {  	_ = 	snop  }
0x4: {  	_ = 	snop  }
0x5: {  	_ = 	snop  }
0x6: {  	_ = 	snop  }
0x7: {  	_ = 	snop  }
__scs_overlays_trampoline_lowered:
0x8: {  	[smem:$0x3FA4] =	sst s0  }
0x9: {  	[smem:$0x3FA5] =	sst s1  }
0xa: {  	[smem:$0x3FA6] =	sst s2  }
0xb: {  	[smem:$0x3FA7] =	sst s3  }
0xc: {  	[smem:$0x3FA8] =	sst s4  }
0xd: {  	[smem:$0x3FA9] =	sst s5  }
0xe: {  	[smem:$0x3FAA] =	sst s6  }
0xf: {  	[smem:$0x3FAB] =	sst s7  }
0x10: {  	[smem:$0x3FAC] =	sst s8  }
0x11: {  	[smem:$0x3FAD] =	sst s9;
	s0 =	simm.s32 @!p0 $0x0  }
0x12: {  	s1 =	sld [smem:$0x3F93];
	s0 =	simm.s32 @p0 $0x1  }
0x13: {  	[smem:$0x3FAE] =	sst s0;
	s0 =	simm.s32 @!p1 $0x0  }
0x14: {  	s2 =	sld [smem:$0x3F92];
	s0 =	simm.s32 @p1 $0x1  }
0x15: {  	[smem:$0x3FAF] =	sst s0;
	s0 =	simm.s32 @!p2 $0x0  }
0x16: {  	s3 =	sld [smem:$0x3FDB];
	s0 =	simm.s32 @p2 $0x1  }
0x17: {  	s4 =	simm.s32 $0x1BF5;
	[smem:$0x3FB1] =	sst s0  }
0x18: {  	s0 =	sld [smem:$0x3F94];
	_ =	swait.ge [sflag:s4], $0x0  }
0x19: {  	s7 =	sld [smem:$0x3F95]  }
0x1a: {  	s8 =	sadd.s32 $0xFFFFE003, lr  }
0x1b: {  	s9 =	sadd.s32 $0xFFFFFEF7, lr;
	s5 =	simm.s32 $0xFFFFFFFF;
	p2 =	slt.u32 s8, $0xFFFFF086  }
0x1c: {  	p1 =	slt.u32 s9, $0xF7A;
	s5 =	simm.s32 @!p2 $0x0  }
0x1d: {  	s5 =	simm.s32 @p1 $0x1;
	p0 =	seq.s32 s7, s2  }
0x1e: {  	s7 =	smul.u32 @!p0 $0xF7A, s2;
	p2 =	seq.s32 @!p0 s5, $0x0  }
0x1f: {  	s9 =	smul.u32 $0xF7A, s1;
	s8 =	simm.s32 @!p0 $0x1BF5;
	p2 =	por !p2, p0  }
0x20: {  	[sflag:s8] =	ssyncset.s32 @!p0 $0xFFFFF086;
	s6 =	sadd.s32 @!p0 s3, s7;
	s7 =	simm.s32 @!p0 $0x108  }
0x21: {  	s3 =	sadd.s32 s3, s9;
	s6 =	sadd.s32 @!p0 $0x88, s6;
	s7 =	simm.s32 @p2 $0x1082  }
0x22: {  	[simem:s7], [sflag:s8] =	dma.local @!p0 [hbm:s6], $0xF7A  }
0x23: {  	s9 =	sor.u32 $0xD0000000, s2;
	s6 =	simm.s32 $0x108;
	_ =	swait.ge @!p0 [sflag:s8], $0x0  }
0x24: {  	s3 =	sadd.s32 $0x88, s3;
	s6 =	simm.s32 @!p1 $0x1082;
	[sflag:s4] =	ssyncset.s32 $0xFFFFF086  }
0x25: {  	[simem:s6], [sflag:s4] =	dma.local [hbm:s3], $0xF7A  }
0x26: {  	[smem:$0x3F95] =	sst s1;
	(tag) =	ssettag s2;
	_ =	strace s9  }
0x27: {  	s1 =	sld [smem:$0x3FA5]  }
0x28: {  	s2 =	sld [smem:$0x3FA6]  }
0x29: {  	s4 =	sld [smem:$0x3FA8]  }
0x2a: {  	p0 =	seq.s32 s5, $0x0;
	s5 =	sld [smem:$0x3FA9]  }
0x2b: {  	s6 =	sld [smem:$0x3FAA]  }
0x2c: {  	s7 =	sld [smem:$0x3FAB]  }
0x2d: {  	s3 =	simm.s32 $0x108;
	s8 =	sld [smem:$0x3FAC]  }
0x2e: {  	s3 =	simm.s32 @!p0 $0x1082;
	s9 =	sld [smem:$0x3FAD]  }
0x2f: {  	lr =	sadd.s32 s0, s3;
	s0 =	sld [smem:$0x3FA4]  }
0x30: {  	s3 =	sld [smem:$0x3FA7]  }
0x31: {  	[smem:$0x3FB0] =	sst s10  }
0x32: {  	s10 =	sld [smem:$0x3FAE];
	_ =	sdelay $0x3  }
0x33: {  	p0 =	seq.s32 s10, $0x1;
	s10 =	sld [smem:$0x3FB0];
	_ =	sdelay $0x3  }
0x34: {  	[smem:$0x3FB0] =	sst s10  }
0x35: {  	s10 =	sld [smem:$0x3FAF];
	_ =	sdelay $0x3  }
0x36: {  	p1 =	seq.s32 s10, $0x1;
	s10 =	sld [smem:$0x3FB0];
	_ =	sdelay $0x3  }
0x37: {  	[smem:$0x3FB0] =	sst s10  }
0x38: {  	s10 =	sld [smem:$0x3FB1]  }
0x39: {  	_ = 	snop;
	(pc) =	sbr.ind lr, $3  }
0x3a: {  	_ = 	snop  }
0x3b: {  	_ = 	snop  }
0x3c: {  	p2 =	seq.s32 s10, $0x1;
	s10 =	sld [smem:$0x3FB0]  }
0x3d: {  	_ =	shalt  }
0x3e: {  	_ =	shalt  }
0x3f: {  	_ =	shalt  }
0x40: {  	_ =	shalt  }
0x41: {  	_ =	shalt  }
0x42: {  	_ =	shalt  }
0x43: {  	_ =	shalt  }
0x44: {  	_ =	shalt  }
0x45: {  	_ =	shalt  }
0x46: {  	_ =	shalt  }
0x47: {  	_ =	shalt  }
0x48: {  	_ =	shalt  }
0x49: {  	_ =	shalt  }
0x4a: {  	_ =	shalt  }
0x4b: {  	_ =	shalt  }
0x4c: {  	_ =	shalt  }
0x4d: {  	_ =	shalt  }
0x4e: {  	_ =	shalt  }
0x4f: {  	_ =	shalt  }
0x50: {  	_ =	shalt  }
0x51: {  	_ =	shalt  }
0x52: {  	_ =	shalt  }
0x53: {  	_ =	shalt  }
0x54: {  	_ =	shalt  }
0x55: {  	_ =	shalt  }
0x56: {  	_ =	shalt  }
0x57: {  	_ =	shalt  }
0x58: {  	_ =	shalt  }
0x59: {  	_ =	shalt  }
0x5a: {  	_ =	shalt  }
0x5b: {  	_ =	shalt  }
0x5c: {  	_ =	shalt  }
0x5d: {  	_ =	shalt  }
0x5e: {  	_ =	shalt  }
0x5f: {  	_ =	shalt  }
0x60: {  	_ =	shalt  }
0x61: {  	_ =	shalt  }
0x62: {  	_ =	shalt  }
0x63: {  	_ =	shalt  }
0x64: {  	_ =	shalt  }
0x65: {  	_ =	shalt  }
0x66: {  	_ =	shalt  }
0x67: {  	_ =	shalt  }
0x68: {  	_ =	shalt  }
0x69: {  	_ =	shalt  }
0x6a: {  	_ =	shalt  }
0x6b: {  	_ =	shalt  }
0x6c: {  	_ =	shalt  }
0x6d: {  	_ =	shalt  }
0x6e: {  	_ =	shalt  }
0x6f: {  	_ =	shalt  }
0x70: {  	_ =	shalt  }
0x71: {  	_ =	shalt  }
0x72: {  	_ =	shalt  }
0x73: {  	_ =	shalt  }
0x74: {  	_ =	shalt  }
0x75: {  	_ =	shalt  }
0x76: {  	_ =	shalt  }
0x77: {  	_ =	shalt  }
0x78: {  	_ =	shalt  }
0x79: {  	_ =	shalt  }
0x7a: {  	_ =	shalt  }
0x7b: {  	_ =	shalt  }
0x7c: {  	_ =	shalt  }
0x7d: {  	_ =	shalt  }
0x7e: {  	_ =	shalt  }
0x7f: {  	_ =	shalt  }
0x80: {  	_ =	shalt  }
0x81: {  	_ =	shalt  }
0x82: {  	_ =	shalt  }
0x83: {  	_ =	shalt  }
0x84: {  	_ =	shalt  }
0x85: {  	_ =	shalt  }
0x86: {  	_ =	shalt  }
0x87: {  	_ =	shalt  }
.Lfunc_end0:
.L_simem_size_0:
called_computation_lowered:
.L_overlay_start_0:
0x88: {  	s2 =	sld [smem:$0x3FD9]  }
0x89: {  	s3 =	sld [smem:$0x3FFE];
	_ =	sdelay $0x1  }
0x8a: {  	s1 =	srdreg.scid  }
0x8b: {  	s0 =	sand.u32 $0x1, s1  }
0x8c: {  	s17 =	sshll.u32 s0, $0xA;
	s2 =	sadd.s32 s3, s2  }
0x8d: {  	s2 =	sadd.s32 s2, s17  }
0x8e: {  	[smem:$0x3FBC] =	sst s2  }
0x8f: {  	_ = 	snop  }
0x90: {  	s2 =	sld [smem:$0x3FD0];
	(tm) =	ssettm $0x1  }
0x91: {  	s18 =	sld [smem:$0x3FFB];
	_ =	sdelay $0x3  }
0x92: {  	_ =	strace s18  }
0x93: {  	s3 =	sld [smem:$0x3FFC];
	_ =	sdelay $0x3  }
0x94: {  	_ =	strace s3  }
0x95: {  	s3 =	sld [smem:$0x3FFD];
	_ =	sdelay $0x3  }
0x96: {  	_ =	strace s3  }
0x97: {  	_ =	strace $0x8FFFFFFF  }
0x98: {  	s19 =	sld [smem:$0x3FDB];
	_ =	sdelay $0x1  }
0x99: {  	s4 =	simm.s32 $_scs_section_size  }
0x9a: {  	s5 =	simm.s32 $_size__tile_overlayer_lowered;
	s6 =	simm.s32 $_tile_overlayer_lowered  }
0x9b: {  	s22 =	simm.s32 $0x1BFF;
	s21 =	sshll.u32 s6, $0x1;
	s3 =	sadd.s32 s4, s19  }
0x9c: {  	s7 =	simm.s32 $0x0;
	s20 =	sshll.u32 s5, $0x1;
	s5 =	sadd.s32 s21, s3  }
0x9d: {  	[timem:s7], [sflag:s22] =	dma.local [hbm:s5], s20  }
0x9e: {  	_ =	swait.ge [sflag:s22], s20  }
0x9f: {  	s4 =	ssub.s32 $0x0, s20;
	[sflag:s22] =	ssyncset.done $0x0  }
0xa0: {  	[sflag:s22] =	ssyncadd.s32 s4;
	_ =	sdelay $0x1  }
0xa1: {  	s23 =	simm.s32 $0x1B8B  }
0xa2: {  	_ =	swait.ge [sflag:s23], $0x1  }
0xa3: {  	[sflag:s23] =	ssyncset.done $0x0  }
0xa4: {  	s25 =	simm.s32 $0x1B8E;
	s24 =	sld [smem:$0x3FFE];
	[sflag:s23] =	ssyncadd.s32 $0xFFFFFFFF  }
0xa5: {  	s26 =	simm.s32 $execute0_lowered;
	[smem:$0x3FD2] =	sst s25  }
0xa6: {  	s5 =	sshll.u32 s26, $0x1;
	_ =	strace $0x80000046;
	[dreg:$0x1] =	wrdreg $0xFFFFFFFF  }
0xa7: {  	s28 =	simm.s32 $_size_execute0_lowered;
	s3 =	sadd.s32 s3, s5;
	[dreg:$0x0] =	wrdreg $0x0  }
0xa8: {  	s5 =	sshll.u32 s28, $0x1;
	[dreg:$0x2] =	wrdreg s3  }
0xa9: {  	[dreg:$0x3] =	wrdreg s5  }
0xaa: {  	[dreg:$0x4] =	wrdreg $0xC0  }
0xab: {  	_ =	task [dreg:s7], $0x5FFFF  }
0xac: {  	[dreg:$0x1] =	wrdreg $0xFFFFFFFF  }
0xad: {  	[dreg:$0x0] =	wrdreg $0x60  }
0xae: {  	[dreg:$0x2] =	wrdreg s24  }
0xaf: {  	[dreg:$0x3] =	wrdreg s2  }
0xb0: {  	[dreg:$0x4] =	wrdreg $0x50500  }
0xb1: {  	[dreg:$0x5] =	wrdreg $0x9  }
0xb2: {  	_ =	task.clear_ibuf [dreg:s7], $0x6FFFF;
	_ =	strace $0x90000046  }
0xb3: {  	s29 =	simm.s32 $0x9;
	_ =	strace $0x80000048  }
0xb4: {  	_ =	swait.ge [sflag:s29], $0x1  }
0xb5: {  	[sflag:s29] =	ssyncadd.s32 $0xFFFFFFFF  }
0xb6: {  	_ =	strace $0x90000048  }
0xb7: {  	_ =	sfence  }
0xb8: {  	s30 =	sld [smem:$0x0];
	_ =	sdelay $0x2  }
0xb9: {  	s31 =	sshll.u32 s1, $0xD;
	s1 =	sshrl.u32 s1, $0x2  }
0xba: {  	s3 =	sand.u32 $0x4000, s31;
	s1 =	sadd.s32 s1, s30  }
0xbb: {  	s0 =	sor.u32 s3, s0;
	s1 =	sshll.u32 s1, $0x11  }
0xbc: {  	s0 =	sor.u32 s1, s0  }
0xbd: {  	s0 =	sadd.s32 $0x8F2B, s0  }
0xbe: {  	[sflag:s0] =	ssyncadd.remote.s32 $0x1  }
0xbf: {  	_ =	sfence.sel $0xFFFF  }
0xc0: {  	[dreg:$0x0] =	wrdreg $0xFFFFFFFF;
	(pc) =	sbr.abs _section_cstart, $3  }
0xc1: {  	[dreg:$0x1] =	wrdreg $0xFFFFFFFF  }
0xc2: {  	_ =	task.clear_ibuf [dreg:s7], $0x2FFFF;
	_ =	strace $0x9FFFFFFF  }
0xc3: {  	(tm) =	ssettm $0x7FFFFFFF  }
tec
execute0_lowered:
.L_overlay_start_1:
0x0: {  	(tag) =	ssettag $0x1  }
0x1: {  	s4 =	rddreg [dreg:$0x0]  }
0x2: {  	s6 =	rddreg [dreg:$0x1];
	s0 =	srdreg.scid  }
0x3: {  	s2 =	rddreg [dreg:$0x2];
	s1 =	stileid.u32  }
0x4: {  	s3 =	simm.s32 $0x0;
	s14 =	simm.s32 $0x2828;
	s15 =	simm.s32 $0x1  }
0x5: {  	s16 =	simm.s32 $0x28;
	s17 =	simm.s32 $0x2;
	s20 =	simm.s32 $0x0  }
0x6: {  	s5 =	sand.u32 $0x1, s0;
	s0 =	rddreg [dreg:$0x3];
	s8 =	smul.u32 $0x2800, s1  }
0x7: {  	[smem:$0x7FF] =	sst s3;
	s12 =	sadd.s32 $0x3200, s4;
	s13 =	smul.u32 $0x2710, s1  }
0x8: {  	s18 =	sshll.u32 s1, $0x6;
	s7 =	sshll.u32 s5, $0x4;
	s11 =	smul.u32 $0x28000, s5  }
0x9: {  	s9 =	ssub.s32 $0x2, s5;
	_ =	strace $0x80000047;
	s23 =	smul.u32 $0x27100, s5  }
0xa: {  	s18 =	sor.u32 $0x1C03, s18;
	s7 =	sor.u32 s1, s7;
	s22 =	sshrl.u32 s9, $0x1  }
0xb: {  	s4 =	sadd.s32 s8, s2;
	s10 =	smul.u32 $0x2710, s7;
	s7 =	ssub.s32 s9, s22  }
0xc: {  	s11 =	sadd.s32 s8, s11;
	s26 =	sadd.s32 s13, s23;
	s13 =	simm.s32 $0x2800  }
0xd: {  	s19 =	sshrl.u32 s4, $0x3;
	s25 =	sshrl.u32 s11, $0x3;
	s7 =	smax.u32 s7, $0x1  }
0xe: {  	s29 =	sadd.s32 $0x4E250, s26;
	s30 =	sadd.s32 $0x4E228, s26;
	s11 =	simm.s32 $0x2850  }
0xf: {  	s24 =	sshrl.u32 s10, $0x3;
	s6 =	sadd.s32 s6, s25;
	s28 =	sadd.s32 $0x508E8, s10  }
0x10: {  	s10 =	sshrl.u32 s29, $0x3;
	s5 =	sadd.s32 s12, s24;
	s9 =	sshrl.u32 s28, $0x3  }
0x11: {  	s31 =	sshrl.u32 s30, $0x3;
	s5 =	sadd.s32 $0x9C40, s5;
	s8 =	sadd.s32 s12, s9  }
0x12: {  	v0 =	vimm.f32 $1.000000000e+00;
	v1 =	vimm.f32 $0.0e+00;
	s9 =	sadd.s32 s10, s12;
	s10 =	sadd.s32 s31, s12;
	s12 =	simm.s32 $0x3  }
.LBB2_1:
0x13: {  	s21 =	simm.s32 $0x40;
	s22 =	simm.s32 $0x0  }
.LBB2_2:
0x14: {  	p0 =	sne.s32 s21, $0x9FC0;
	[tilespmem:s22+$0x0] =	vst v0;
	s23 =	smov.u32 s21;
	s21 =	sadd.s32 $0x40, s21  }
.Ltmp0:
0x15: {  	[tilespmem:s22+$0x2850] =	vst v1;
	(pc) =	sbr.rel @p0 .LBB2_2-.Ltmp0, $2  }
0x16: {  	_ =	sdelay $0x2  }
0x17: {  	s22 =	sshra.s32 s23, $0x2  }
0x18: {  	[tilespmem:s22+$0x0] =	vst v0  }
0x19: {  	[tilespmem:s22+$0x2850] =	vst v1  }
0x1a: {  	[spmem:s4] =	stream.linear.scatter [tilespmem:s11], [sflag:$0x3], $0x2800, $0x38;
	[tilespmem:$0x7850] =	vst v63  }
0x1b: {  	_ =	swait.ge [sflag:s12], $0x2800  }
0x1c: {  	[sflag:s12] =	ssyncset.done $0x0  }
0x1d: {  	[sflag:s12] =	ssyncadd.s32 $0xFFFFD800  }
0x1e: {  	s21 =	simm.s32 $0x0;
	[bflag:$0x0] =	sbarrier.arrive $0xFFFF  }
0x1f: {  	[tilespmem:s13], [sflag:$0x1] =	stream.linear.gather [hbm4b:s5+s21], $0x28, $0x38;
	[tilespmem:$0x7850] =	vst v63  }
0x20: {  	s30 =	sadd.s32 $0x0, s10  }
0x21: {  	[tilespmem:s14], [sflag:$0x2] =	stream.linear.gather [hbm4b:s30+s3], $0x28, $0x38;
	[tilespmem:$0x7850] =	vst v63  }
0x22: {  	_ =	swait.ge [sflag:s15], $0x28  }
0x23: {  	[sflag:s15] =	ssyncset.done $0x0  }
0x24: {  	[sflag:s15] =	ssyncadd.s32 $0xFFFFFFD8  }
0x25: {  	[spmem:s2] =	stream.indirect.scatter.add.f32 [tilespmem:s3], [sflag:$0x3], $0x10, s13, s16, $0xb8;
	[tilespmem:$0x7850] =	vst v63  }
0x26: {  	_ =	swait.ge [sflag:s12], $0x280  }
0x27: {  	[sflag:s12] =	ssyncset.done $0x0  }
0x28: {  	s31 =	sadd.s32 $0x0, s9;
	[sflag:s12] =	ssyncadd.s32 $0xFFFFFD80  }
0x29: {  	[tilespmem:s13], [sflag:$0x1] =	stream.linear.gather [hbm4b:s31+s3], $0x28, $0x38;
	[tilespmem:$0x7850] =	vst v63  }
0x2a: {  	_ =	swait.ge [sflag:s17], $0x28  }
0x2b: {  	[sflag:s17] =	ssyncset.done $0x0  }
0x2c: {  	[sflag:s17] =	ssyncadd.s32 $0xFFFFFFD8  }
0x2d: {  	[spmem:s2] =	stream.indirect.scatter.add.f32 [tilespmem:s3], [sflag:$0x3], $0x10, s14, s16, $0xb8;
	[tilespmem:$0x7850] =	vst v63  }
0x2e: {  	_ =	swait.ge [sflag:s12], $0x280  }
0x2f: {  	s22 =	simm.s32 $0x14;
	s21 =	simm.s32 $0xA;
	[sflag:s12] =	ssyncset.done $0x0  }
.LBB2_4:
0x30: {  	s23 =	sadd.s32 s21, s10  }
0x31: {  	[sflag:s12] =	ssyncadd.s32 $0xFFFFFD80;
	s24 =	smov.u32 s22;
	s25 =	sadd.s32 $0xA, s22  }
0x32: {  	[tilespmem:s14], [sflag:$0x2] =	stream.linear.gather [hbm4b:s23+s3], $0x28, $0x38;
	[tilespmem:$0x7850] =	vst v63  }
0x33: {  	p0 =	sne.s32 s22, $0x4CE;
	_ =	swait.ge [sflag:s15], $0x28  }
0x34: {  	[sflag:s15] =	ssyncset.done $0x0  }
0x35: {  	[sflag:s15] =	ssyncadd.s32 $0xFFFFFFD8  }
0x36: {  	[spmem:s2] =	stream.indirect.scatter.add.f32 [tilespmem:s3], [sflag:$0x3], $0x10, s13, s16, $0xb8;
	[tilespmem:$0x7850] =	vst v63  }
0x37: {  	_ =	swait.ge [sflag:s12], $0x280  }
0x38: {  	[sflag:s12] =	ssyncset.done $0x0  }
0x39: {  	s22 =	sadd.s32 s21, s9;
	s21 =	smov.u32 s24;
	[sflag:s12] =	ssyncadd.s32 $0xFFFFFD80  }
0x3a: {  	[tilespmem:s13], [sflag:$0x1] =	stream.linear.gather [hbm4b:s22+s3], $0x28, $0x38;
	[tilespmem:$0x7850] =	vst v63  }
0x3b: {  	_ =	swait.ge [sflag:s17], $0x28  }
.Ltmp1:
0x3c: {  	[sflag:s17] =	ssyncset.done $0x0;
	(pc) =	sbr.rel @p0 .LBB2_4-.Ltmp1, $4  }
0x3d: {  	[sflag:s17] =	ssyncadd.s32 $0xFFFFFFD8  }
0x3e: {  	[spmem:s2] =	stream.indirect.scatter.add.f32 [tilespmem:s3], [sflag:$0x3], $0x10, s14, s16, $0xb8;
	[tilespmem:$0x7850] =	vst v63  }
0x3f: {  	_ =	swait.ge [sflag:s12], $0x280  }
0x40: {  	s22 =	smov.u32 s25;
	[sflag:s12] =	ssyncset.done $0x0  }
0x41: {  	s22 =	sadd.s32 s21, s10;
	[sflag:s12] =	ssyncadd.s32 $0xFFFFFD80  }
0x42: {  	[tilespmem:s14], [sflag:$0x2] =	stream.linear.gather [hbm4b:s22+s3], $0x28, $0x38;
	[tilespmem:$0x7850] =	vst v63  }
0x43: {  	_ =	swait.ge [sflag:s15], $0x28  }
0x44: {  	[sflag:s15] =	ssyncset.done $0x0  }
0x45: {  	[sflag:s15] =	ssyncadd.s32 $0xFFFFFFD8  }
0x46: {  	[spmem:s2] =	stream.indirect.scatter.add.f32 [tilespmem:s3], [sflag:$0x3], $0x10, s13, s16, $0xb8;
	[tilespmem:$0x7850] =	vst v63  }
0x47: {  	_ =	swait.ge [sflag:s12], $0x280  }
0x48: {  	[sflag:s12] =	ssyncset.done $0x0  }
0x49: {  	s31 =	sadd.s32 s21, s9;
	[sflag:s12] =	ssyncadd.s32 $0xFFFFFD80  }
0x4a: {  	[tilespmem:s13], [sflag:$0x1] =	stream.linear.gather [hbm4b:s31+s3], $0x28, $0x38;
	[tilespmem:$0x7850] =	vst v63  }
0x4b: {  	_ =	swait.ge [sflag:s17], $0x28  }
0x4c: {  	[sflag:s17] =	ssyncset.done $0x0  }
0x4d: {  	[sflag:s17] =	ssyncadd.s32 $0xFFFFFFD8  }
0x4e: {  	[spmem:s2] =	stream.indirect.scatter.add.f32 [tilespmem:s3], [sflag:$0x3], $0x10, s14, s16, $0xb8;
	[tilespmem:$0x7850] =	vst v63  }
0x4f: {  	_ =	swait.ge [sflag:s12], $0x280  }
0x50: {  	[sflag:s12] =	ssyncset.done $0x0  }
0x51: {  	[sflag:s12] =	ssyncadd.s32 $0xFFFFFD80  }
0x52: {  	[tilespmem:s14], [sflag:$0x2] =	stream.linear.gather [hbm4b:s8+s3], $0x28, $0x38;
	[tilespmem:$0x7850] =	vst v63  }
0x53: {  	_ =	swait.ge [sflag:s15], $0x28  }
0x54: {  	[sflag:s15] =	ssyncset.done $0x0  }
0x55: {  	[sflag:s15] =	ssyncadd.s32 $0xFFFFFFD8  }
0x56: {  	[spmem:s2] =	stream.indirect.scatter.add.f32 [tilespmem:s3], [sflag:$0x3], $0x10, s13, s16, $0xb8;
	[tilespmem:$0x7850] =	vst v63  }
0x57: {  	_ =	swait.ge [sflag:s12], $0x280  }
0x58: {  	[sflag:s12] =	ssyncset.done $0x0  }
0x59: {  	[sflag:s12] =	ssyncadd.s32 $0xFFFFFD80  }
0x5a: {  	_ =	swait.ge [sflag:s17], $0x28  }
0x5b: {  	[sflag:s17] =	ssyncset.done $0x0  }
0x5c: {  	[sflag:s17] =	ssyncadd.s32 $0xFFFFFFD8  }
0x5d: {  	[spmem:s2] =	stream.indirect.scatter.add.f32 [tilespmem:s3], [sflag:$0x3], $0x10, s14, s16, $0xb8;
	[tilespmem:$0x7850] =	vst v63  }
0x5e: {  	_ =	swait.ge [sflag:s12], $0x280  }
0x5f: {  	s20 =	sadd.s32 $0x1, s20;
	[sflag:s12] =	ssyncset.done $0x0  }
0x60: {  	p0 =	sne.s32 s20, s7;
	[sflag:s12] =	ssyncadd.s32 $0xFFFFFD80  }
.Ltmp2:
0x61: {  	[bflag:$0x0] =	sbarrier.arrive $0xFFFF;
	(pc) =	sbr.rel @p0 .LBB2_1-.Ltmp2, $4  }
0x62: {  	[hbm:s6], [sflag:s18] =	dma.local [spmem:s19], $0x500  }
0x63: {  	_ =	swait.ge [sflag:s12], $0x500  }
0x64: {  	[sflag:s12] =	ssyncset.done $0x0  }
0x65: {  	[sflag:s12] =	ssyncadd.s32 $0xFFFFFB00  }
0x66: {  	_ =	sfence.sel $0x180000  }
0x67: {  	[bflag:$0x0] =	sbarrier.arrive $0xFFFF  }
0x68: {  	p0 =	sne.s32 s1, $0x0;
	_ =	strace $0x90000047  }
0x69: {  	s0 =	sadd.s32 @!p0 $0x100000, s0;
	[bflag:$0x2] =	sbarrier.arrive $0xFFFF  }
0x6a: {  	[sflag:s0] =	ssyncadd.tile.s32 @!p0 $0x1;
	_ =	shalt  }
.Lfunc_end2:
_tile_overlayer_lowered:
.L_overlay_start_2:
0x6b: {  	(tag) =	ssettag $0x2  }
0x6c: {  	s0 =	rddreg [dreg:$0x0];
	s2 =	stileid.u32  }
0x6d: {  	s1 =	rddreg [dreg:$0x1];
	p0 =	sne.s32 s2, $0x0  }
0x6e: {  	s3 =	rddreg [dreg:$0x2];
	[bflag:$0x3] =	sbarrier.arrive $0xFFFF;
	s2 =	simm.s32 @!p0 $0x1C03  }
0x6f: {  	[timem:s3], [sflag:s2] =	dma.local @!p0 [hbm:s0], s1  }
0x70: {  	s0 =	simm.s32 @!p0 $0x3  }
0x71: {  	_ =	swait.ge @!p0 [sflag:s0], s1  }
0x72: {  	s1 =	ssub.s32 @!p0 $0x0, s1;
	[sflag:s0] =	ssyncset.done @!p0 $0x0  }
0x73: {  	[sflag:s0] =	ssyncadd.s32 @!p0 s1  }
0x74: {  	[bflag:$0x3] =	sbarrier.arrive $0xFFFF  }
0x75: {  	_ =	shalt  }

</sc_bundles>
